<compile_context>
chip_gen: v7x
topology: tpu7x:2x2x1
jax: 0.10.2.dev20260603
libtpu: 0.0.44.dev20260713+nightly
codegen_flags: <defaults>
</compile_context>

<pallas_src>
import dataclasses
import functools

import jax
import jax.numpy as jnp
from jax import lax
from jax.experimental import pallas as pl
from jax.experimental.pallas import tpu as pltpu
from jax.experimental.pallas import tpu_sc as plsc

_N = 10000
_E = 160000
_D = 256
_ROWS = 1000
_NBLK = _N // _ROWS
_ECH = 2000
_NECH = _E // _ECH

_NW = 32
_RPT = 320
_NPAD = _NW * _RPT
_CAP = 512
_NGB = _CAP // 128
_SECH = 8000
_GRP = _SECH // 16
_NBATCH = 336
_ESLOT = _NBATCH * _CAP
_DW = _D // 2


def _linear(x, w, b, relu, out_dtype=jnp.float32):
    def body(x_ref, w_ref, b_ref, o_ref):
        y = jnp.dot(x_ref[...], w_ref[...],
                    preferred_element_type=jnp.float32) + b_ref[...]
        if relu:
            y = jnp.maximum(y, 0.0)
        o_ref[...] = y.astype(out_dtype)

    return pl.pallas_call(
        body,
        grid=(_NBLK,),
        in_specs=[
            pl.BlockSpec((_ROWS, _D), lambda i: (i, 0)),
            pl.BlockSpec((_D, _D), lambda i: (0, 0)),
            pl.BlockSpec((1, _D), lambda i: (0, 0)),
        ],
        out_specs=pl.BlockSpec((_ROWS, _D), lambda i: (i, 0)),
        out_shape=jax.ShapeDtypeStruct((_N, _D), out_dtype),
    )(x, w, b.reshape(1, _D))


def _zero_agg(aggbuf):
    zf = jnp.zeros((16,), jnp.int32)

    @pl.loop(0, _RPT + 1)
    def _(r):
        for c in range(0, _DW, 16):
            aggbuf[r, pl.ds(c, 16)] = zf


def _accum_rows(aggbuf, rowbuf, bdst):
    lane = lax.iota(jnp.int32, 16)

    @pl.loop(0, _CAP // 16)
    def _(g):
        dgrp = bdst[pl.ds(g * 16, 16)]

        @pl.loop(0, 16)
        def _(l):
            d = jnp.max(jnp.where(lane == l, dgrp, 0))
            i = g * 16 + l
            for c in range(0, _DW, 16):
                a = plsc.bitcast(aggbuf[d, pl.ds(c, 16)], jnp.bfloat16)
                v = plsc.bitcast(rowbuf[i, pl.ds(c, 16)], jnp.bfloat16)
                m = jnp.maximum(a, v)
                aggbuf[d, pl.ds(c, 16)] = plsc.bitcast(m, jnp.int32)


def _accumulate(t_hbm, aggbuf, rowbuf, bsrc, bdst, sem):
    for q in range(_NGB):
        pltpu.async_copy(t_hbm.at[bsrc.at[pl.ds(q * 128, 128)]],
                         rowbuf.at[pl.ds(q * 128, 128)], sem)
    for q in range(_NGB):
        pltpu.make_async_copy(t_hbm.at[bsrc.at[pl.ds(q * 128, 128)]],
                              rowbuf.at[pl.ds(q * 128, 128)], sem).wait()
    _accum_rows(aggbuf, rowbuf, bdst)


def _segmax_scan_body(t_hbm, src_hbm, dst_hbm,
                      out_hbm, lsrc_hbm, ldst_hbm, cnts_hbm,
                      aggbuf, rowbuf, bsrc, bdst, esrc, edst, cbuf, sem):
    wid = lax.axis_index("c") * 16 + lax.axis_index("s")
    lo = wid * _RPT

    _zero_agg(aggbuf)

    @pl.loop(0, _CAP, step=16)
    def _(i):
        bsrc[pl.ds(i, 16)] = jnp.zeros((16,), jnp.int32)
        bdst[pl.ds(i, 16)] = jnp.full((16,), _RPT, jnp.int32)

    def flush(nb):
        pltpu.sync_copy(bsrc, lsrc_hbm.at[wid, pl.ds(nb * _CAP, _CAP)])
        pltpu.sync_copy(bdst, ldst_hbm.at[wid, pl.ds(nb * _CAP, _CAP)])
        _accumulate(t_hbm, aggbuf, rowbuf, bsrc, bdst, sem)
        return nb + 1

    def group(g, carry):
        cnt, nb = carry
        svec = esrc[pl.ds(g * 16, 16)]
        dvec = edst[pl.ds(g * 16, 16)]
        mask = (dvec >= lo) & (dvec < lo + _RPT)
        npop = jnp.sum(jnp.where(mask, 1, 0))

        def do_flush():
            return 0, flush(nb)

        cnt, nb = lax.cond(cnt > _CAP - 16, do_flush, lambda: (cnt, nb))
        plsc.store_compressed(bsrc.at[pl.ds(cnt, 16)], svec, mask=mask)
        plsc.store_compressed(bdst.at[pl.ds(cnt, 16)], dvec - lo, mask=mask)
        return cnt + npop, nb

    def chunk(ch, carry):
        pltpu.sync_copy(src_hbm.at[pl.ds(ch * _SECH, _SECH)], esrc)
        pltpu.sync_copy(dst_hbm.at[pl.ds(ch * _SECH, _SECH)], edst)
        return lax.fori_loop(0, _GRP, group, carry)

    _, nb = lax.fori_loop(0, _E // _SECH, chunk, (0, 0))
    nb = flush(nb)

    cbuf[...] = jnp.full((16,), nb, jnp.int32)
    pltpu.sync_copy(cbuf, cnts_hbm.at[wid])
    pltpu.sync_copy(aggbuf.at[pl.ds(0, _RPT)], out_hbm.at[pl.ds(lo, _RPT)])


def _segmax_replay_body(t_hbm, lsrc_hbm, ldst_hbm, cnts_hbm, out_hbm,
                        aggbuf, rowbuf, bsrc, bdst, cbuf, sem):
    wid = lax.axis_index("c") * 16 + lax.axis_index("s")
    lo = wid * _RPT

    _zero_agg(aggbuf)

    pltpu.sync_copy(cnts_hbm.at[wid], cbuf)
    nb = jnp.max(cbuf[...])

    def batch(b, carry):
        pltpu.sync_copy(lsrc_hbm.at[wid, pl.ds(b * _CAP, _CAP)], bsrc)
        pltpu.sync_copy(ldst_hbm.at[wid, pl.ds(b * _CAP, _CAP)], bdst)
        _accumulate(t_hbm, aggbuf, rowbuf, bsrc, bdst, sem)
        return carry

    lax.fori_loop(0, nb, batch, 0)

    pltpu.sync_copy(aggbuf.at[pl.ds(0, _RPT)], out_hbm.at[pl.ds(lo, _RPT)])


def _sc_compiler_params():
    cp = pltpu.CompilerParams()
    if "needs_layout_passes" in pltpu.CompilerParams.__dataclass_fields__:
        cp = dataclasses.replace(cp, needs_layout_passes=False)
    return cp


def _segmax_scan(t, src, dst):
    k = pl.kernel(
        _segmax_scan_body,
        out_type=(
            jax.ShapeDtypeStruct((_NPAD, _DW), jnp.int32),
            jax.ShapeDtypeStruct((_NW, _ESLOT), jnp.int32),
            jax.ShapeDtypeStruct((_NW, _ESLOT), jnp.int32),
            jax.ShapeDtypeStruct((_NW, 16), jnp.int32),
        ),
        compiler_params=_sc_compiler_params(),
        mesh=plsc.VectorSubcoreMesh(core_axis_name="c", subcore_axis_name="s"),
        scratch_types=[
            pltpu.VMEM((_RPT + 1, _DW), jnp.int32),
            pltpu.VMEM((_CAP, _DW), jnp.int32),
            pltpu.VMEM((_CAP,), jnp.int32),
            pltpu.VMEM((_CAP,), jnp.int32),
            pltpu.VMEM((_SECH,), jnp.int32),
            pltpu.VMEM((_SECH,), jnp.int32),
            pltpu.VMEM((16,), jnp.int32),
            pltpu.SemaphoreType.DMA,
        ],
    )
    return k(t, src, dst)


def _segmax_replay(t, lsrc, ldst, cnts):
    k = pl.kernel(
        _segmax_replay_body,
        out_type=jax.ShapeDtypeStruct((_NPAD, _DW), jnp.int32),
        compiler_params=_sc_compiler_params(),
        mesh=plsc.VectorSubcoreMesh(core_axis_name="c", subcore_axis_name="s"),
        scratch_types=[
            pltpu.VMEM((_RPT + 1, _DW), jnp.int32),
            pltpu.VMEM((_CAP, _DW), jnp.int32),
            pltpu.VMEM((_CAP,), jnp.int32),
            pltpu.VMEM((_CAP,), jnp.int32),
            pltpu.VMEM((16,), jnp.int32),
            pltpu.SemaphoreType.DMA,
        ],
    )
    return k(t, lsrc, ldst, cnts)


def _layer0_update(f0, agg0, w_bot):
    def body(f0_ref, agg_ref, w_ref, u_ref, ps_ref, pss_ref):
        y = f0_ref[...] + jnp.dot(agg_ref[...].astype(jnp.float32),
                                  w_ref[...],
                                  preferred_element_type=jnp.float32)
        u = jnp.maximum(y, 0.0)
        u_ref[...] = u
        ps_ref[0, ...] = jnp.sum(u, axis=0, keepdims=True)
        pss_ref[0, ...] = jnp.sum(u * u, axis=0, keepdims=True)

    return pl.pallas_call(
        body,
        grid=(_NBLK,),
        in_specs=[
            pl.BlockSpec((_ROWS, _D), lambda i: (i, 0)),
            pl.BlockSpec((_ROWS, _D), lambda i: (i, 0)),
            pl.BlockSpec((_D, _D), lambda i: (0, 0)),
        ],
        out_specs=[
            pl.BlockSpec((_ROWS, _D), lambda i: (i, 0)),
            pl.BlockSpec((1, 1, _D), lambda i: (i, 0, 0)),
            pl.BlockSpec((1, 1, _D), lambda i: (i, 0, 0)),
        ],
        out_shape=[
            jax.ShapeDtypeStruct((_N, _D), jnp.float32),
            jax.ShapeDtypeStruct((_NBLK, 1, _D), jnp.float32),
            jax.ShapeDtypeStruct((_NBLK, 1, _D), jnp.float32),
        ],
    )(f0, agg0, w_bot)


def _bn_norm_t1(u, ps, pss, gamma, beta, Wp1, bp1):
    def body(u_ref, ps_ref, pss_ref, g_ref, be_ref, w_ref, b_ref,
             h_ref, t1_ref):
        mean = jnp.sum(ps_ref[...], axis=0) / _N
        var = jnp.sum(pss_ref[...], axis=0) / _N - mean * mean
        inv = jax.lax.rsqrt(var + 1e-5)
        hb = (u_ref[...] - mean) * inv * g_ref[...] + be_ref[...]
        norm = jnp.sqrt(jnp.sum(hb * hb, axis=1, keepdims=True))
        hn = hb / (norm + 1e-6)
        h_ref[...] = hn
        t1_ref[...] = jnp.maximum(
            jnp.dot(hn, w_ref[...], preferred_element_type=jnp.float32)
            + b_ref[...], 0.0).astype(jnp.bfloat16)

    return pl.pallas_call(
        body,
        grid=(_NBLK,),
        in_specs=[
            pl.BlockSpec((_ROWS, _D), lambda i: (i, 0)),
            pl.BlockSpec((_NBLK, 1, _D), lambda i: (0, 0, 0)),
            pl.BlockSpec((_NBLK, 1, _D), lambda i: (0, 0, 0)),
            pl.BlockSpec((1, _D), lambda i: (0, 0)),
            pl.BlockSpec((1, _D), lambda i: (0, 0)),
            pl.BlockSpec((_D, _D), lambda i: (0, 0)),
            pl.BlockSpec((1, _D), lambda i: (0, 0)),
        ],
        out_specs=[
            pl.BlockSpec((_ROWS, _D), lambda i: (i, 0)),
            pl.BlockSpec((_ROWS, _D), lambda i: (i, 0)),
        ],
        out_shape=[
            jax.ShapeDtypeStruct((_N, _D), jnp.float32),
            jax.ShapeDtypeStruct((_N, _D), jnp.bfloat16),
        ],
    )(u, ps, pss, gamma.reshape(1, _D), beta.reshape(1, _D), Wp1,
      bp1.reshape(1, _D))


def _final(h1, agg1, w_bot):
    def body(h1_ref, agg_ref, w_ref, o_ref):
        o_ref[...] = h1_ref[...] + jnp.dot(
            agg_ref[...].astype(jnp.float32), w_ref[...],
            preferred_element_type=jnp.float32)

    return pl.pallas_call(
        body,
        grid=(_NBLK,),
        in_specs=[
            pl.BlockSpec((_ROWS, _D), lambda i: (i, 0)),
            pl.BlockSpec((_ROWS, _D), lambda i: (i, 0)),
            pl.BlockSpec((_D, _D), lambda i: (0, 0)),
        ],
        out_specs=pl.BlockSpec((_ROWS, _D), lambda i: (i, 0)),
        out_shape=jax.ShapeDtypeStruct((_N, _D), jnp.float32),
    )(h1, agg1, w_bot)


def _pack(t):
    return lax.bitcast_convert_type(t.reshape(_N, _DW, 2), jnp.int32)


def _unpack(a):
    return lax.bitcast_convert_type(a, jnp.bfloat16).reshape(-1, _D)


def kernel(features, edge_index, Wp0, bp0, Wp1, bp1, Wfc0, bfc0, Wfc1, bfc1,
           gamma0, beta0):
    src = edge_index[0]
    dst = edge_index[1]
    t0 = _linear(features, Wp0, bp0, relu=True, out_dtype=jnp.bfloat16)
    f0 = _linear(features, Wfc0[:_D], bfc0, relu=False)
    agg0, lsrc, ldst, cnts = _segmax_scan(_pack(t0), src, dst)
    agg0 = _unpack(agg0)[:_N]
    u, ps, pss = _layer0_update(f0, agg0, Wfc0[_D:])
    h, t1 = _bn_norm_t1(u, ps, pss, gamma0, beta0, Wp1, bp1)
    h1 = _linear(h, Wfc1[:_D], bfc1, relu=False)
    agg1 = _unpack(_segmax_replay(_pack(t1), lsrc, ldst, cnts))[:_N]
    out = _final(h1, agg1, Wfc1[_D:])
    return out

# --- scband reference (transcript-rebuilt; emitter-appended) ---
"""Pipeline reference for scband-graph-sage-28664611734096 (READ-ONLY COPY).

The authoritative reference and input builder live on the scoring server;
editing this copy changes nothing except your own understanding.
"""

import jax, jax.numpy as jnp
import numpy as np

N = 10000
E = 160000
D_IN = 256
D_HID = 256
D_OUT = 256


def setup_inputs(seed: int = 0) -> dict:
    key = jax.random.key(seed)
    ks = jax.random.split(key, 12)
    inp = {}
    inp['features'] = jax.random.normal(ks[0], (N, D_IN), dtype=jnp.float32)
    inp['edge_index'] = jax.random.randint(ks[1], (2, E), 0, N, dtype=jnp.int32)
    # MaxPoolAggregator params (layer 0: input_dim->input_dim, layer 1: hidden->hidden)
    inp['Wp0'] = jax.random.normal(ks[2], (D_IN, D_IN), dtype=jnp.float32) / np.sqrt(D_IN)
    inp['bp0'] = jnp.zeros((D_IN,), dtype=jnp.float32)
    inp['Wp1'] = jax.random.normal(ks[3], (D_HID, D_HID), dtype=jnp.float32) / np.sqrt(D_HID)
    inp['bp1'] = jnp.zeros((D_HID,), dtype=jnp.float32)
    # fc layers take concat(self, agg) -> 2*dim inputs
    inp['Wfc0'] = jax.random.normal(ks[4], (2 * D_IN, D_HID), dtype=jnp.float32) / np.sqrt(2 * D_IN)
    inp['bfc0'] = jnp.zeros((D_HID,), dtype=jnp.float32)
    inp['Wfc1'] = jax.random.normal(ks[5], (2 * D_HID, D_OUT), dtype=jnp.float32) / np.sqrt(2 * D_HID)
    inp['bfc1'] = jnp.zeros((D_OUT,), dtype=jnp.float32)
    # BatchNorm affine params for hidden layer
    inp['gamma0'] = jnp.ones((D_HID,), dtype=jnp.float32)
    inp['beta0'] = jnp.zeros((D_HID,), dtype=jnp.float32)
    return inp


def _maxpool_agg(h, src, dst, Wp, bp):
    # GraphSAGE max-pool aggregator: MLP on neighbor features, then elementwise max over neighbors
    msg = jax.nn.relu(h[src] @ Wp + bp)
    agg = jax.ops.segment_max(msg, dst, num_segments=N)
    agg = jnp.where(jnp.isfinite(agg), agg, 0.0)  # nodes with no in-edges -> 0
    return agg


def reference(features, edge_index, Wp0, bp0, Wp1, bp1, Wfc0, bfc0, Wfc1, bfc1, gamma0, beta0):
    src = edge_index[0]
    dst = edge_index[1]
    eps_bn = 1e-5
    # ---- layer 0 ----
    agg0 = _maxpool_agg(features, src, dst, Wp0, bp0)
    h = jnp.concatenate([features, agg0], axis=1) @ Wfc0 + bfc0
    h = jax.nn.relu(h)
    mean = jnp.mean(h, axis=0)
    var = jnp.var(h, axis=0)
    h = (h - mean) / jnp.sqrt(var + eps_bn) * gamma0 + beta0
    # dropout is identity at inference
    h = h / (jnp.linalg.norm(h, axis=1, keepdims=True) + 1e-6)
    # ---- layer 1 (output layer) ----
    agg1 = _maxpool_agg(h, src, dst, Wp1, bp1)
    out = jnp.concatenate([h, agg1], axis=1) @ Wfc1 + bfc1
    return out

if __name__ == "__main__":
    import jax
    _d = setup_inputs()
    print(jax.jit(kernel)(*tuple(_d.values())))

</pallas_src>

<mosaic_0001>
#map = affine_map<(d0, d1) -> (0, 0)>
#map1 = affine_map<(d0, d1) -> (0)>
module attributes {stable_mosaic.version = 14 : i64} {
  func.func @_segmax_scan_body(%arg0: i32, %arg1: i32, %arg2: memref<10000x128xi32, #tpu.memory_space<hbm>>, %arg3: memref<160000xi32, #tpu.memory_space<hbm>>, %arg4: memref<160000xi32, #tpu.memory_space<hbm>>, %arg5: memref<10240x128xi32, #tpu.memory_space<hbm>>, %arg6: memref<32x172032xi32, #tpu.memory_space<hbm>>, %arg7: memref<32x172032xi32, #tpu.memory_space<hbm>>, %arg8: memref<32x16xi32, #tpu.memory_space<hbm>>, %arg9: memref<321x128xi32, #tpu.memory_space<vmem>>, %arg10: memref<512x128xi32, #tpu.memory_space<vmem>>, %arg11: memref<512xi32, #tpu.memory_space<vmem>>, %arg12: memref<512xi32, #tpu.memory_space<vmem>>, %arg13: memref<8000xi32, #tpu.memory_space<vmem>>, %arg14: memref<8000xi32, #tpu.memory_space<vmem>>, %arg15: memref<16xi32, #tpu.memory_space<vmem>>, %arg16: memref<!tpu.dma_semaphore, #tpu.memory_space<semaphore_mem>>) attributes {dimension_semantics = [#tpu.dimension_semantics<core_parallel>, #tpu.dimension_semantics<subcore_parallel>], iteration_bounds = array<i64: 2, 16>, scalar_prefetch = 0 : i64, scratch_operands = 8 : i64, tpu.core_type = #tpu.core_type<sc_vector_subcore>, window_params = [{transform_indices = #map}, {transform_indices = #map1}, {transform_indices = #map1}, {transform_indices = #map}, {transform_indices = #map}, {transform_indices = #map}, {transform_indices = #map}]} {
    %mul3A = arith.constant 16 : i32
    %mul3A_0 = arith.muli %arg0, %mul3A : i32
    %add3A = arith.addi %mul3A_0, %arg1 : i32
    %mul3A_1 = arith.constant 320 : i32
    %mul3A_2 = arith.muli %add3A, %mul3A_1 : i32
    %broadcast_in_dim3A = arith.constant 0 : i32
    %broadcast_in_dim3A_3 = vector.broadcast %broadcast_in_dim3A : i32 to vector<16xi32>
    %scan3A = arith.constant 0 : i32
    %scan3A_4 = arith.constant 321 : i32
    %scan3A_5 = arith.addi %scan3A, %scan3A_4 : i32
    %scan3A_6 = arith.constant 1 : i32
    scf.for %scan3A_96 = %scan3A to %scan3A_5 step %scan3A_6  : i32 {
      %mul3A_97 = arith.constant 1 : i32
      %mul3A_98 = arith.muli %scan3A_96, %mul3A_97 : i32
      %add3A_99 = arith.constant 0 : i32
      %add3A_100 = arith.addi %add3A_99, %mul3A_98 : i32
      %swap3A_101 = arith.index_cast %add3A_100 : i32 to index
      %swap3A_102 = arith.constant 0 : index
      %swap3A_103 = tpu.vector_load %arg9[%swap3A_101, %swap3A_102] {strides = array<i32>} : memref<321x128xi32, #tpu.memory_space<vmem>>, vector<16xi32>,
      tpu.vector_store %arg9[%swap3A_101, %swap3A_102], %broadcast_in_dim3A_3 {strides = array<i32>} : memref<321x128xi32, #tpu.memory_space<vmem>>, vector<16xi32>,
      %swap3A_104 = arith.index_cast %add3A_100 : i32 to index
      %swap3A_105 = arith.constant 16 : index
      %swap3A_106 = tpu.vector_load %arg9[%swap3A_104, %swap3A_105] {strides = array<i32>} : memref<321x128xi32, #tpu.memory_space<vmem>>, vector<16xi32>,
      tpu.vector_store %arg9[%swap3A_104, %swap3A_105], %broadcast_in_dim3A_3 {strides = array<i32>} : memref<321x128xi32, #tpu.memory_space<vmem>>, vector<16xi32>,
      %swap3A_107 = arith.index_cast %add3A_100 : i32 to index
      %swap3A_108 = arith.constant 32 : index
      %swap3A_109 = tpu.vector_load %arg9[%swap3A_107, %swap3A_108] {strides = array<i32>} : memref<321x128xi32, #tpu.memory_space<vmem>>, vector<16xi32>,
      tpu.vector_store %arg9[%swap3A_107, %swap3A_108], %broadcast_in_dim3A_3 {strides = array<i32>} : memref<321x128xi32, #tpu.memory_space<vmem>>, vector<16xi32>,
      %swap3A_110 = arith.index_cast %add3A_100 : i32 to index
      %swap3A_111 = arith.constant 48 : index
      %swap3A_112 = tpu.vector_load %arg9[%swap3A_110, %swap3A_111] {strides = array<i32>} : memref<321x128xi32, #tpu.memory_space<vmem>>, vector<16xi32>,
      tpu.vector_store %arg9[%swap3A_110, %swap3A_111], %broadcast_in_dim3A_3 {strides = array<i32>} : memref<321x128xi32, #tpu.memory_space<vmem>>, vector<16xi32>,
      %swap3A_113 = arith.index_cast %add3A_100 : i32 to index
      %swap3A_114 = arith.constant 64 : index
      %swap3A_115 = tpu.vector_load %arg9[%swap3A_113, %swap3A_114] {strides = array<i32>} : memref<321x128xi32, #tpu.memory_space<vmem>>, vector<16xi32>,
      tpu.vector_store %arg9[%swap3A_113, %swap3A_114], %broadcast_in_dim3A_3 {strides = array<i32>} : memref<321x128xi32, #tpu.memory_space<vmem>>, vector<16xi32>,
      %swap3A_116 = arith.index_cast %add3A_100 : i32 to index
      %swap3A_117 = arith.constant 80 : index
      %swap3A_118 = tpu.vector_load %arg9[%swap3A_116, %swap3A_117] {strides = array<i32>} : memref<321x128xi32, #tpu.memory_space<vmem>>, vector<16xi32>,
      tpu.vector_store %arg9[%swap3A_116, %swap3A_117], %broadcast_in_dim3A_3 {strides = array<i32>} : memref<321x128xi32, #tpu.memory_space<vmem>>, vector<16xi32>,
      %swap3A_119 = arith.index_cast %add3A_100 : i32 to index
      %swap3A_120 = arith.constant 96 : index
      %swap3A_121 = tpu.vector_load %arg9[%swap3A_119, %swap3A_120] {strides = array<i32>} : memref<321x128xi32, #tpu.memory_space<vmem>>, vector<16xi32>,
      tpu.vector_store %arg9[%swap3A_119, %swap3A_120], %broadcast_in_dim3A_3 {strides = array<i32>} : memref<321x128xi32, #tpu.memory_space<vmem>>, vector<16xi32>,
      %swap3A_122 = arith.index_cast %add3A_100 : i32 to index
      %swap3A_123 = arith.constant 112 : index
      %swap3A_124 = tpu.vector_load %arg9[%swap3A_122, %swap3A_123] {strides = array<i32>} : memref<321x128xi32, #tpu.memory_space<vmem>>, vector<16xi32>,
      tpu.vector_store %arg9[%swap3A_122, %swap3A_123], %broadcast_in_dim3A_3 {strides = array<i32>} : memref<321x128xi32, #tpu.memory_space<vmem>>, vector<16xi32>,
    }
    %scan3A_7 = arith.constant 321 : i32
    %scan3A_8 = arith.constant 0 : i32
    %scan3A_9 = arith.constant 32 : i32
    %scan3A_10 = arith.addi %scan3A_8, %scan3A_9 : i32
    %scan3A_11 = arith.constant 1 : i32
    scf.for %scan3A_96 = %scan3A_8 to %scan3A_10 step %scan3A_11  : i32 {
      %mul3A_97 = arith.constant 16 : i32
      %mul3A_98 = arith.muli %scan3A_96, %mul3A_97 : i32
      %add3A_99 = arith.constant 0 : i32
      %add3A_100 = arith.addi %add3A_99, %mul3A_98 : i32
      %broadcast_in_dim3A_101 = arith.constant 0 : i32
      %broadcast_in_dim3A_102 = vector.broadcast %broadcast_in_dim3A_101 : i32 to vector<16xi32>
      %swap3A_103 = arith.index_cast %add3A_100 : i32 to index
      %swap3A_104 = tpu.vector_load %arg11[%swap3A_103] {strides = array<i32>} : memref<512xi32, #tpu.memory_space<vmem>>, vector<16xi32>,
      tpu.vector_store %arg11[%swap3A_103], %broadcast_in_dim3A_102 {strides = array<i32>} : memref<512xi32, #tpu.memory_space<vmem>>, vector<16xi32>,
      %broadcast_in_dim3A_105 = arith.constant 320 : i32
      %broadcast_in_dim3A_106 = vector.broadcast %broadcast_in_dim3A_105 : i32 to vector<16xi32>
      %swap3A_107 = arith.index_cast %add3A_100 : i32 to index
      %swap3A_108 = tpu.vector_load %arg12[%swap3A_107] {strides = array<i32>} : memref<512xi32, #tpu.memory_space<vmem>>, vector<16xi32>,
      tpu.vector_store %arg12[%swap3A_107], %broadcast_in_dim3A_106 {strides = array<i32>} : memref<512xi32, #tpu.memory_space<vmem>>, vector<16xi32>,
    }
    %scan3A_12 = arith.constant 32 : i32
    %scan3A_13 = arith.constant 0 : i32
    %scan3A_14 = arith.constant 0 : i32
    %scan3A_15 = arith.constant 0 : i32
    %scan3A_16 = arith.constant 20 : i32
    %scan3A_17 = arith.addi %scan3A_15, %scan3A_16 : i32
    %scan3A_18 = arith.constant 1 : i32
    %scan3A_19:2 = scf.for %scan3A_96 = %scan3A_15 to %scan3A_17 step %scan3A_18 iter_args(%scan3A_97 = %scan3A_13, %scan3A_98 = %scan3A_14) -> (i32, i32)  : i32 {
      %mul3A_99 = arith.constant 8000 : i32
      %mul3A_100 = arith.muli %scan3A_96, %mul3A_99 : i32
      "tpu.region"() ({
        %run_scoped3A = tpu.sem_alloc : memref<!tpu.dma_semaphore, #tpu.memory_space<semaphore_mem>>
        %dma_start3A_109 = tpu.memref_slice %arg3[%mul3A_100] : memref<160000xi32, #tpu.memory_space<hbm>> -> memref<8000xi32, #tpu.memory_space<hbm>>
        %dma_start3A_110 = tpu.memref_slice %arg3[%mul3A_100] : memref<160000xi32, #tpu.memory_space<hbm>> -> memref<8000xi32, #tpu.memory_space<hbm>>
        tpu.enqueue_dma source(%dma_start3A_110 : memref<8000xi32, #tpu.memory_space<hbm>>) target(%arg13 : memref<8000xi32, #tpu.memory_space<vmem>>) target_semaphore(%run_scoped3A : memref<!tpu.dma_semaphore, #tpu.memory_space<semaphore_mem>>)
        %dma_wait3A_111 = tpu.memref_slice %arg3[%mul3A_100] : memref<160000xi32, #tpu.memory_space<hbm>> -> memref<8000xi32, #tpu.memory_space<hbm>>
        %dma_wait3A_112 = tpu.memref_slice %arg3[%mul3A_100] : memref<160000xi32, #tpu.memory_space<hbm>> -> memref<8000xi32, #tpu.memory_space<hbm>>
        tpu.wait_dma2 semaphore(%run_scoped3A : memref<!tpu.dma_semaphore, #tpu.memory_space<semaphore_mem>>) src(%dma_wait3A_112 : memref<8000xi32, #tpu.memory_space<hbm>>) dst(%arg13 : memref<8000xi32, #tpu.memory_space<vmem>>)
        tpu.yield
      }) : () -> ()
      %mul3A_101 = arith.constant 8000 : i32
      %mul3A_102 = arith.muli %scan3A_96, %mul3A_101 : i32
      "tpu.region"() ({
        %run_scoped3A = tpu.sem_alloc : memref<!tpu.dma_semaphore, #tpu.memory_space<semaphore_mem>>
        %dma_start3A_109 = tpu.memref_slice %arg4[%mul3A_102] : memref<160000xi32, #tpu.memory_space<hbm>> -> memref<8000xi32, #tpu.memory_space<hbm>>
        %dma_start3A_110 = tpu.memref_slice %arg4[%mul3A_102] : memref<160000xi32, #tpu.memory_space<hbm>> -> memref<8000xi32, #tpu.memory_space<hbm>>
        tpu.enqueue_dma source(%dma_start3A_110 : memref<8000xi32, #tpu.memory_space<hbm>>) target(%arg14 : memref<8000xi32, #tpu.memory_space<vmem>>) target_semaphore(%run_scoped3A : memref<!tpu.dma_semaphore, #tpu.memory_space<semaphore_mem>>)
        %dma_wait3A_111 = tpu.memref_slice %arg4[%mul3A_102] : memref<160000xi32, #tpu.memory_space<hbm>> -> memref<8000xi32, #tpu.memory_space<hbm>>
        %dma_wait3A_112 = tpu.memref_slice %arg4[%mul3A_102] : memref<160000xi32, #tpu.memory_space<hbm>> -> memref<8000xi32, #tpu.memory_space<hbm>>
        tpu.wait_dma2 semaphore(%run_scoped3A : memref<!tpu.dma_semaphore, #tpu.memory_space<semaphore_mem>>) src(%dma_wait3A_112 : memref<8000xi32, #tpu.memory_space<hbm>>) dst(%arg14 : memref<8000xi32, #tpu.memory_space<vmem>>)
        tpu.yield
      }) : () -> ()
      %scan3A_103 = arith.constant 0 : i32
      %scan3A_104 = arith.constant 500 : i32
      %scan3A_105 = arith.addi %scan3A_103, %scan3A_104 : i32
      %scan3A_106 = arith.constant 1 : i32
      %scan3A_107:2 = scf.for %scan3A_109 = %scan3A_103 to %scan3A_105 step %scan3A_106 iter_args(%scan3A_110 = %scan3A_97, %scan3A_111 = %scan3A_98) -> (i32, i32)  : i32 {
        %mul3A_112 = arith.constant 16 : i32
        %mul3A_113 = arith.muli %scan3A_109, %mul3A_112 : i32
        %get3A = arith.index_cast %mul3A_113 : i32 to index
        %get3A_114 = tpu.vector_load %arg13[%get3A] {strides = array<i32>} : memref<8000xi32, #tpu.memory_space<vmem>>, vector<16xi32>,
        %mul3A_115 = arith.constant 16 : i32
        %mul3A_116 = arith.muli %scan3A_109, %mul3A_115 : i32
        %get3A_117 = arith.index_cast %mul3A_116 : i32 to index
        %get3A_118 = tpu.vector_load %arg14[%get3A_117] {strides = array<i32>} : memref<8000xi32, #tpu.memory_space<vmem>>, vector<16xi32>,
        %ge3A = vector.broadcast %mul3A_2 : i32 to vector<16xi32>
        %ge3A_119 = arith.cmpi sge, %get3A_118, %ge3A : vector<16xi32>
        %add3A_120 = arith.constant 320 : i32
        %add3A_121 = arith.addi %mul3A_2, %add3A_120 : i32
        %lt3A = vector.broadcast %add3A_121 : i32 to vector<16xi32>
        %lt3A_122 = arith.cmpi slt, %get3A_118, %lt3A : vector<16xi32>
        %and3A = arith.andi %ge3A_119, %lt3A_122 : vector<16xi1>
        %jit3A = arith.constant 1 : i32
        %jit3A_123 = arith.constant 0 : i32
        %broadcast_in_dim3A_124 = vector.broadcast %jit3A : i32 to vector<16xi32>
        %broadcast_in_dim3A_125 = vector.broadcast %jit3A_123 : i32 to vector<16xi32>
        %select_n3A = arith.select %and3A, %broadcast_in_dim3A_124, %broadcast_in_dim3A_125 : vector<16xi1>, vector<16xi32>
        %reduce_sum3A = arith.constant true
        %reduce_sum3A_126 = vector.broadcast %reduce_sum3A : i1 to vector<16xi1>
        %reduce_sum3A_127 = tpu.scan <sum>, %select_n3A masked %reduce_sum3A_126 : vector<16xi32>, vector<16xi1> -> vector<16xi32>
        %reduce_sum3A_128 = vector.extract %reduce_sum3A_127[15] : i32 from vector<16xi32>
        %gt3A = arith.constant 496 : i32
        %gt3A_129 = arith.cmpi sgt, %scan3A_110, %gt3A : i32
        %convert_element_type3A = arith.extui %gt3A_129 : i1 to i32
        %cond3A = arith.constant 0 : i32
        %cond3A_130 = arith.cmpi ne, %convert_element_type3A, %cond3A : i32
        %cond3A_131:2 = scf.if %cond3A_130 -> (i32, i32) {
          %mul3A_138 = arith.constant 512 : i32
          %mul3A_139 = arith.muli %scan3A_111, %mul3A_138 : i32
          "tpu.region"() ({
            %run_scoped3A = tpu.sem_alloc : memref<!tpu.dma_semaphore, #tpu.memory_space<semaphore_mem>>
            %dma_start3A_215 = tpu.memref_slice %arg6[%add3A, %mul3A_139] : memref<32x172032xi32, #tpu.memory_space<hbm>> -> memref<1x512xi32, #tpu.memory_space<hbm>>
            %dma_start3A_216 = tpu.memref_squeeze %dma_start3A_215 : memref<1x512xi32, #tpu.memory_space<hbm>> -> memref<512xi32, #tpu.memory_space<hbm>>
            %dma_start3A_217 = tpu.memref_slice %arg6[%add3A, %mul3A_139] : memref<32x172032xi32, #tpu.memory_space<hbm>> -> memref<1x512xi32, #tpu.memory_space<hbm>>
            %dma_start3A_218 = tpu.memref_squeeze %dma_start3A_217 : memref<1x512xi32, #tpu.memory_space<hbm>> -> memref<512xi32, #tpu.memory_space<hbm>>
            tpu.enqueue_dma source(%arg11 : memref<512xi32, #tpu.memory_space<vmem>>) target(%dma_start3A_218 : memref<512xi32, #tpu.memory_space<hbm>>) target_semaphore(%run_scoped3A : memref<!tpu.dma_semaphore, #tpu.memory_space<semaphore_mem>>)
            %dma_wait3A_219 = tpu.memref_slice %arg6[%add3A, %mul3A_139] : memref<32x172032xi32, #tpu.memory_space<hbm>> -> memref<1x512xi32, #tpu.memory_space<hbm>>
            %dma_wait3A_220 = tpu.memref_squeeze %dma_wait3A_219 : memref<1x512xi32, #tpu.memory_space<hbm>> -> memref<512xi32, #tpu.memory_space<hbm>>
            %dma_wait3A_221 = tpu.memref_slice %arg6[%add3A, %mul3A_139] : memref<32x172032xi32, #tpu.memory_space<hbm>> -> memref<1x512xi32, #tpu.memory_space<hbm>>
            %dma_wait3A_222 = tpu.memref_squeeze %dma_wait3A_221 : memref<1x512xi32, #tpu.memory_space<hbm>> -> memref<512xi32, #tpu.memory_space<hbm>>
            tpu.wait_dma2 semaphore(%run_scoped3A : memref<!tpu.dma_semaphore, #tpu.memory_space<semaphore_mem>>) src(%arg11 : memref<512xi32, #tpu.memory_space<vmem>>) dst(%dma_wait3A_222 : memref<512xi32, #tpu.memory_space<hbm>>)
            tpu.yield
          }) : () -> ()
          %mul3A_140 = arith.constant 512 : i32
          %mul3A_141 = arith.muli %scan3A_111, %mul3A_140 : i32
          "tpu.region"() ({
            %run_scoped3A = tpu.sem_alloc : memref<!tpu.dma_semaphore, #tpu.memory_space<semaphore_mem>>
            %dma_start3A_215 = tpu.memref_slice %arg7[%add3A, %mul3A_141] : memref<32x172032xi32, #tpu.memory_space<hbm>> -> memref<1x512xi32, #tpu.memory_space<hbm>>
            %dma_start3A_216 = tpu.memref_squeeze %dma_start3A_215 : memref<1x512xi32, #tpu.memory_space<hbm>> -> memref<512xi32, #tpu.memory_space<hbm>>
            %dma_start3A_217 = tpu.memref_slice %arg7[%add3A, %mul3A_141] : memref<32x172032xi32, #tpu.memory_space<hbm>> -> memref<1x512xi32, #tpu.memory_space<hbm>>
            %dma_start3A_218 = tpu.memref_squeeze %dma_start3A_217 : memref<1x512xi32, #tpu.memory_space<hbm>> -> memref<512xi32, #tpu.memory_space<hbm>>
            tpu.enqueue_dma source(%arg12 : memref<512xi32, #tpu.memory_space<vmem>>) target(%dma_start3A_218 : memref<512xi32, #tpu.memory_space<hbm>>) target_semaphore(%run_scoped3A : memref<!tpu.dma_semaphore, #tpu.memory_space<semaphore_mem>>)
            %dma_wait3A_219 = tpu.memref_slice %arg7[%add3A, %mul3A_141] : memref<32x172032xi32, #tpu.memory_space<hbm>> -> memref<1x512xi32, #tpu.memory_space<hbm>>
            %dma_wait3A_220 = tpu.memref_squeeze %dma_wait3A_219 : memref<1x512xi32, #tpu.memory_space<hbm>> -> memref<512xi32, #tpu.memory_space<hbm>>
            %dma_wait3A_221 = tpu.memref_slice %arg7[%add3A, %mul3A_141] : memref<32x172032xi32, #tpu.memory_space<hbm>> -> memref<1x512xi32, #tpu.memory_space<hbm>>
            %dma_wait3A_222 = tpu.memref_squeeze %dma_wait3A_221 : memref<1x512xi32, #tpu.memory_space<hbm>> -> memref<512xi32, #tpu.memory_space<hbm>>
            tpu.wait_dma2 semaphore(%run_scoped3A : memref<!tpu.dma_semaphore, #tpu.memory_space<semaphore_mem>>) src(%arg12 : memref<512xi32, #tpu.memory_space<vmem>>) dst(%dma_wait3A_222 : memref<512xi32, #tpu.memory_space<hbm>>)
            tpu.yield
          }) : () -> ()
          %dma_start3A_142 = arith.constant 0 : i32
          %dma_start3A_143 = arith.constant 0 : i32
          %dma_start3A_144 = tpu.memref_slice %arg10[%dma_start3A_142, %dma_start3A_143] : memref<512x128xi32, #tpu.memory_space<vmem>> -> memref<128x128xi32, #tpu.memory_space<vmem>>
          %dma_start3A_145 = arith.constant 0 : i32
          %dma_start3A_146 = tpu.memref_slice %arg11[%dma_start3A_145] : memref<512xi32, #tpu.memory_space<vmem>> -> memref<128xi32, #tpu.memory_space<vmem>>
          %dma_start3A_147 = arith.constant 0 : i32
          %dma_start3A_148 = arith.constant 0 : i32
          %dma_start3A_149 = tpu.memref_slice %arg2[%dma_start3A_147, %dma_start3A_148] : memref<10000x128xi32, #tpu.memory_space<hbm>> -> memref<10000x128xi32, #tpu.memory_space<hbm>>
          tpu.enqueue_indirect_dma source(%dma_start3A_149 : memref<10000x128xi32, #tpu.memory_space<hbm>>) target(%dma_start3A_144 : memref<128x128xi32, #tpu.memory_space<vmem>>) offsets(%dma_start3A_146 : memref<128xi32, #tpu.memory_space<vmem>>) semaphore(%arg16 : memref<!tpu.dma_semaphore, #tpu.memory_space<semaphore_mem>>)
          %dma_start3A_150 = arith.constant 128 : i32
          %dma_start3A_151 = arith.constant 0 : i32
          %dma_start3A_152 = tpu.memref_slice %arg10[%dma_start3A_150, %dma_start3A_151] : memref<512x128xi32, #tpu.memory_space<vmem>> -> memref<128x128xi32, #tpu.memory_space<vmem>>
          %dma_start3A_153 = arith.constant 128 : i32
          %dma_start3A_154 = tpu.memref_slice %arg11[%dma_start3A_153] : memref<512xi32, #tpu.memory_space<vmem>> -> memref<128xi32, #tpu.memory_space<vmem>>
          %dma_start3A_155 = arith.constant 0 : i32
          %dma_start3A_156 = arith.constant 0 : i32
          %dma_start3A_157 = tpu.memref_slice %arg2[%dma_start3A_155, %dma_start3A_156] : memref<10000x128xi32, #tpu.memory_space<hbm>> -> memref<10000x128xi32, #tpu.memory_space<hbm>>
          tpu.enqueue_indirect_dma source(%dma_start3A_157 : memref<10000x128xi32, #tpu.memory_space<hbm>>) target(%dma_start3A_152 : memref<128x128xi32, #tpu.memory_space<vmem>>) offsets(%dma_start3A_154 : memref<128xi32, #tpu.memory_space<vmem>>) semaphore(%arg16 : memref<!tpu.dma_semaphore, #tpu.memory_space<semaphore_mem>>)
          %dma_start3A_158 = arith.constant 256 : i32
          %dma_start3A_159 = arith.constant 0 : i32
          %dma_start3A_160 = tpu.memref_slice %arg10[%dma_start3A_158, %dma_start3A_159] : memref<512x128xi32, #tpu.memory_space<vmem>> -> memref<128x128xi32, #tpu.memory_space<vmem>>
          %dma_start3A_161 = arith.constant 256 : i32
          %dma_start3A_162 = tpu.memref_slice %arg11[%dma_start3A_161] : memref<512xi32, #tpu.memory_space<vmem>> -> memref<128xi32, #tpu.memory_space<vmem>>
          %dma_start3A_163 = arith.constant 0 : i32
          %dma_start3A_164 = arith.constant 0 : i32
          %dma_start3A_165 = tpu.memref_slice %arg2[%dma_start3A_163, %dma_start3A_164] : memref<10000x128xi32, #tpu.memory_space<hbm>> -> memref<10000x128xi32, #tpu.memory_space<hbm>>
          tpu.enqueue_indirect_dma source(%dma_start3A_165 : memref<10000x128xi32, #tpu.memory_space<hbm>>) target(%dma_start3A_160 : memref<128x128xi32, #tpu.memory_space<vmem>>) offsets(%dma_start3A_162 : memref<128xi32, #tpu.memory_space<vmem>>) semaphore(%arg16 : memref<!tpu.dma_semaphore, #tpu.memory_space<semaphore_mem>>)
          %dma_start3A_166 = arith.constant 384 : i32
          %dma_start3A_167 = arith.constant 0 : i32
          %dma_start3A_168 = tpu.memref_slice %arg10[%dma_start3A_166, %dma_start3A_167] : memref<512x128xi32, #tpu.memory_space<vmem>> -> memref<128x128xi32, #tpu.memory_space<vmem>>
          %dma_start3A_169 = arith.constant 384 : i32
          %dma_start3A_170 = tpu.memref_slice %arg11[%dma_start3A_169] : memref<512xi32, #tpu.memory_space<vmem>> -> memref<128xi32, #tpu.memory_space<vmem>>
          %dma_start3A_171 = arith.constant 0 : i32
          %dma_start3A_172 = arith.constant 0 : i32
          %dma_start3A_173 = tpu.memref_slice %arg2[%dma_start3A_171, %dma_start3A_172] : memref<10000x128xi32, #tpu.memory_space<hbm>> -> memref<10000x128xi32, #tpu.memory_space<hbm>>
          tpu.enqueue_indirect_dma source(%dma_start3A_173 : memref<10000x128xi32, #tpu.memory_space<hbm>>) target(%dma_start3A_168 : memref<128x128xi32, #tpu.memory_space<vmem>>) offsets(%dma_start3A_170 : memref<128xi32, #tpu.memory_space<vmem>>) semaphore(%arg16 : memref<!tpu.dma_semaphore, #tpu.memory_space<semaphore_mem>>)
          %dma_wait3A_174 = arith.constant 0 : i32
          %dma_wait3A_175 = arith.constant 0 : i32
          %dma_wait3A_176 = tpu.memref_slice %arg10[%dma_wait3A_174, %dma_wait3A_175] : memref<512x128xi32, #tpu.memory_space<vmem>> -> memref<128x128xi32, #tpu.memory_space<vmem>>
          %dma_wait3A_177 = arith.constant 0 : i32
          %dma_wait3A_178 = tpu.memref_slice %arg11[%dma_wait3A_177] : memref<512xi32, #tpu.memory_space<vmem>> -> memref<128xi32, #tpu.memory_space<vmem>>
          %dma_wait3A_179 = arith.constant 0 : i32
          %dma_wait3A_180 = arith.constant 0 : i32
          %dma_wait3A_181 = tpu.memref_slice %arg2[%dma_wait3A_179, %dma_wait3A_180] : memref<10000x128xi32, #tpu.memory_space<hbm>> -> memref<10000x128xi32, #tpu.memory_space<hbm>>
          tpu.wait_indirect_dma semaphore(%arg16 : memref<!tpu.dma_semaphore, #tpu.memory_space<semaphore_mem>>) src(%dma_wait3A_181 : memref<10000x128xi32, #tpu.memory_space<hbm>>) dst(%dma_wait3A_176 : memref<128x128xi32, #tpu.memory_space<vmem>>)
          %dma_wait3A_182 = arith.constant 128 : i32
          %dma_wait3A_183 = arith.constant 0 : i32
          %dma_wait3A_184 = tpu.memref_slice %arg10[%dma_wait3A_182, %dma_wait3A_183] : memref<512x128xi32, #tpu.memory_space<vmem>> -> memref<128x128xi32, #tpu.memory_space<vmem>>
          %dma_wait3A_185 = arith.constant 128 : i32
          %dma_wait3A_186 = tpu.memref_slice %arg11[%dma_wait3A_185] : memref<512xi32, #tpu.memory_space<vmem>> -> memref<128xi32, #tpu.memory_space<vmem>>
          %dma_wait3A_187 = arith.constant 0 : i32
          %dma_wait3A_188 = arith.constant 0 : i32
          %dma_wait3A_189 = tpu.memref_slice %arg2[%dma_wait3A_187, %dma_wait3A_188] : memref<10000x128xi32, #tpu.memory_space<hbm>> -> memref<10000x128xi32, #tpu.memory_space<hbm>>
          tpu.wait_indirect_dma semaphore(%arg16 : memref<!tpu.dma_semaphore, #tpu.memory_space<semaphore_mem>>) src(%dma_wait3A_189 : memref<10000x128xi32, #tpu.memory_space<hbm>>) dst(%dma_wait3A_184 : memref<128x128xi32, #tpu.memory_space<vmem>>)
          %dma_wait3A_190 = arith.constant 256 : i32
          %dma_wait3A_191 = arith.constant 0 : i32
          %dma_wait3A_192 = tpu.memref_slice %arg10[%dma_wait3A_190, %dma_wait3A_191] : memref<512x128xi32, #tpu.memory_space<vmem>> -> memref<128x128xi32, #tpu.memory_space<vmem>>
          %dma_wait3A_193 = arith.constant 256 : i32
          %dma_wait3A_194 = tpu.memref_slice %arg11[%dma_wait3A_193] : memref<512xi32, #tpu.memory_space<vmem>> -> memref<128xi32, #tpu.memory_space<vmem>>
          %dma_wait3A_195 = arith.constant 0 : i32
          %dma_wait3A_196 = arith.constant 0 : i32
          %dma_wait3A_197 = tpu.memref_slice %arg2[%dma_wait3A_195, %dma_wait3A_196] : memref<10000x128xi32, #tpu.memory_space<hbm>> -> memref<10000x128xi32, #tpu.memory_space<hbm>>
          tpu.wait_indirect_dma semaphore(%arg16 : memref<!tpu.dma_semaphore, #tpu.memory_space<semaphore_mem>>) src(%dma_wait3A_197 : memref<10000x128xi32, #tpu.memory_space<hbm>>) dst(%dma_wait3A_192 : memref<128x128xi32, #tpu.memory_space<vmem>>)
          %dma_wait3A_198 = arith.constant 384 : i32
          %dma_wait3A_199 = arith.constant 0 : i32
          %dma_wait3A_200 = tpu.memref_slice %arg10[%dma_wait3A_198, %dma_wait3A_199] : memref<512x128xi32, #tpu.memory_space<vmem>> -> memref<128x128xi32, #tpu.memory_space<vmem>>
          %dma_wait3A_201 = arith.constant 384 : i32
          %dma_wait3A_202 = tpu.memref_slice %arg11[%dma_wait3A_201] : memref<512xi32, #tpu.memory_space<vmem>> -> memref<128xi32, #tpu.memory_space<vmem>>
          %dma_wait3A_203 = arith.constant 0 : i32
          %dma_wait3A_204 = arith.constant 0 : i32
          %dma_wait3A_205 = tpu.memref_slice %arg2[%dma_wait3A_203, %dma_wait3A_204] : memref<10000x128xi32, #tpu.memory_space<hbm>> -> memref<10000x128xi32, #tpu.memory_space<hbm>>
          tpu.wait_indirect_dma semaphore(%arg16 : memref<!tpu.dma_semaphore, #tpu.memory_space<semaphore_mem>>) src(%dma_wait3A_205 : memref<10000x128xi32, #tpu.memory_space<hbm>>) dst(%dma_wait3A_200 : memref<128x128xi32, #tpu.memory_space<vmem>>)
          %iota3A_206 = tpu.iota {dimensions = array<i32: 0>} : vector<16xi32>
          %scan3A_207 = arith.constant 0 : i32
          %scan3A_208 = arith.constant 32 : i32
          %scan3A_209 = arith.addi %scan3A_207, %scan3A_208 : i32
          %scan3A_210 = arith.constant 1 : i32
          scf.for %scan3A_215 = %scan3A_207 to %scan3A_209 step %scan3A_210  : i32 {
            %mul3A_216 = arith.constant 1 : i32
            %mul3A_217 = arith.muli %scan3A_215, %mul3A_216 : i32
            %add3A_218 = arith.constant 0 : i32
            %add3A_219 = arith.addi %add3A_218, %mul3A_217 : i32
            %mul3A_220 = arith.constant 16 : i32
            %mul3A_221 = arith.muli %add3A_219, %mul3A_220 : i32
            %get3A_222 = arith.index_cast %mul3A_221 : i32 to index
            %get3A_223 = tpu.vector_load %arg12[%get3A_222] {strides = array<i32>} : memref<512xi32, #tpu.memory_space<vmem>>, vector<16xi32>,
            %scan3A_224 = arith.constant 0 : i32
            %scan3A_225 = arith.constant 16 : i32
            %scan3A_226 = arith.addi %scan3A_224, %scan3A_225 : i32
            %scan3A_227 = arith.constant 1 : i32
            scf.for %scan3A_229 = %scan3A_224 to %scan3A_226 step %scan3A_227  : i32 {
              %mul3A_230 = arith.constant 1 : i32
              %mul3A_231 = arith.muli %scan3A_229, %mul3A_230 : i32
              %add3A_232 = arith.constant 0 : i32
              %add3A_233 = arith.addi %add3A_232, %mul3A_231 : i32
              %eq3A = vector.broadcast %add3A_233 : i32 to vector<16xi32>
              %eq3A_234 = arith.cmpi eq, %iota3A_206, %eq3A : vector<16xi32>
              %jit3A_235 = arith.constant 0 : i32
              %broadcast_in_dim3A_236 = vector.broadcast %jit3A_235 : i32 to vector<16xi32>
              %select_n3A_237 = arith.select %eq3A_234, %get3A_223, %broadcast_in_dim3A_236 : vector<16xi1>, vector<16xi32>
              %reduce_max3A = arith.constant true
              %reduce_max3A_238 = vector.broadcast %reduce_max3A : i1 to vector<16xi1>
              %reduce_max3A_239 = arith.constant -2147483648 : i32
              %reduce_max3A_240 = vector.broadcast %reduce_max3A_239 : i32 to vector<16xi32>
              %reduce_max3A_241 = arith.xori %select_n3A_237, %reduce_max3A_240 : vector<16xi32>
              %reduce_max3A_242 = tpu.scan <max>, %reduce_max3A_241 masked %reduce_max3A_238 : vector<16xi32>, vector<16xi1> -> vector<16xi32>
              %reduce_max3A_243 = arith.xori %reduce_max3A_242, %reduce_max3A_240 : vector<16xi32>
              %reduce_max3A_244 = vector.extract %reduce_max3A_243[15] : i32 from vector<16xi32>
              %mul3A_245 = arith.constant 16 : i32
              %mul3A_246 = arith.muli %add3A_219, %mul3A_245 : i32
              %add3A_247 = arith.addi %mul3A_246, %add3A_233 : i32
              %get3A_248 = arith.index_cast %reduce_max3A_244 : i32 to index
              %get3A_249 = arith.constant 0 : index
              %get3A_250 = tpu.vector_load %arg9[%get3A_248, %get3A_249] {strides = array<i32>} : memref<321x128xi32, #tpu.memory_space<vmem>>, vector<16xi32>,
              %bitcast3A = vector.bitcast %get3A_250 : vector<16xi32> to vector<32xbf16>
              %get3A_251 = arith.index_cast %add3A_247 : i32 to index
              %get3A_252 = arith.constant 0 : index
              %get3A_253 = tpu.vector_load %arg10[%get3A_251, %get3A_252] {strides = array<i32>} : memref<512x128xi32, #tpu.memory_space<vmem>>, vector<16xi32>,
              %bitcast3A_254 = vector.bitcast %get3A_253 : vector<16xi32> to vector<32xbf16>
              %max3A = arith.maximumf %bitcast3A, %bitcast3A_254 : vector<32xbf16>
              %bitcast3A_255 = vector.bitcast %max3A : vector<32xbf16> to vector<16xi32>
              %swap3A_256 = arith.index_cast %reduce_max3A_244 : i32 to index
              %swap3A_257 = arith.constant 0 : index
              %swap3A_258 = tpu.vector_load %arg9[%swap3A_256, %swap3A_257] {strides = array<i32>} : memref<321x128xi32, #tpu.memory_space<vmem>>, vector<16xi32>,
              tpu.vector_store %arg9[%swap3A_256, %swap3A_257], %bitcast3A_255 {strides = array<i32>} : memref<321x128xi32, #tpu.memory_space<vmem>>, vector<16xi32>,
              %get3A_259 = arith.index_cast %reduce_max3A_244 : i32 to index
              %get3A_260 = arith.constant 16 : index
              %get3A_261 = tpu.vector_load %arg9[%get3A_259, %get3A_260] {strides = array<i32>} : memref<321x128xi32, #tpu.memory_space<vmem>>, vector<16xi32>,
              %bitcast3A_262 = vector.bitcast %get3A_261 : vector<16xi32> to vector<32xbf16>
              %get3A_263 = arith.index_cast %add3A_247 : i32 to index
              %get3A_264 = arith.constant 16 : index
              %get3A_265 = tpu.vector_load %arg10[%get3A_263, %get3A_264] {strides = array<i32>} : memref<512x128xi32, #tpu.memory_space<vmem>>, vector<16xi32>,
              %bitcast3A_266 = vector.bitcast %get3A_265 : vector<16xi32> to vector<32xbf16>
              %max3A_267 = arith.maximumf %bitcast3A_262, %bitcast3A_266 : vector<32xbf16>
              %bitcast3A_268 = vector.bitcast %max3A_267 : vector<32xbf16> to vector<16xi32>
              %swap3A_269 = arith.index_cast %reduce_max3A_244 : i32 to index
              %swap3A_270 = arith.constant 16 : index
              %swap3A_271 = tpu.vector_load %arg9[%swap3A_269, %swap3A_270] {strides = array<i32>} : memref<321x128xi32, #tpu.memory_space<vmem>>, vector<16xi32>,
              tpu.vector_store %arg9[%swap3A_269, %swap3A_270], %bitcast3A_268 {strides = array<i32>} : memref<321x128xi32, #tpu.memory_space<vmem>>, vector<16xi32>,
              %get3A_272 = arith.index_cast %reduce_max3A_244 : i32 to index
              %get3A_273 = arith.constant 32 : index
              %get3A_274 = tpu.vector_load %arg9[%get3A_272, %get3A_273] {strides = array<i32>} : memref<321x128xi32, #tpu.memory_space<vmem>>, vector<16xi32>,
              %bitcast3A_275 = vector.bitcast %get3A_274 : vector<16xi32> to vector<32xbf16>
              %get3A_276 = arith.index_cast %add3A_247 : i32 to index
              %get3A_277 = arith.constant 32 : index
              %get3A_278 = tpu.vector_load %arg10[%get3A_276, %get3A_277] {strides = array<i32>} : memref<512x128xi32, #tpu.memory_space<vmem>>, vector<16xi32>,
              %bitcast3A_279 = vector.bitcast %get3A_278 : vector<16xi32> to vector<32xbf16>
              %max3A_280 = arith.maximumf %bitcast3A_275, %bitcast3A_279 : vector<32xbf16>
              %bitcast3A_281 = vector.bitcast %max3A_280 : vector<32xbf16> to vector<16xi32>
              %swap3A_282 = arith.index_cast %reduce_max3A_244 : i32 to index
              %swap3A_283 = arith.constant 32 : index
              %swap3A_284 = tpu.vector_load %arg9[%swap3A_282, %swap3A_283] {strides = array<i32>} : memref<321x128xi32, #tpu.memory_space<vmem>>, vector<16xi32>,
              tpu.vector_store %arg9[%swap3A_282, %swap3A_283], %bitcast3A_281 {strides = array<i32>} : memref<321x128xi32, #tpu.memory_space<vmem>>, vector<16xi32>,
              %get3A_285 = arith.index_cast %reduce_max3A_244 : i32 to index
              %get3A_286 = arith.constant 48 : index
              %get3A_287 = tpu.vector_load %arg9[%get3A_285, %get3A_286] {strides = array<i32>} : memref<321x128xi32, #tpu.memory_space<vmem>>, vector<16xi32>,
              %bitcast3A_288 = vector.bitcast %get3A_287 : vector<16xi32> to vector<32xbf16>
              %get3A_289 = arith.index_cast %add3A_247 : i32 to index
              %get3A_290 = arith.constant 48 : index
              %get3A_291 = tpu.vector_load %arg10[%get3A_289, %get3A_290] {strides = array<i32>} : memref<512x128xi32, #tpu.memory_space<vmem>>, vector<16xi32>,
              %bitcast3A_292 = vector.bitcast %get3A_291 : vector<16xi32> to vector<32xbf16>
              %max3A_293 = arith.maximumf %bitcast3A_288, %bitcast3A_292 : vector<32xbf16>
              %bitcast3A_294 = vector.bitcast %max3A_293 : vector<32xbf16> to vector<16xi32>
              %swap3A_295 = arith.index_cast %reduce_max3A_244 : i32 to index
              %swap3A_296 = arith.constant 48 : index
              %swap3A_297 = tpu.vector_load %arg9[%swap3A_295, %swap3A_296] {strides = array<i32>} : memref<321x128xi32, #tpu.memory_space<vmem>>, vector<16xi32>,
              tpu.vector_store %arg9[%swap3A_295, %swap3A_296], %bitcast3A_294 {strides = array<i32>} : memref<321x128xi32, #tpu.memory_space<vmem>>, vector<16xi32>,
              %get3A_298 = arith.index_cast %reduce_max3A_244 : i32 to index
              %get3A_299 = arith.constant 64 : index
              %get3A_300 = tpu.vector_load %arg9[%get3A_298, %get3A_299] {strides = array<i32>} : memref<321x128xi32, #tpu.memory_space<vmem>>, vector<16xi32>,
              %bitcast3A_301 = vector.bitcast %get3A_300 : vector<16xi32> to vector<32xbf16>
              %get3A_302 = arith.index_cast %add3A_247 : i32 to index
              %get3A_303 = arith.constant 64 : index
              %get3A_304 = tpu.vector_load %arg10[%get3A_302, %get3A_303] {strides = array<i32>} : memref<512x128xi32, #tpu.memory_space<vmem>>, vector<16xi32>,
              %bitcast3A_305 = vector.bitcast %get3A_304 : vector<16xi32> to vector<32xbf16>
              %max3A_306 = arith.maximumf %bitcast3A_301, %bitcast3A_305 : vector<32xbf16>
              %bitcast3A_307 = vector.bitcast %max3A_306 : vector<32xbf16> to vector<16xi32>
              %swap3A_308 = arith.index_cast %reduce_max3A_244 : i32 to index
              %swap3A_309 = arith.constant 64 : index
              %swap3A_310 = tpu.vector_load %arg9[%swap3A_308, %swap3A_309] {strides = array<i32>} : memref<321x128xi32, #tpu.memory_space<vmem>>, vector<16xi32>,
              tpu.vector_store %arg9[%swap3A_308, %swap3A_309], %bitcast3A_307 {strides = array<i32>} : memref<321x128xi32, #tpu.memory_space<vmem>>, vector<16xi32>,
              %get3A_311 = arith.index_cast %reduce_max3A_244 : i32 to index
              %get3A_312 = arith.constant 80 : index
              %get3A_313 = tpu.vector_load %arg9[%get3A_311, %get3A_312] {strides = array<i32>} : memref<321x128xi32, #tpu.memory_space<vmem>>, vector<16xi32>,
              %bitcast3A_314 = vector.bitcast %get3A_313 : vector<16xi32> to vector<32xbf16>
              %get3A_315 = arith.index_cast %add3A_247 : i32 to index
              %get3A_316 = arith.constant 80 : index
              %get3A_317 = tpu.vector_load %arg10[%get3A_315, %get3A_316] {strides = array<i32>} : memref<512x128xi32, #tpu.memory_space<vmem>>, vector<16xi32>,
              %bitcast3A_318 = vector.bitcast %get3A_317 : vector<16xi32> to vector<32xbf16>
              %max3A_319 = arith.maximumf %bitcast3A_314, %bitcast3A_318 : vector<32xbf16>
              %bitcast3A_320 = vector.bitcast %max3A_319 : vector<32xbf16> to vector<16xi32>
              %swap3A_321 = arith.index_cast %reduce_max3A_244 : i32 to index
              %swap3A_322 = arith.constant 80 : index
              %swap3A_323 = tpu.vector_load %arg9[%swap3A_321, %swap3A_322] {strides = array<i32>} : memref<321x128xi32, #tpu.memory_space<vmem>>, vector<16xi32>,
              tpu.vector_store %arg9[%swap3A_321, %swap3A_322], %bitcast3A_320 {strides = array<i32>} : memref<321x128xi32, #tpu.memory_space<vmem>>, vector<16xi32>,
              %get3A_324 = arith.index_cast %reduce_max3A_244 : i32 to index
              %get3A_325 = arith.constant 96 : index
              %get3A_326 = tpu.vector_load %arg9[%get3A_324, %get3A_325] {strides = array<i32>} : memref<321x128xi32, #tpu.memory_space<vmem>>, vector<16xi32>,
              %bitcast3A_327 = vector.bitcast %get3A_326 : vector<16xi32> to vector<32xbf16>
              %get3A_328 = arith.index_cast %add3A_247 : i32 to index
              %get3A_329 = arith.constant 96 : index
              %get3A_330 = tpu.vector_load %arg10[%get3A_328, %get3A_329] {strides = array<i32>} : memref<512x128xi32, #tpu.memory_space<vmem>>, vector<16xi32>,
              %bitcast3A_331 = vector.bitcast %get3A_330 : vector<16xi32> to vector<32xbf16>
              %max3A_332 = arith.maximumf %bitcast3A_327, %bitcast3A_331 : vector<32xbf16>
              %bitcast3A_333 = vector.bitcast %max3A_332 : vector<32xbf16> to vector<16xi32>
              %swap3A_334 = arith.index_cast %reduce_max3A_244 : i32 to index
              %swap3A_335 = arith.constant 96 : index
              %swap3A_336 = tpu.vector_load %arg9[%swap3A_334, %swap3A_335] {strides = array<i32>} : memref<321x128xi32, #tpu.memory_space<vmem>>, vector<16xi32>,
              tpu.vector_store %arg9[%swap3A_334, %swap3A_335], %bitcast3A_333 {strides = array<i32>} : memref<321x128xi32, #tpu.memory_space<vmem>>, vector<16xi32>,
              %get3A_337 = arith.index_cast %reduce_max3A_244 : i32 to index
              %get3A_338 = arith.constant 112 : index
              %get3A_339 = tpu.vector_load %arg9[%get3A_337, %get3A_338] {strides = array<i32>} : memref<321x128xi32, #tpu.memory_space<vmem>>, vector<16xi32>,
              %bitcast3A_340 = vector.bitcast %get3A_339 : vector<16xi32> to vector<32xbf16>
              %get3A_341 = arith.index_cast %add3A_247 : i32 to index
              %get3A_342 = arith.constant 112 : index
              %get3A_343 = tpu.vector_load %arg10[%get3A_341, %get3A_342] {strides = array<i32>} : memref<512x128xi32, #tpu.memory_space<vmem>>, vector<16xi32>,
              %bitcast3A_344 = vector.bitcast %get3A_343 : vector<16xi32> to vector<32xbf16>
              %max3A_345 = arith.maximumf %bitcast3A_340, %bitcast3A_344 : vector<32xbf16>
              %bitcast3A_346 = vector.bitcast %max3A_345 : vector<32xbf16> to vector<16xi32>
              %swap3A_347 = arith.index_cast %reduce_max3A_244 : i32 to index
              %swap3A_348 = arith.constant 112 : index
              %swap3A_349 = tpu.vector_load %arg9[%swap3A_347, %swap3A_348] {strides = array<i32>} : memref<321x128xi32, #tpu.memory_space<vmem>>, vector<16xi32>,
              tpu.vector_store %arg9[%swap3A_347, %swap3A_348], %bitcast3A_346 {strides = array<i32>} : memref<321x128xi32, #tpu.memory_space<vmem>>, vector<16xi32>,
            }
            %scan3A_228 = arith.constant 16 : i32
          }
          %scan3A_211 = arith.constant 32 : i32
          %add3A_212 = arith.constant 1 : i32
          %add3A_213 = arith.addi %scan3A_111, %add3A_212 : i32
          %cond3A_214 = arith.constant 0 : i32
          scf.yield %cond3A_214, %add3A_213 : i32, i32
        } else {
          scf.yield %scan3A_110, %scan3A_111 : i32, i32
        }
        %swap3A_132 = arith.index_cast %cond3A_131#0 : i32 to index
        %swap3A_133 = tpu.vector_load %arg11[%swap3A_132] masked %and3A {strides = array<i32>} : memref<512xi32, #tpu.memory_space<vmem>>, vector<16xi32>, vector<16xi1>
        tpu.vector_store %arg11[%swap3A_132], %get3A_114 masked %and3A {strides = array<i32>} : memref<512xi32, #tpu.memory_space<vmem>>, vector<16xi32>, vector<16xi1>
        %sub3A = vector.broadcast %mul3A_2 : i32 to vector<16xi32>
        %sub3A_134 = arith.subi %get3A_118, %sub3A : vector<16xi32>
        %swap3A_135 = arith.index_cast %cond3A_131#0 : i32 to index
        %swap3A_136 = tpu.vector_load %arg12[%swap3A_135] masked %and3A {strides = array<i32>} : memref<512xi32, #tpu.memory_space<vmem>>, vector<16xi32>, vector<16xi1>
        tpu.vector_store %arg12[%swap3A_135], %sub3A_134 masked %and3A {strides = array<i32>} : memref<512xi32, #tpu.memory_space<vmem>>, vector<16xi32>, vector<16xi1>
        %add3A_137 = arith.addi %cond3A_131#0, %reduce_sum3A_128 : i32
        scf.yield %add3A_137, %cond3A_131#1 : i32, i32
      }
      %scan3A_108 = arith.constant 500 : i32
      scf.yield %scan3A_107#0, %scan3A_107#1 : i32, i32
    }
    %scan3A_20 = arith.constant 20 : i32
    %mul3A_21 = arith.constant 512 : i32
    %mul3A_22 = arith.muli %scan3A_19#1, %mul3A_21 : i32
    "tpu.region"() ({
      %run_scoped3A = tpu.sem_alloc : memref<!tpu.dma_semaphore, #tpu.memory_space<semaphore_mem>>
      %dma_start3A_96 = tpu.memref_slice %arg6[%add3A, %mul3A_22] : memref<32x172032xi32, #tpu.memory_space<hbm>> -> memref<1x512xi32, #tpu.memory_space<hbm>>
      %dma_start3A_97 = tpu.memref_squeeze %dma_start3A_96 : memref<1x512xi32, #tpu.memory_space<hbm>> -> memref<512xi32, #tpu.memory_space<hbm>>
      %dma_start3A_98 = tpu.memref_slice %arg6[%add3A, %mul3A_22] : memref<32x172032xi32, #tpu.memory_space<hbm>> -> memref<1x512xi32, #tpu.memory_space<hbm>>
      %dma_start3A_99 = tpu.memref_squeeze %dma_start3A_98 : memref<1x512xi32, #tpu.memory_space<hbm>> -> memref<512xi32, #tpu.memory_space<hbm>>
      tpu.enqueue_dma source(%arg11 : memref<512xi32, #tpu.memory_space<vmem>>) target(%dma_start3A_99 : memref<512xi32, #tpu.memory_space<hbm>>) target_semaphore(%run_scoped3A : memref<!tpu.dma_semaphore, #tpu.memory_space<semaphore_mem>>)
      %dma_wait3A_100 = tpu.memref_slice %arg6[%add3A, %mul3A_22] : memref<32x172032xi32, #tpu.memory_space<hbm>> -> memref<1x512xi32, #tpu.memory_space<hbm>>
      %dma_wait3A_101 = tpu.memref_squeeze %dma_wait3A_100 : memref<1x512xi32, #tpu.memory_space<hbm>> -> memref<512xi32, #tpu.memory_space<hbm>>
      %dma_wait3A_102 = tpu.memref_slice %arg6[%add3A, %mul3A_22] : memref<32x172032xi32, #tpu.memory_space<hbm>> -> memref<1x512xi32, #tpu.memory_space<hbm>>
      %dma_wait3A_103 = tpu.memref_squeeze %dma_wait3A_102 : memref<1x512xi32, #tpu.memory_space<hbm>> -> memref<512xi32, #tpu.memory_space<hbm>>
      tpu.wait_dma2 semaphore(%run_scoped3A : memref<!tpu.dma_semaphore, #tpu.memory_space<semaphore_mem>>) src(%arg11 : memref<512xi32, #tpu.memory_space<vmem>>) dst(%dma_wait3A_103 : memref<512xi32, #tpu.memory_space<hbm>>)
      tpu.yield
    }) : () -> ()
    %mul3A_23 = arith.constant 512 : i32
    %mul3A_24 = arith.muli %scan3A_19#1, %mul3A_23 : i32
    "tpu.region"() ({
      %run_scoped3A = tpu.sem_alloc : memref<!tpu.dma_semaphore, #tpu.memory_space<semaphore_mem>>
      %dma_start3A_96 = tpu.memref_slice %arg7[%add3A, %mul3A_24] : memref<32x172032xi32, #tpu.memory_space<hbm>> -> memref<1x512xi32, #tpu.memory_space<hbm>>
      %dma_start3A_97 = tpu.memref_squeeze %dma_start3A_96 : memref<1x512xi32, #tpu.memory_space<hbm>> -> memref<512xi32, #tpu.memory_space<hbm>>
      %dma_start3A_98 = tpu.memref_slice %arg7[%add3A, %mul3A_24] : memref<32x172032xi32, #tpu.memory_space<hbm>> -> memref<1x512xi32, #tpu.memory_space<hbm>>
      %dma_start3A_99 = tpu.memref_squeeze %dma_start3A_98 : memref<1x512xi32, #tpu.memory_space<hbm>> -> memref<512xi32, #tpu.memory_space<hbm>>
      tpu.enqueue_dma source(%arg12 : memref<512xi32, #tpu.memory_space<vmem>>) target(%dma_start3A_99 : memref<512xi32, #tpu.memory_space<hbm>>) target_semaphore(%run_scoped3A : memref<!tpu.dma_semaphore, #tpu.memory_space<semaphore_mem>>)
      %dma_wait3A_100 = tpu.memref_slice %arg7[%add3A, %mul3A_24] : memref<32x172032xi32, #tpu.memory_space<hbm>> -> memref<1x512xi32, #tpu.memory_space<hbm>>
      %dma_wait3A_101 = tpu.memref_squeeze %dma_wait3A_100 : memref<1x512xi32, #tpu.memory_space<hbm>> -> memref<512xi32, #tpu.memory_space<hbm>>
      %dma_wait3A_102 = tpu.memref_slice %arg7[%add3A, %mul3A_24] : memref<32x172032xi32, #tpu.memory_space<hbm>> -> memref<1x512xi32, #tpu.memory_space<hbm>>
      %dma_wait3A_103 = tpu.memref_squeeze %dma_wait3A_102 : memref<1x512xi32, #tpu.memory_space<hbm>> -> memref<512xi32, #tpu.memory_space<hbm>>
      tpu.wait_dma2 semaphore(%run_scoped3A : memref<!tpu.dma_semaphore, #tpu.memory_space<semaphore_mem>>) src(%arg12 : memref<512xi32, #tpu.memory_space<vmem>>) dst(%dma_wait3A_103 : memref<512xi32, #tpu.memory_space<hbm>>)
      tpu.yield
    }) : () -> ()
    %dma_start3A = arith.constant 0 : i32
    %dma_start3A_25 = arith.constant 0 : i32
    %dma_start3A_26 = tpu.memref_slice %arg10[%dma_start3A, %dma_start3A_25] : memref<512x128xi32, #tpu.memory_space<vmem>> -> memref<128x128xi32, #tpu.memory_space<vmem>>
    %dma_start3A_27 = arith.constant 0 : i32
    %dma_start3A_28 = tpu.memref_slice %arg11[%dma_start3A_27] : memref<512xi32, #tpu.memory_space<vmem>> -> memref<128xi32, #tpu.memory_space<vmem>>
    %dma_start3A_29 = arith.constant 0 : i32
    %dma_start3A_30 = arith.constant 0 : i32
    %dma_start3A_31 = tpu.memref_slice %arg2[%dma_start3A_29, %dma_start3A_30] : memref<10000x128xi32, #tpu.memory_space<hbm>> -> memref<10000x128xi32, #tpu.memory_space<hbm>>
    tpu.enqueue_indirect_dma source(%dma_start3A_31 : memref<10000x128xi32, #tpu.memory_space<hbm>>) target(%dma_start3A_26 : memref<128x128xi32, #tpu.memory_space<vmem>>) offsets(%dma_start3A_28 : memref<128xi32, #tpu.memory_space<vmem>>) semaphore(%arg16 : memref<!tpu.dma_semaphore, #tpu.memory_space<semaphore_mem>>)
    %dma_start3A_32 = arith.constant 128 : i32
    %dma_start3A_33 = arith.constant 0 : i32
    %dma_start3A_34 = tpu.memref_slice %arg10[%dma_start3A_32, %dma_start3A_33] : memref<512x128xi32, #tpu.memory_space<vmem>> -> memref<128x128xi32, #tpu.memory_space<vmem>>
    %dma_start3A_35 = arith.constant 128 : i32
    %dma_start3A_36 = tpu.memref_slice %arg11[%dma_start3A_35] : memref<512xi32, #tpu.memory_space<vmem>> -> memref<128xi32, #tpu.memory_space<vmem>>
    %dma_start3A_37 = arith.constant 0 : i32
    %dma_start3A_38 = arith.constant 0 : i32
    %dma_start3A_39 = tpu.memref_slice %arg2[%dma_start3A_37, %dma_start3A_38] : memref<10000x128xi32, #tpu.memory_space<hbm>> -> memref<10000x128xi32, #tpu.memory_space<hbm>>
    tpu.enqueue_indirect_dma source(%dma_start3A_39 : memref<10000x128xi32, #tpu.memory_space<hbm>>) target(%dma_start3A_34 : memref<128x128xi32, #tpu.memory_space<vmem>>) offsets(%dma_start3A_36 : memref<128xi32, #tpu.memory_space<vmem>>) semaphore(%arg16 : memref<!tpu.dma_semaphore, #tpu.memory_space<semaphore_mem>>)
    %dma_start3A_40 = arith.constant 256 : i32
    %dma_start3A_41 = arith.constant 0 : i32
    %dma_start3A_42 = tpu.memref_slice %arg10[%dma_start3A_40, %dma_start3A_41] : memref<512x128xi32, #tpu.memory_space<vmem>> -> memref<128x128xi32, #tpu.memory_space<vmem>>
    %dma_start3A_43 = arith.constant 256 : i32
    %dma_start3A_44 = tpu.memref_slice %arg11[%dma_start3A_43] : memref<512xi32, #tpu.memory_space<vmem>> -> memref<128xi32, #tpu.memory_space<vmem>>
    %dma_start3A_45 = arith.constant 0 : i32
    %dma_start3A_46 = arith.constant 0 : i32
    %dma_start3A_47 = tpu.memref_slice %arg2[%dma_start3A_45, %dma_start3A_46] : memref<10000x128xi32, #tpu.memory_space<hbm>> -> memref<10000x128xi32, #tpu.memory_space<hbm>>
    tpu.enqueue_indirect_dma source(%dma_start3A_47 : memref<10000x128xi32, #tpu.memory_space<hbm>>) target(%dma_start3A_42 : memref<128x128xi32, #tpu.memory_space<vmem>>) offsets(%dma_start3A_44 : memref<128xi32, #tpu.memory_space<vmem>>) semaphore(%arg16 : memref<!tpu.dma_semaphore, #tpu.memory_space<semaphore_mem>>)
    %dma_start3A_48 = arith.constant 384 : i32
    %dma_start3A_49 = arith.constant 0 : i32
    %dma_start3A_50 = tpu.memref_slice %arg10[%dma_start3A_48, %dma_start3A_49] : memref<512x128xi32, #tpu.memory_space<vmem>> -> memref<128x128xi32, #tpu.memory_space<vmem>>
    %dma_start3A_51 = arith.constant 384 : i32
    %dma_start3A_52 = tpu.memref_slice %arg11[%dma_start3A_51] : memref<512xi32, #tpu.memory_space<vmem>> -> memref<128xi32, #tpu.memory_space<vmem>>
    %dma_start3A_53 = arith.constant 0 : i32
    %dma_start3A_54 = arith.constant 0 : i32
    %dma_start3A_55 = tpu.memref_slice %arg2[%dma_start3A_53, %dma_start3A_54] : memref<10000x128xi32, #tpu.memory_space<hbm>> -> memref<10000x128xi32, #tpu.memory_space<hbm>>
    tpu.enqueue_indirect_dma source(%dma_start3A_55 : memref<10000x128xi32, #tpu.memory_space<hbm>>) target(%dma_start3A_50 : memref<128x128xi32, #tpu.memory_space<vmem>>) offsets(%dma_start3A_52 : memref<128xi32, #tpu.memory_space<vmem>>) semaphore(%arg16 : memref<!tpu.dma_semaphore, #tpu.memory_space<semaphore_mem>>)
    %dma_wait3A = arith.constant 0 : i32
    %dma_wait3A_56 = arith.constant 0 : i32
    %dma_wait3A_57 = tpu.memref_slice %arg10[%dma_wait3A, %dma_wait3A_56] : memref<512x128xi32, #tpu.memory_space<vmem>> -> memref<128x128xi32, #tpu.memory_space<vmem>>
    %dma_wait3A_58 = arith.constant 0 : i32
    %dma_wait3A_59 = tpu.memref_slice %arg11[%dma_wait3A_58] : memref<512xi32, #tpu.memory_space<vmem>> -> memref<128xi32, #tpu.memory_space<vmem>>
    %dma_wait3A_60 = arith.constant 0 : i32
    %dma_wait3A_61 = arith.constant 0 : i32
    %dma_wait3A_62 = tpu.memref_slice %arg2[%dma_wait3A_60, %dma_wait3A_61] : memref<10000x128xi32, #tpu.memory_space<hbm>> -> memref<10000x128xi32, #tpu.memory_space<hbm>>
    tpu.wait_indirect_dma semaphore(%arg16 : memref<!tpu.dma_semaphore, #tpu.memory_space<semaphore_mem>>) src(%dma_wait3A_62 : memref<10000x128xi32, #tpu.memory_space<hbm>>) dst(%dma_wait3A_57 : memref<128x128xi32, #tpu.memory_space<vmem>>)
    %dma_wait3A_63 = arith.constant 128 : i32
    %dma_wait3A_64 = arith.constant 0 : i32
    %dma_wait3A_65 = tpu.memref_slice %arg10[%dma_wait3A_63, %dma_wait3A_64] : memref<512x128xi32, #tpu.memory_space<vmem>> -> memref<128x128xi32, #tpu.memory_space<vmem>>
    %dma_wait3A_66 = arith.constant 128 : i32
    %dma_wait3A_67 = tpu.memref_slice %arg11[%dma_wait3A_66] : memref<512xi32, #tpu.memory_space<vmem>> -> memref<128xi32, #tpu.memory_space<vmem>>
    %dma_wait3A_68 = arith.constant 0 : i32
    %dma_wait3A_69 = arith.constant 0 : i32
    %dma_wait3A_70 = tpu.memref_slice %arg2[%dma_wait3A_68, %dma_wait3A_69] : memref<10000x128xi32, #tpu.memory_space<hbm>> -> memref<10000x128xi32, #tpu.memory_space<hbm>>
    tpu.wait_indirect_dma semaphore(%arg16 : memref<!tpu.dma_semaphore, #tpu.memory_space<semaphore_mem>>) src(%dma_wait3A_70 : memref<10000x128xi32, #tpu.memory_space<hbm>>) dst(%dma_wait3A_65 : memref<128x128xi32, #tpu.memory_space<vmem>>)
    %dma_wait3A_71 = arith.constant 256 : i32
    %dma_wait3A_72 = arith.constant 0 : i32
    %dma_wait3A_73 = tpu.memref_slice %arg10[%dma_wait3A_71, %dma_wait3A_72] : memref<512x128xi32, #tpu.memory_space<vmem>> -> memref<128x128xi32, #tpu.memory_space<vmem>>
    %dma_wait3A_74 = arith.constant 256 : i32
    %dma_wait3A_75 = tpu.memref_slice %arg11[%dma_wait3A_74] : memref<512xi32, #tpu.memory_space<vmem>> -> memref<128xi32, #tpu.memory_space<vmem>>
    %dma_wait3A_76 = arith.constant 0 : i32
    %dma_wait3A_77 = arith.constant 0 : i32
    %dma_wait3A_78 = tpu.memref_slice %arg2[%dma_wait3A_76, %dma_wait3A_77] : memref<10000x128xi32, #tpu.memory_space<hbm>> -> memref<10000x128xi32, #tpu.memory_space<hbm>>
    tpu.wait_indirect_dma semaphore(%arg16 : memref<!tpu.dma_semaphore, #tpu.memory_space<semaphore_mem>>) src(%dma_wait3A_78 : memref<10000x128xi32, #tpu.memory_space<hbm>>) dst(%dma_wait3A_73 : memref<128x128xi32, #tpu.memory_space<vmem>>)
    %dma_wait3A_79 = arith.constant 384 : i32
    %dma_wait3A_80 = arith.constant 0 : i32
    %dma_wait3A_81 = tpu.memref_slice %arg10[%dma_wait3A_79, %dma_wait3A_80] : memref<512x128xi32, #tpu.memory_space<vmem>> -> memref<128x128xi32, #tpu.memory_space<vmem>>
    %dma_wait3A_82 = arith.constant 384 : i32
    %dma_wait3A_83 = tpu.memref_slice %arg11[%dma_wait3A_82] : memref<512xi32, #tpu.memory_space<vmem>> -> memref<128xi32, #tpu.memory_space<vmem>>
    %dma_wait3A_84 = arith.constant 0 : i32
    %dma_wait3A_85 = arith.constant 0 : i32
    %dma_wait3A_86 = tpu.memref_slice %arg2[%dma_wait3A_84, %dma_wait3A_85] : memref<10000x128xi32, #tpu.memory_space<hbm>> -> memref<10000x128xi32, #tpu.memory_space<hbm>>
    tpu.wait_indirect_dma semaphore(%arg16 : memref<!tpu.dma_semaphore, #tpu.memory_space<semaphore_mem>>) src(%dma_wait3A_86 : memref<10000x128xi32, #tpu.memory_space<hbm>>) dst(%dma_wait3A_81 : memref<128x128xi32, #tpu.memory_space<vmem>>)
    %iota3A = tpu.iota {dimensions = array<i32: 0>} : vector<16xi32>
    %scan3A_87 = arith.constant 0 : i32
    %scan3A_88 = arith.constant 32 : i32
    %scan3A_89 = arith.addi %scan3A_87, %scan3A_88 : i32
    %scan3A_90 = arith.constant 1 : i32
    scf.for %scan3A_96 = %scan3A_87 to %scan3A_89 step %scan3A_90  : i32 {
      %mul3A_97 = arith.constant 1 : i32
      %mul3A_98 = arith.muli %scan3A_96, %mul3A_97 : i32
      %add3A_99 = arith.constant 0 : i32
      %add3A_100 = arith.addi %add3A_99, %mul3A_98 : i32
      %mul3A_101 = arith.constant 16 : i32
      %mul3A_102 = arith.muli %add3A_100, %mul3A_101 : i32
      %get3A = arith.index_cast %mul3A_102 : i32 to index
      %get3A_103 = tpu.vector_load %arg12[%get3A] {strides = array<i32>} : memref<512xi32, #tpu.memory_space<vmem>>, vector<16xi32>,
      %scan3A_104 = arith.constant 0 : i32
      %scan3A_105 = arith.constant 16 : i32
      %scan3A_106 = arith.addi %scan3A_104, %scan3A_105 : i32
      %scan3A_107 = arith.constant 1 : i32
      scf.for %scan3A_109 = %scan3A_104 to %scan3A_106 step %scan3A_107  : i32 {
        %mul3A_110 = arith.constant 1 : i32
        %mul3A_111 = arith.muli %scan3A_109, %mul3A_110 : i32
        %add3A_112 = arith.constant 0 : i32
        %add3A_113 = arith.addi %add3A_112, %mul3A_111 : i32
        %eq3A = vector.broadcast %add3A_113 : i32 to vector<16xi32>
        %eq3A_114 = arith.cmpi eq, %iota3A, %eq3A : vector<16xi32>
        %jit3A = arith.constant 0 : i32
        %broadcast_in_dim3A_115 = vector.broadcast %jit3A : i32 to vector<16xi32>
        %select_n3A = arith.select %eq3A_114, %get3A_103, %broadcast_in_dim3A_115 : vector<16xi1>, vector<16xi32>
        %reduce_max3A = arith.constant true
        %reduce_max3A_116 = vector.broadcast %reduce_max3A : i1 to vector<16xi1>
        %reduce_max3A_117 = arith.constant -2147483648 : i32
        %reduce_max3A_118 = vector.broadcast %reduce_max3A_117 : i32 to vector<16xi32>
        %reduce_max3A_119 = arith.xori %select_n3A, %reduce_max3A_118 : vector<16xi32>
        %reduce_max3A_120 = tpu.scan <max>, %reduce_max3A_119 masked %reduce_max3A_116 : vector<16xi32>, vector<16xi1> -> vector<16xi32>
        %reduce_max3A_121 = arith.xori %reduce_max3A_120, %reduce_max3A_118 : vector<16xi32>
        %reduce_max3A_122 = vector.extract %reduce_max3A_121[15] : i32 from vector<16xi32>
        %mul3A_123 = arith.constant 16 : i32
        %mul3A_124 = arith.muli %add3A_100, %mul3A_123 : i32
        %add3A_125 = arith.addi %mul3A_124, %add3A_113 : i32
        %get3A_126 = arith.index_cast %reduce_max3A_122 : i32 to index
        %get3A_127 = arith.constant 0 : index
        %get3A_128 = tpu.vector_load %arg9[%get3A_126, %get3A_127] {strides = array<i32>} : memref<321x128xi32, #tpu.memory_space<vmem>>, vector<16xi32>,
        %bitcast3A = vector.bitcast %get3A_128 : vector<16xi32> to vector<32xbf16>
        %get3A_129 = arith.index_cast %add3A_125 : i32 to index
        %get3A_130 = arith.constant 0 : index
        %get3A_131 = tpu.vector_load %arg10[%get3A_129, %get3A_130] {strides = array<i32>} : memref<512x128xi32, #tpu.memory_space<vmem>>, vector<16xi32>,
        %bitcast3A_132 = vector.bitcast %get3A_131 : vector<16xi32> to vector<32xbf16>
        %max3A = arith.maximumf %bitcast3A, %bitcast3A_132 : vector<32xbf16>
        %bitcast3A_133 = vector.bitcast %max3A : vector<32xbf16> to vector<16xi32>
        %swap3A_134 = arith.index_cast %reduce_max3A_122 : i32 to index
        %swap3A_135 = arith.constant 0 : index
        %swap3A_136 = tpu.vector_load %arg9[%swap3A_134, %swap3A_135] {strides = array<i32>} : memref<321x128xi32, #tpu.memory_space<vmem>>, vector<16xi32>,
        tpu.vector_store %arg9[%swap3A_134, %swap3A_135], %bitcast3A_133 {strides = array<i32>} : memref<321x128xi32, #tpu.memory_space<vmem>>, vector<16xi32>,
        %get3A_137 = arith.index_cast %reduce_max3A_122 : i32 to index
        %get3A_138 = arith.constant 16 : index
        %get3A_139 = tpu.vector_load %arg9[%get3A_137, %get3A_138] {strides = array<i32>} : memref<321x128xi32, #tpu.memory_space<vmem>>, vector<16xi32>,
        %bitcast3A_140 = vector.bitcast %get3A_139 : vector<16xi32> to vector<32xbf16>
        %get3A_141 = arith.index_cast %add3A_125 : i32 to index
        %get3A_142 = arith.constant 16 : index
        %get3A_143 = tpu.vector_load %arg10[%get3A_141, %get3A_142] {strides = array<i32>} : memref<512x128xi32, #tpu.memory_space<vmem>>, vector<16xi32>,
        %bitcast3A_144 = vector.bitcast %get3A_143 : vector<16xi32> to vector<32xbf16>
        %max3A_145 = arith.maximumf %bitcast3A_140, %bitcast3A_144 : vector<32xbf16>
        %bitcast3A_146 = vector.bitcast %max3A_145 : vector<32xbf16> to vector<16xi32>
        %swap3A_147 = arith.index_cast %reduce_max3A_122 : i32 to index
        %swap3A_148 = arith.constant 16 : index
        %swap3A_149 = tpu.vector_load %arg9[%swap3A_147, %swap3A_148] {strides = array<i32>} : memref<321x128xi32, #tpu.memory_space<vmem>>, vector<16xi32>,
        tpu.vector_store %arg9[%swap3A_147, %swap3A_148], %bitcast3A_146 {strides = array<i32>} : memref<321x128xi32, #tpu.memory_space<vmem>>, vector<16xi32>,
        %get3A_150 = arith.index_cast %reduce_max3A_122 : i32 to index
        %get3A_151 = arith.constant 32 : index
        %get3A_152 = tpu.vector_load %arg9[%get3A_150, %get3A_151] {strides = array<i32>} : memref<321x128xi32, #tpu.memory_space<vmem>>, vector<16xi32>,
        %bitcast3A_153 = vector.bitcast %get3A_152 : vector<16xi32> to vector<32xbf16>
        %get3A_154 = arith.index_cast %add3A_125 : i32 to index
        %get3A_155 = arith.constant 32 : index
        %get3A_156 = tpu.vector_load %arg10[%get3A_154, %get3A_155] {strides = array<i32>} : memref<512x128xi32, #tpu.memory_space<vmem>>, vector<16xi32>,
        %bitcast3A_157 = vector.bitcast %get3A_156 : vector<16xi32> to vector<32xbf16>
        %max3A_158 = arith.maximumf %bitcast3A_153, %bitcast3A_157 : vector<32xbf16>
        %bitcast3A_159 = vector.bitcast %max3A_158 : vector<32xbf16> to vector<16xi32>
        %swap3A_160 = arith.index_cast %reduce_max3A_122 : i32 to index
        %swap3A_161 = arith.constant 32 : index
        %swap3A_162 = tpu.vector_load %arg9[%swap3A_160, %swap3A_161] {strides = array<i32>} : memref<321x128xi32, #tpu.memory_space<vmem>>, vector<16xi32>,
        tpu.vector_store %arg9[%swap3A_160, %swap3A_161], %bitcast3A_159 {strides = array<i32>} : memref<321x128xi32, #tpu.memory_space<vmem>>, vector<16xi32>,
        %get3A_163 = arith.index_cast %reduce_max3A_122 : i32 to index
        %get3A_164 = arith.constant 48 : index
        %get3A_165 = tpu.vector_load %arg9[%get3A_163, %get3A_164] {strides = array<i32>} : memref<321x128xi32, #tpu.memory_space<vmem>>, vector<16xi32>,
        %bitcast3A_166 = vector.bitcast %get3A_165 : vector<16xi32> to vector<32xbf16>
        %get3A_167 = arith.index_cast %add3A_125 : i32 to index
        %get3A_168 = arith.constant 48 : index
        %get3A_169 = tpu.vector_load %arg10[%get3A_167, %get3A_168] {strides = array<i32>} : memref<512x128xi32, #tpu.memory_space<vmem>>, vector<16xi32>,
        %bitcast3A_170 = vector.bitcast %get3A_169 : vector<16xi32> to vector<32xbf16>
        %max3A_171 = arith.maximumf %bitcast3A_166, %bitcast3A_170 : vector<32xbf16>
        %bitcast3A_172 = vector.bitcast %max3A_171 : vector<32xbf16> to vector<16xi32>
        %swap3A_173 = arith.index_cast %reduce_max3A_122 : i32 to index
        %swap3A_174 = arith.constant 48 : index
        %swap3A_175 = tpu.vector_load %arg9[%swap3A_173, %swap3A_174] {strides = array<i32>} : memref<321x128xi32, #tpu.memory_space<vmem>>, vector<16xi32>,
        tpu.vector_store %arg9[%swap3A_173, %swap3A_174], %bitcast3A_172 {strides = array<i32>} : memref<321x128xi32, #tpu.memory_space<vmem>>, vector<16xi32>,
        %get3A_176 = arith.index_cast %reduce_max3A_122 : i32 to index
        %get3A_177 = arith.constant 64 : index
        %get3A_178 = tpu.vector_load %arg9[%get3A_176, %get3A_177] {strides = array<i32>} : memref<321x128xi32, #tpu.memory_space<vmem>>, vector<16xi32>,
        %bitcast3A_179 = vector.bitcast %get3A_178 : vector<16xi32> to vector<32xbf16>
        %get3A_180 = arith.index_cast %add3A_125 : i32 to index
        %get3A_181 = arith.constant 64 : index
        %get3A_182 = tpu.vector_load %arg10[%get3A_180, %get3A_181] {strides = array<i32>} : memref<512x128xi32, #tpu.memory_space<vmem>>, vector<16xi32>,
        %bitcast3A_183 = vector.bitcast %get3A_182 : vector<16xi32> to vector<32xbf16>
        %max3A_184 = arith.maximumf %bitcast3A_179, %bitcast3A_183 : vector<32xbf16>
        %bitcast3A_185 = vector.bitcast %max3A_184 : vector<32xbf16> to vector<16xi32>
        %swap3A_186 = arith.index_cast %reduce_max3A_122 : i32 to index
        %swap3A_187 = arith.constant 64 : index
        %swap3A_188 = tpu.vector_load %arg9[%swap3A_186, %swap3A_187] {strides = array<i32>} : memref<321x128xi32, #tpu.memory_space<vmem>>, vector<16xi32>,
        tpu.vector_store %arg9[%swap3A_186, %swap3A_187], %bitcast3A_185 {strides = array<i32>} : memref<321x128xi32, #tpu.memory_space<vmem>>, vector<16xi32>,
        %get3A_189 = arith.index_cast %reduce_max3A_122 : i32 to index
        %get3A_190 = arith.constant 80 : index
        %get3A_191 = tpu.vector_load %arg9[%get3A_189, %get3A_190] {strides = array<i32>} : memref<321x128xi32, #tpu.memory_space<vmem>>, vector<16xi32>,
        %bitcast3A_192 = vector.bitcast %get3A_191 : vector<16xi32> to vector<32xbf16>
        %get3A_193 = arith.index_cast %add3A_125 : i32 to index
        %get3A_194 = arith.constant 80 : index
        %get3A_195 = tpu.vector_load %arg10[%get3A_193, %get3A_194] {strides = array<i32>} : memref<512x128xi32, #tpu.memory_space<vmem>>, vector<16xi32>,
        %bitcast3A_196 = vector.bitcast %get3A_195 : vector<16xi32> to vector<32xbf16>
        %max3A_197 = arith.maximumf %bitcast3A_192, %bitcast3A_196 : vector<32xbf16>
        %bitcast3A_198 = vector.bitcast %max3A_197 : vector<32xbf16> to vector<16xi32>
        %swap3A_199 = arith.index_cast %reduce_max3A_122 : i32 to index
        %swap3A_200 = arith.constant 80 : index
        %swap3A_201 = tpu.vector_load %arg9[%swap3A_199, %swap3A_200] {strides = array<i32>} : memref<321x128xi32, #tpu.memory_space<vmem>>, vector<16xi32>,
        tpu.vector_store %arg9[%swap3A_199, %swap3A_200], %bitcast3A_198 {strides = array<i32>} : memref<321x128xi32, #tpu.memory_space<vmem>>, vector<16xi32>,
        %get3A_202 = arith.index_cast %reduce_max3A_122 : i32 to index
        %get3A_203 = arith.constant 96 : index
        %get3A_204 = tpu.vector_load %arg9[%get3A_202, %get3A_203] {strides = array<i32>} : memref<321x128xi32, #tpu.memory_space<vmem>>, vector<16xi32>,
        %bitcast3A_205 = vector.bitcast %get3A_204 : vector<16xi32> to vector<32xbf16>
        %get3A_206 = arith.index_cast %add3A_125 : i32 to index
        %get3A_207 = arith.constant 96 : index
        %get3A_208 = tpu.vector_load %arg10[%get3A_206, %get3A_207] {strides = array<i32>} : memref<512x128xi32, #tpu.memory_space<vmem>>, vector<16xi32>,
        %bitcast3A_209 = vector.bitcast %get3A_208 : vector<16xi32> to vector<32xbf16>
        %max3A_210 = arith.maximumf %bitcast3A_205, %bitcast3A_209 : vector<32xbf16>
        %bitcast3A_211 = vector.bitcast %max3A_210 : vector<32xbf16> to vector<16xi32>
        %swap3A_212 = arith.index_cast %reduce_max3A_122 : i32 to index
        %swap3A_213 = arith.constant 96 : index
        %swap3A_214 = tpu.vector_load %arg9[%swap3A_212, %swap3A_213] {strides = array<i32>} : memref<321x128xi32, #tpu.memory_space<vmem>>, vector<16xi32>,
        tpu.vector_store %arg9[%swap3A_212, %swap3A_213], %bitcast3A_211 {strides = array<i32>} : memref<321x128xi32, #tpu.memory_space<vmem>>, vector<16xi32>,
        %get3A_215 = arith.index_cast %reduce_max3A_122 : i32 to index
        %get3A_216 = arith.constant 112 : index
        %get3A_217 = tpu.vector_load %arg9[%get3A_215, %get3A_216] {strides = array<i32>} : memref<321x128xi32, #tpu.memory_space<vmem>>, vector<16xi32>,
        %bitcast3A_218 = vector.bitcast %get3A_217 : vector<16xi32> to vector<32xbf16>
        %get3A_219 = arith.index_cast %add3A_125 : i32 to index
        %get3A_220 = arith.constant 112 : index
        %get3A_221 = tpu.vector_load %arg10[%get3A_219, %get3A_220] {strides = array<i32>} : memref<512x128xi32, #tpu.memory_space<vmem>>, vector<16xi32>,
        %bitcast3A_222 = vector.bitcast %get3A_221 : vector<16xi32> to vector<32xbf16>
        %max3A_223 = arith.maximumf %bitcast3A_218, %bitcast3A_222 : vector<32xbf16>
        %bitcast3A_224 = vector.bitcast %max3A_223 : vector<32xbf16> to vector<16xi32>
        %swap3A_225 = arith.index_cast %reduce_max3A_122 : i32 to index
        %swap3A_226 = arith.constant 112 : index
        %swap3A_227 = tpu.vector_load %arg9[%swap3A_225, %swap3A_226] {strides = array<i32>} : memref<321x128xi32, #tpu.memory_space<vmem>>, vector<16xi32>,
        tpu.vector_store %arg9[%swap3A_225, %swap3A_226], %bitcast3A_224 {strides = array<i32>} : memref<321x128xi32, #tpu.memory_space<vmem>>, vector<16xi32>,
      }
      %scan3A_108 = arith.constant 16 : i32
    }
    %scan3A_91 = arith.constant 32 : i32
    %add3A_92 = arith.constant 1 : i32
    %add3A_93 = arith.addi %scan3A_19#1, %add3A_92 : i32
    %broadcast_in_dim3A_94 = vector.broadcast %add3A_93 : i32 to vector<16xi32>
    %swap3A = arith.constant 0 : index
    %swap3A_95 = tpu.vector_load %arg15[%swap3A] {strides = array<i32>} : memref<16xi32, #tpu.memory_space<vmem>>, vector<16xi32>,
    tpu.vector_store %arg15[%swap3A], %broadcast_in_dim3A_94 {strides = array<i32>} : memref<16xi32, #tpu.memory_space<vmem>>, vector<16xi32>,
    "tpu.region"() ({
      %run_scoped3A = tpu.sem_alloc : memref<!tpu.dma_semaphore, #tpu.memory_space<semaphore_mem>>
      %dma_start3A_96 = arith.constant 0 : i32
      %dma_start3A_97 = tpu.memref_slice %arg8[%add3A, %dma_start3A_96] : memref<32x16xi32, #tpu.memory_space<hbm>> -> memref<1x16xi32, #tpu.memory_space<hbm>>
      %dma_start3A_98 = tpu.memref_squeeze %dma_start3A_97 : memref<1x16xi32, #tpu.memory_space<hbm>> -> memref<16xi32, #tpu.memory_space<hbm>>
      %dma_start3A_99 = arith.constant 0 : i32
      %dma_start3A_100 = tpu.memref_slice %arg8[%add3A, %dma_start3A_99] : memref<32x16xi32, #tpu.memory_space<hbm>> -> memref<1x16xi32, #tpu.memory_space<hbm>>
      %dma_start3A_101 = tpu.memref_squeeze %dma_start3A_100 : memref<1x16xi32, #tpu.memory_space<hbm>> -> memref<16xi32, #tpu.memory_space<hbm>>
      tpu.enqueue_dma source(%arg15 : memref<16xi32, #tpu.memory_space<vmem>>) target(%dma_start3A_101 : memref<16xi32, #tpu.memory_space<hbm>>) target_semaphore(%run_scoped3A : memref<!tpu.dma_semaphore, #tpu.memory_space<semaphore_mem>>)
      %dma_wait3A_102 = arith.constant 0 : i32
      %dma_wait3A_103 = tpu.memref_slice %arg8[%add3A, %dma_wait3A_102] : memref<32x16xi32, #tpu.memory_space<hbm>> -> memref<1x16xi32, #tpu.memory_space<hbm>>
      %dma_wait3A_104 = tpu.memref_squeeze %dma_wait3A_103 : memref<1x16xi32, #tpu.memory_space<hbm>> -> memref<16xi32, #tpu.memory_space<hbm>>
      %dma_wait3A_105 = arith.constant 0 : i32
      %dma_wait3A_106 = tpu.memref_slice %arg8[%add3A, %dma_wait3A_105] : memref<32x16xi32, #tpu.memory_space<hbm>> -> memref<1x16xi32, #tpu.memory_space<hbm>>
      %dma_wait3A_107 = tpu.memref_squeeze %dma_wait3A_106 : memref<1x16xi32, #tpu.memory_space<hbm>> -> memref<16xi32, #tpu.memory_space<hbm>>
      tpu.wait_dma2 semaphore(%run_scoped3A : memref<!tpu.dma_semaphore, #tpu.memory_space<semaphore_mem>>) src(%arg15 : memref<16xi32, #tpu.memory_space<vmem>>) dst(%dma_wait3A_107 : memref<16xi32, #tpu.memory_space<hbm>>)
      tpu.yield
    }) : () -> ()
    "tpu.region"() ({
      %run_scoped3A = tpu.sem_alloc : memref<!tpu.dma_semaphore, #tpu.memory_space<semaphore_mem>>
      %dma_start3A_96 = arith.constant 0 : i32
      %dma_start3A_97 = arith.constant 0 : i32
      %dma_start3A_98 = tpu.memref_slice %arg9[%dma_start3A_96, %dma_start3A_97] : memref<321x128xi32, #tpu.memory_space<vmem>> -> memref<320x128xi32, #tpu.memory_space<vmem>>
      %dma_start3A_99 = arith.constant 0 : i32
      %dma_start3A_100 = tpu.memref_slice %arg5[%mul3A_2, %dma_start3A_99] : memref<10240x128xi32, #tpu.memory_space<hbm>> -> memref<320x128xi32, #tpu.memory_space<hbm>>
      %dma_start3A_101 = arith.constant 0 : i32
      %dma_start3A_102 = tpu.memref_slice %arg5[%mul3A_2, %dma_start3A_101] : memref<10240x128xi32, #tpu.memory_space<hbm>> -> memref<320x128xi32, #tpu.memory_space<hbm>>
      %dma_start3A_103 = arith.constant 0 : i32
      %dma_start3A_104 = arith.constant 0 : i32
      %dma_start3A_105 = tpu.memref_slice %arg9[%dma_start3A_103, %dma_start3A_104] : memref<321x128xi32, #tpu.memory_space<vmem>> -> memref<320x128xi32, #tpu.memory_space<vmem>>
      tpu.enqueue_dma source(%dma_start3A_105 : memref<320x128xi32, #tpu.memory_space<vmem>>) target(%dma_start3A_102 : memref<320x128xi32, #tpu.memory_space<hbm>>) target_semaphore(%run_scoped3A : memref<!tpu.dma_semaphore, #tpu.memory_space<semaphore_mem>>)
      %dma_wait3A_106 = arith.constant 0 : i32
      %dma_wait3A_107 = arith.constant 0 : i32
      %dma_wait3A_108 = tpu.memref_slice %arg9[%dma_wait3A_106, %dma_wait3A_107] : memref<321x128xi32, #tpu.memory_space<vmem>> -> memref<320x128xi32, #tpu.memory_space<vmem>>
      %dma_wait3A_109 = arith.constant 0 : i32
      %dma_wait3A_110 = tpu.memref_slice %arg5[%mul3A_2, %dma_wait3A_109] : memref<10240x128xi32, #tpu.memory_space<hbm>> -> memref<320x128xi32, #tpu.memory_space<hbm>>
      %dma_wait3A_111 = arith.constant 0 : i32
      %dma_wait3A_112 = tpu.memref_slice %arg5[%mul3A_2, %dma_wait3A_111] : memref<10240x128xi32, #tpu.memory_space<hbm>> -> memref<320x128xi32, #tpu.memory_space<hbm>>
      %dma_wait3A_113 = arith.constant 0 : i32
      %dma_wait3A_114 = arith.constant 0 : i32
      %dma_wait3A_115 = tpu.memref_slice %arg9[%dma_wait3A_113, %dma_wait3A_114] : memref<321x128xi32, #tpu.memory_space<vmem>> -> memref<320x128xi32, #tpu.memory_space<vmem>>
      tpu.wait_dma2 semaphore(%run_scoped3A : memref<!tpu.dma_semaphore, #tpu.memory_space<semaphore_mem>>) src(%dma_wait3A_115 : memref<320x128xi32, #tpu.memory_space<vmem>>) dst(%dma_wait3A_112 : memref<320x128xi32, #tpu.memory_space<hbm>>)
      tpu.yield
    }) : () -> ()
    return
  }
}

#map = affine_map<(d0, d1) -> (0, 0)>
module attributes {stable_mosaic.version = 14 : i64} {
  func.func @_segmax_replay_body(%arg0: i32, %arg1: i32, %arg2: memref<10000x128xi32, #tpu.memory_space<hbm>>, %arg3: memref<32x172032xi32, #tpu.memory_space<hbm>>, %arg4: memref<32x172032xi32, #tpu.memory_space<hbm>>, %arg5: memref<32x16xi32, #tpu.memory_space<hbm>>, %arg6: memref<10240x128xi32, #tpu.memory_space<hbm>>, %arg7: memref<321x128xi32, #tpu.memory_space<vmem>>, %arg8: memref<512x128xi32, #tpu.memory_space<vmem>>, %arg9: memref<512xi32, #tpu.memory_space<vmem>>, %arg10: memref<512xi32, #tpu.memory_space<vmem>>, %arg11: memref<16xi32, #tpu.memory_space<vmem>>, %arg12: memref<!tpu.dma_semaphore, #tpu.memory_space<semaphore_mem>>) attributes {dimension_semantics = [#tpu.dimension_semantics<core_parallel>, #tpu.dimension_semantics<subcore_parallel>], iteration_bounds = array<i64: 2, 16>, scalar_prefetch = 0 : i64, scratch_operands = 6 : i64, tpu.core_type = #tpu.core_type<sc_vector_subcore>, window_params = [{transform_indices = #map}, {transform_indices = #map}, {transform_indices = #map}, {transform_indices = #map}, {transform_indices = #map}]} {
    %mul3A = arith.constant 16 : i32
    %mul3A_0 = arith.muli %arg0, %mul3A : i32
    %add3A = arith.addi %mul3A_0, %arg1 : i32
    %mul3A_1 = arith.constant 320 : i32
    %mul3A_2 = arith.muli %add3A, %mul3A_1 : i32
    %broadcast_in_dim3A = arith.constant 0 : i32
    %broadcast_in_dim3A_3 = vector.broadcast %broadcast_in_dim3A : i32 to vector<16xi32>
    %scan3A = arith.constant 0 : i32
    %scan3A_4 = arith.constant 321 : i32
    %scan3A_5 = arith.addi %scan3A, %scan3A_4 : i32
    %scan3A_6 = arith.constant 1 : i32
    scf.for %scan3A_25 = %scan3A to %scan3A_5 step %scan3A_6  : i32 {
      %mul3A_26 = arith.constant 1 : i32
      %mul3A_27 = arith.muli %scan3A_25, %mul3A_26 : i32
      %add3A_28 = arith.constant 0 : i32
      %add3A_29 = arith.addi %add3A_28, %mul3A_27 : i32
      %swap3A = arith.index_cast %add3A_29 : i32 to index
      %swap3A_30 = arith.constant 0 : index
      %swap3A_31 = tpu.vector_load %arg7[%swap3A, %swap3A_30] {strides = array<i32>} : memref<321x128xi32, #tpu.memory_space<vmem>>, vector<16xi32>,
      tpu.vector_store %arg7[%swap3A, %swap3A_30], %broadcast_in_dim3A_3 {strides = array<i32>} : memref<321x128xi32, #tpu.memory_space<vmem>>, vector<16xi32>,
      %swap3A_32 = arith.index_cast %add3A_29 : i32 to index
      %swap3A_33 = arith.constant 16 : index
      %swap3A_34 = tpu.vector_load %arg7[%swap3A_32, %swap3A_33] {strides = array<i32>} : memref<321x128xi32, #tpu.memory_space<vmem>>, vector<16xi32>,
      tpu.vector_store %arg7[%swap3A_32, %swap3A_33], %broadcast_in_dim3A_3 {strides = array<i32>} : memref<321x128xi32, #tpu.memory_space<vmem>>, vector<16xi32>,
      %swap3A_35 = arith.index_cast %add3A_29 : i32 to index
      %swap3A_36 = arith.constant 32 : index
      %swap3A_37 = tpu.vector_load %arg7[%swap3A_35, %swap3A_36] {strides = array<i32>} : memref<321x128xi32, #tpu.memory_space<vmem>>, vector<16xi32>,
      tpu.vector_store %arg7[%swap3A_35, %swap3A_36], %broadcast_in_dim3A_3 {strides = array<i32>} : memref<321x128xi32, #tpu.memory_space<vmem>>, vector<16xi32>,
      %swap3A_38 = arith.index_cast %add3A_29 : i32 to index
      %swap3A_39 = arith.constant 48 : index
      %swap3A_40 = tpu.vector_load %arg7[%swap3A_38, %swap3A_39] {strides = array<i32>} : memref<321x128xi32, #tpu.memory_space<vmem>>, vector<16xi32>,
      tpu.vector_store %arg7[%swap3A_38, %swap3A_39], %broadcast_in_dim3A_3 {strides = array<i32>} : memref<321x128xi32, #tpu.memory_space<vmem>>, vector<16xi32>,
      %swap3A_41 = arith.index_cast %add3A_29 : i32 to index
      %swap3A_42 = arith.constant 64 : index
      %swap3A_43 = tpu.vector_load %arg7[%swap3A_41, %swap3A_42] {strides = array<i32>} : memref<321x128xi32, #tpu.memory_space<vmem>>, vector<16xi32>,
      tpu.vector_store %arg7[%swap3A_41, %swap3A_42], %broadcast_in_dim3A_3 {strides = array<i32>} : memref<321x128xi32, #tpu.memory_space<vmem>>, vector<16xi32>,
      %swap3A_44 = arith.index_cast %add3A_29 : i32 to index
      %swap3A_45 = arith.constant 80 : index
      %swap3A_46 = tpu.vector_load %arg7[%swap3A_44, %swap3A_45] {strides = array<i32>} : memref<321x128xi32, #tpu.memory_space<vmem>>, vector<16xi32>,
      tpu.vector_store %arg7[%swap3A_44, %swap3A_45], %broadcast_in_dim3A_3 {strides = array<i32>} : memref<321x128xi32, #tpu.memory_space<vmem>>, vector<16xi32>,
      %swap3A_47 = arith.index_cast %add3A_29 : i32 to index
      %swap3A_48 = arith.constant 96 : index
      %swap3A_49 = tpu.vector_load %arg7[%swap3A_47, %swap3A_48] {strides = array<i32>} : memref<321x128xi32, #tpu.memory_space<vmem>>, vector<16xi32>,
      tpu.vector_store %arg7[%swap3A_47, %swap3A_48], %broadcast_in_dim3A_3 {strides = array<i32>} : memref<321x128xi32, #tpu.memory_space<vmem>>, vector<16xi32>,
      %swap3A_50 = arith.index_cast %add3A_29 : i32 to index
      %swap3A_51 = arith.constant 112 : index
      %swap3A_52 = tpu.vector_load %arg7[%swap3A_50, %swap3A_51] {strides = array<i32>} : memref<321x128xi32, #tpu.memory_space<vmem>>, vector<16xi32>,
      tpu.vector_store %arg7[%swap3A_50, %swap3A_51], %broadcast_in_dim3A_3 {strides = array<i32>} : memref<321x128xi32, #tpu.memory_space<vmem>>, vector<16xi32>,
    }
    %scan3A_7 = arith.constant 321 : i32
    "tpu.region"() ({
      %run_scoped3A = tpu.sem_alloc : memref<!tpu.dma_semaphore, #tpu.memory_space<semaphore_mem>>
      %dma_start3A = arith.constant 0 : i32
      %dma_start3A_25 = tpu.memref_slice %arg5[%add3A, %dma_start3A] : memref<32x16xi32, #tpu.memory_space<hbm>> -> memref<1x16xi32, #tpu.memory_space<hbm>>
      %dma_start3A_26 = tpu.memref_squeeze %dma_start3A_25 : memref<1x16xi32, #tpu.memory_space<hbm>> -> memref<16xi32, #tpu.memory_space<hbm>>
      %dma_start3A_27 = arith.constant 0 : i32
      %dma_start3A_28 = tpu.memref_slice %arg5[%add3A, %dma_start3A_27] : memref<32x16xi32, #tpu.memory_space<hbm>> -> memref<1x16xi32, #tpu.memory_space<hbm>>
      %dma_start3A_29 = tpu.memref_squeeze %dma_start3A_28 : memref<1x16xi32, #tpu.memory_space<hbm>> -> memref<16xi32, #tpu.memory_space<hbm>>
      tpu.enqueue_dma source(%dma_start3A_29 : memref<16xi32, #tpu.memory_space<hbm>>) target(%arg11 : memref<16xi32, #tpu.memory_space<vmem>>) target_semaphore(%run_scoped3A : memref<!tpu.dma_semaphore, #tpu.memory_space<semaphore_mem>>)
      %dma_wait3A = arith.constant 0 : i32
      %dma_wait3A_30 = tpu.memref_slice %arg5[%add3A, %dma_wait3A] : memref<32x16xi32, #tpu.memory_space<hbm>> -> memref<1x16xi32, #tpu.memory_space<hbm>>
      %dma_wait3A_31 = tpu.memref_squeeze %dma_wait3A_30 : memref<1x16xi32, #tpu.memory_space<hbm>> -> memref<16xi32, #tpu.memory_space<hbm>>
      %dma_wait3A_32 = arith.constant 0 : i32
      %dma_wait3A_33 = tpu.memref_slice %arg5[%add3A, %dma_wait3A_32] : memref<32x16xi32, #tpu.memory_space<hbm>> -> memref<1x16xi32, #tpu.memory_space<hbm>>
      %dma_wait3A_34 = tpu.memref_squeeze %dma_wait3A_33 : memref<1x16xi32, #tpu.memory_space<hbm>> -> memref<16xi32, #tpu.memory_space<hbm>>
      tpu.wait_dma2 semaphore(%run_scoped3A : memref<!tpu.dma_semaphore, #tpu.memory_space<semaphore_mem>>) src(%dma_wait3A_34 : memref<16xi32, #tpu.memory_space<hbm>>) dst(%arg11 : memref<16xi32, #tpu.memory_space<vmem>>)
      tpu.yield
    }) : () -> ()
    %get3A = arith.constant 0 : index
    %get3A_8 = tpu.vector_load %arg11[%get3A] {strides = array<i32>} : memref<16xi32, #tpu.memory_space<vmem>>, vector<16xi32>,
    %reduce_max3A = arith.constant true
    %reduce_max3A_9 = vector.broadcast %reduce_max3A : i1 to vector<16xi1>
    %reduce_max3A_10 = arith.constant -2147483648 : i32
    %reduce_max3A_11 = vector.broadcast %reduce_max3A_10 : i32 to vector<16xi32>
    %reduce_max3A_12 = arith.xori %get3A_8, %reduce_max3A_11 : vector<16xi32>
    %reduce_max3A_13 = tpu.scan <max>, %reduce_max3A_12 masked %reduce_max3A_9 : vector<16xi32>, vector<16xi1> -> vector<16xi32>
    %reduce_max3A_14 = arith.xori %reduce_max3A_13, %reduce_max3A_11 : vector<16xi32>
    %reduce_max3A_15 = vector.extract %reduce_max3A_14[15] : i32 from vector<16xi32>
    %while3A = arith.constant 0 : i32
    %while3A_16 = arith.constant 0 : i32
    %while3A_17 = arith.subi %reduce_max3A_15, %while3A_16 : i32
    %while3A_18 = arith.addi %while3A_16, %while3A_17 : i32
    %while3A_19 = arith.constant 1 : i32
    %while3A_20 = arith.divsi %while3A_17, %while3A_19 : i32
    %while3A_21 = arith.muli %while3A_20, %while3A_19 : i32
    %while3A_22 = arith.addi %while3A_16, %while3A_21 : i32
    %while3A_23 = arith.constant 1 : i32
    scf.for %while3A_25 = %while3A_16 to %while3A_22 step %while3A_23  : i32 {
      %mul3A_26 = arith.constant 512 : i32
      %mul3A_27 = arith.muli %while3A_25, %mul3A_26 : i32
      "tpu.region"() ({
        %run_scoped3A = tpu.sem_alloc : memref<!tpu.dma_semaphore, #tpu.memory_space<semaphore_mem>>
        %dma_start3A_97 = tpu.memref_slice %arg3[%add3A, %mul3A_27] : memref<32x172032xi32, #tpu.memory_space<hbm>> -> memref<1x512xi32, #tpu.memory_space<hbm>>
        %dma_start3A_98 = tpu.memref_squeeze %dma_start3A_97 : memref<1x512xi32, #tpu.memory_space<hbm>> -> memref<512xi32, #tpu.memory_space<hbm>>
        %dma_start3A_99 = tpu.memref_slice %arg3[%add3A, %mul3A_27] : memref<32x172032xi32, #tpu.memory_space<hbm>> -> memref<1x512xi32, #tpu.memory_space<hbm>>
        %dma_start3A_100 = tpu.memref_squeeze %dma_start3A_99 : memref<1x512xi32, #tpu.memory_space<hbm>> -> memref<512xi32, #tpu.memory_space<hbm>>
        tpu.enqueue_dma source(%dma_start3A_100 : memref<512xi32, #tpu.memory_space<hbm>>) target(%arg9 : memref<512xi32, #tpu.memory_space<vmem>>) target_semaphore(%run_scoped3A : memref<!tpu.dma_semaphore, #tpu.memory_space<semaphore_mem>>)
        %dma_wait3A_101 = tpu.memref_slice %arg3[%add3A, %mul3A_27] : memref<32x172032xi32, #tpu.memory_space<hbm>> -> memref<1x512xi32, #tpu.memory_space<hbm>>
        %dma_wait3A_102 = tpu.memref_squeeze %dma_wait3A_101 : memref<1x512xi32, #tpu.memory_space<hbm>> -> memref<512xi32, #tpu.memory_space<hbm>>
        %dma_wait3A_103 = tpu.memref_slice %arg3[%add3A, %mul3A_27] : memref<32x172032xi32, #tpu.memory_space<hbm>> -> memref<1x512xi32, #tpu.memory_space<hbm>>
        %dma_wait3A_104 = tpu.memref_squeeze %dma_wait3A_103 : memref<1x512xi32, #tpu.memory_space<hbm>> -> memref<512xi32, #tpu.memory_space<hbm>>
        tpu.wait_dma2 semaphore(%run_scoped3A : memref<!tpu.dma_semaphore, #tpu.memory_space<semaphore_mem>>) src(%dma_wait3A_104 : memref<512xi32, #tpu.memory_space<hbm>>) dst(%arg9 : memref<512xi32, #tpu.memory_space<vmem>>)
        tpu.yield
      }) : () -> ()
      %mul3A_28 = arith.constant 512 : i32
      %mul3A_29 = arith.muli %while3A_25, %mul3A_28 : i32
      "tpu.region"() ({
        %run_scoped3A = tpu.sem_alloc : memref<!tpu.dma_semaphore, #tpu.memory_space<semaphore_mem>>
        %dma_start3A_97 = tpu.memref_slice %arg4[%add3A, %mul3A_29] : memref<32x172032xi32, #tpu.memory_space<hbm>> -> memref<1x512xi32, #tpu.memory_space<hbm>>
        %dma_start3A_98 = tpu.memref_squeeze %dma_start3A_97 : memref<1x512xi32, #tpu.memory_space<hbm>> -> memref<512xi32, #tpu.memory_space<hbm>>
        %dma_start3A_99 = tpu.memref_slice %arg4[%add3A, %mul3A_29] : memref<32x172032xi32, #tpu.memory_space<hbm>> -> memref<1x512xi32, #tpu.memory_space<hbm>>
        %dma_start3A_100 = tpu.memref_squeeze %dma_start3A_99 : memref<1x512xi32, #tpu.memory_space<hbm>> -> memref<512xi32, #tpu.memory_space<hbm>>
        tpu.enqueue_dma source(%dma_start3A_100 : memref<512xi32, #tpu.memory_space<hbm>>) target(%arg10 : memref<512xi32, #tpu.memory_space<vmem>>) target_semaphore(%run_scoped3A : memref<!tpu.dma_semaphore, #tpu.memory_space<semaphore_mem>>)
        %dma_wait3A_101 = tpu.memref_slice %arg4[%add3A, %mul3A_29] : memref<32x172032xi32, #tpu.memory_space<hbm>> -> memref<1x512xi32, #tpu.memory_space<hbm>>
        %dma_wait3A_102 = tpu.memref_squeeze %dma_wait3A_101 : memref<1x512xi32, #tpu.memory_space<hbm>> -> memref<512xi32, #tpu.memory_space<hbm>>
        %dma_wait3A_103 = tpu.memref_slice %arg4[%add3A, %mul3A_29] : memref<32x172032xi32, #tpu.memory_space<hbm>> -> memref<1x512xi32, #tpu.memory_space<hbm>>
        %dma_wait3A_104 = tpu.memref_squeeze %dma_wait3A_103 : memref<1x512xi32, #tpu.memory_space<hbm>> -> memref<512xi32, #tpu.memory_space<hbm>>
        tpu.wait_dma2 semaphore(%run_scoped3A : memref<!tpu.dma_semaphore, #tpu.memory_space<semaphore_mem>>) src(%dma_wait3A_104 : memref<512xi32, #tpu.memory_space<hbm>>) dst(%arg10 : memref<512xi32, #tpu.memory_space<vmem>>)
        tpu.yield
      }) : () -> ()
      %dma_start3A = arith.constant 0 : i32
      %dma_start3A_30 = arith.constant 0 : i32
      %dma_start3A_31 = tpu.memref_slice %arg8[%dma_start3A, %dma_start3A_30] : memref<512x128xi32, #tpu.memory_space<vmem>> -> memref<128x128xi32, #tpu.memory_space<vmem>>
      %dma_start3A_32 = arith.constant 0 : i32
      %dma_start3A_33 = tpu.memref_slice %arg9[%dma_start3A_32] : memref<512xi32, #tpu.memory_space<vmem>> -> memref<128xi32, #tpu.memory_space<vmem>>
      %dma_start3A_34 = arith.constant 0 : i32
      %dma_start3A_35 = arith.constant 0 : i32
      %dma_start3A_36 = tpu.memref_slice %arg2[%dma_start3A_34, %dma_start3A_35] : memref<10000x128xi32, #tpu.memory_space<hbm>> -> memref<10000x128xi32, #tpu.memory_space<hbm>>
      tpu.enqueue_indirect_dma source(%dma_start3A_36 : memref<10000x128xi32, #tpu.memory_space<hbm>>) target(%dma_start3A_31 : memref<128x128xi32, #tpu.memory_space<vmem>>) offsets(%dma_start3A_33 : memref<128xi32, #tpu.memory_space<vmem>>) semaphore(%arg12 : memref<!tpu.dma_semaphore, #tpu.memory_space<semaphore_mem>>)
      %dma_start3A_37 = arith.constant 128 : i32
      %dma_start3A_38 = arith.constant 0 : i32
      %dma_start3A_39 = tpu.memref_slice %arg8[%dma_start3A_37, %dma_start3A_38] : memref<512x128xi32, #tpu.memory_space<vmem>> -> memref<128x128xi32, #tpu.memory_space<vmem>>
      %dma_start3A_40 = arith.constant 128 : i32
      %dma_start3A_41 = tpu.memref_slice %arg9[%dma_start3A_40] : memref<512xi32, #tpu.memory_space<vmem>> -> memref<128xi32, #tpu.memory_space<vmem>>
      %dma_start3A_42 = arith.constant 0 : i32
      %dma_start3A_43 = arith.constant 0 : i32
      %dma_start3A_44 = tpu.memref_slice %arg2[%dma_start3A_42, %dma_start3A_43] : memref<10000x128xi32, #tpu.memory_space<hbm>> -> memref<10000x128xi32, #tpu.memory_space<hbm>>
      tpu.enqueue_indirect_dma source(%dma_start3A_44 : memref<10000x128xi32, #tpu.memory_space<hbm>>) target(%dma_start3A_39 : memref<128x128xi32, #tpu.memory_space<vmem>>) offsets(%dma_start3A_41 : memref<128xi32, #tpu.memory_space<vmem>>) semaphore(%arg12 : memref<!tpu.dma_semaphore, #tpu.memory_space<semaphore_mem>>)
      %dma_start3A_45 = arith.constant 256 : i32
      %dma_start3A_46 = arith.constant 0 : i32
      %dma_start3A_47 = tpu.memref_slice %arg8[%dma_start3A_45, %dma_start3A_46] : memref<512x128xi32, #tpu.memory_space<vmem>> -> memref<128x128xi32, #tpu.memory_space<vmem>>
      %dma_start3A_48 = arith.constant 256 : i32
      %dma_start3A_49 = tpu.memref_slice %arg9[%dma_start3A_48] : memref<512xi32, #tpu.memory_space<vmem>> -> memref<128xi32, #tpu.memory_space<vmem>>
      %dma_start3A_50 = arith.constant 0 : i32
      %dma_start3A_51 = arith.constant 0 : i32
      %dma_start3A_52 = tpu.memref_slice %arg2[%dma_start3A_50, %dma_start3A_51] : memref<10000x128xi32, #tpu.memory_space<hbm>> -> memref<10000x128xi32, #tpu.memory_space<hbm>>
      tpu.enqueue_indirect_dma source(%dma_start3A_52 : memref<10000x128xi32, #tpu.memory_space<hbm>>) target(%dma_start3A_47 : memref<128x128xi32, #tpu.memory_space<vmem>>) offsets(%dma_start3A_49 : memref<128xi32, #tpu.memory_space<vmem>>) semaphore(%arg12 : memref<!tpu.dma_semaphore, #tpu.memory_space<semaphore_mem>>)
      %dma_start3A_53 = arith.constant 384 : i32
      %dma_start3A_54 = arith.constant 0 : i32
      %dma_start3A_55 = tpu.memref_slice %arg8[%dma_start3A_53, %dma_start3A_54] : memref<512x128xi32, #tpu.memory_space<vmem>> -> memref<128x128xi32, #tpu.memory_space<vmem>>
      %dma_start3A_56 = arith.constant 384 : i32
      %dma_start3A_57 = tpu.memref_slice %arg9[%dma_start3A_56] : memref<512xi32, #tpu.memory_space<vmem>> -> memref<128xi32, #tpu.memory_space<vmem>>
      %dma_start3A_58 = arith.constant 0 : i32
      %dma_start3A_59 = arith.constant 0 : i32
      %dma_start3A_60 = tpu.memref_slice %arg2[%dma_start3A_58, %dma_start3A_59] : memref<10000x128xi32, #tpu.memory_space<hbm>> -> memref<10000x128xi32, #tpu.memory_space<hbm>>
      tpu.enqueue_indirect_dma source(%dma_start3A_60 : memref<10000x128xi32, #tpu.memory_space<hbm>>) target(%dma_start3A_55 : memref<128x128xi32, #tpu.memory_space<vmem>>) offsets(%dma_start3A_57 : memref<128xi32, #tpu.memory_space<vmem>>) semaphore(%arg12 : memref<!tpu.dma_semaphore, #tpu.memory_space<semaphore_mem>>)
      %dma_wait3A = arith.constant 0 : i32
      %dma_wait3A_61 = arith.constant 0 : i32
      %dma_wait3A_62 = tpu.memref_slice %arg8[%dma_wait3A, %dma_wait3A_61] : memref<512x128xi32, #tpu.memory_space<vmem>> -> memref<128x128xi32, #tpu.memory_space<vmem>>
      %dma_wait3A_63 = arith.constant 0 : i32
      %dma_wait3A_64 = tpu.memref_slice %arg9[%dma_wait3A_63] : memref<512xi32, #tpu.memory_space<vmem>> -> memref<128xi32, #tpu.memory_space<vmem>>
      %dma_wait3A_65 = arith.constant 0 : i32
      %dma_wait3A_66 = arith.constant 0 : i32
      %dma_wait3A_67 = tpu.memref_slice %arg2[%dma_wait3A_65, %dma_wait3A_66] : memref<10000x128xi32, #tpu.memory_space<hbm>> -> memref<10000x128xi32, #tpu.memory_space<hbm>>
      tpu.wait_indirect_dma semaphore(%arg12 : memref<!tpu.dma_semaphore, #tpu.memory_space<semaphore_mem>>) src(%dma_wait3A_67 : memref<10000x128xi32, #tpu.memory_space<hbm>>) dst(%dma_wait3A_62 : memref<128x128xi32, #tpu.memory_space<vmem>>)
      %dma_wait3A_68 = arith.constant 128 : i32
      %dma_wait3A_69 = arith.constant 0 : i32
      %dma_wait3A_70 = tpu.memref_slice %arg8[%dma_wait3A_68, %dma_wait3A_69] : memref<512x128xi32, #tpu.memory_space<vmem>> -> memref<128x128xi32, #tpu.memory_space<vmem>>
      %dma_wait3A_71 = arith.constant 128 : i32
      %dma_wait3A_72 = tpu.memref_slice %arg9[%dma_wait3A_71] : memref<512xi32, #tpu.memory_space<vmem>> -> memref<128xi32, #tpu.memory_space<vmem>>
      %dma_wait3A_73 = arith.constant 0 : i32
      %dma_wait3A_74 = arith.constant 0 : i32
      %dma_wait3A_75 = tpu.memref_slice %arg2[%dma_wait3A_73, %dma_wait3A_74] : memref<10000x128xi32, #tpu.memory_space<hbm>> -> memref<10000x128xi32, #tpu.memory_space<hbm>>
      tpu.wait_indirect_dma semaphore(%arg12 : memref<!tpu.dma_semaphore, #tpu.memory_space<semaphore_mem>>) src(%dma_wait3A_75 : memref<10000x128xi32, #tpu.memory_space<hbm>>) dst(%dma_wait3A_70 : memref<128x128xi32, #tpu.memory_space<vmem>>)
      %dma_wait3A_76 = arith.constant 256 : i32
      %dma_wait3A_77 = arith.constant 0 : i32
      %dma_wait3A_78 = tpu.memref_slice %arg8[%dma_wait3A_76, %dma_wait3A_77] : memref<512x128xi32, #tpu.memory_space<vmem>> -> memref<128x128xi32, #tpu.memory_space<vmem>>
      %dma_wait3A_79 = arith.constant 256 : i32
      %dma_wait3A_80 = tpu.memref_slice %arg9[%dma_wait3A_79] : memref<512xi32, #tpu.memory_space<vmem>> -> memref<128xi32, #tpu.memory_space<vmem>>
      %dma_wait3A_81 = arith.constant 0 : i32
      %dma_wait3A_82 = arith.constant 0 : i32
      %dma_wait3A_83 = tpu.memref_slice %arg2[%dma_wait3A_81, %dma_wait3A_82] : memref<10000x128xi32, #tpu.memory_space<hbm>> -> memref<10000x128xi32, #tpu.memory_space<hbm>>
      tpu.wait_indirect_dma semaphore(%arg12 : memref<!tpu.dma_semaphore, #tpu.memory_space<semaphore_mem>>) src(%dma_wait3A_83 : memref<10000x128xi32, #tpu.memory_space<hbm>>) dst(%dma_wait3A_78 : memref<128x128xi32, #tpu.memory_space<vmem>>)
      %dma_wait3A_84 = arith.constant 384 : i32
      %dma_wait3A_85 = arith.constant 0 : i32
      %dma_wait3A_86 = tpu.memref_slice %arg8[%dma_wait3A_84, %dma_wait3A_85] : memref<512x128xi32, #tpu.memory_space<vmem>> -> memref<128x128xi32, #tpu.memory_space<vmem>>
      %dma_wait3A_87 = arith.constant 384 : i32
      %dma_wait3A_88 = tpu.memref_slice %arg9[%dma_wait3A_87] : memref<512xi32, #tpu.memory_space<vmem>> -> memref<128xi32, #tpu.memory_space<vmem>>
      %dma_wait3A_89 = arith.constant 0 : i32
      %dma_wait3A_90 = arith.constant 0 : i32
      %dma_wait3A_91 = tpu.memref_slice %arg2[%dma_wait3A_89, %dma_wait3A_90] : memref<10000x128xi32, #tpu.memory_space<hbm>> -> memref<10000x128xi32, #tpu.memory_space<hbm>>
      tpu.wait_indirect_dma semaphore(%arg12 : memref<!tpu.dma_semaphore, #tpu.memory_space<semaphore_mem>>) src(%dma_wait3A_91 : memref<10000x128xi32, #tpu.memory_space<hbm>>) dst(%dma_wait3A_86 : memref<128x128xi32, #tpu.memory_space<vmem>>)
      %iota3A = tpu.iota {dimensions = array<i32: 0>} : vector<16xi32>
      %scan3A_92 = arith.constant 0 : i32
      %scan3A_93 = arith.constant 32 : i32
      %scan3A_94 = arith.addi %scan3A_92, %scan3A_93 : i32
      %scan3A_95 = arith.constant 1 : i32
      scf.for %scan3A_97 = %scan3A_92 to %scan3A_94 step %scan3A_95  : i32 {
        %mul3A_98 = arith.constant 1 : i32
        %mul3A_99 = arith.muli %scan3A_97, %mul3A_98 : i32
        %add3A_100 = arith.constant 0 : i32
        %add3A_101 = arith.addi %add3A_100, %mul3A_99 : i32
        %mul3A_102 = arith.constant 16 : i32
        %mul3A_103 = arith.muli %add3A_101, %mul3A_102 : i32
        %get3A_104 = arith.index_cast %mul3A_103 : i32 to index
        %get3A_105 = tpu.vector_load %arg10[%get3A_104] {strides = array<i32>} : memref<512xi32, #tpu.memory_space<vmem>>, vector<16xi32>,
        %scan3A_106 = arith.constant 0 : i32
        %scan3A_107 = arith.constant 16 : i32
        %scan3A_108 = arith.addi %scan3A_106, %scan3A_107 : i32
        %scan3A_109 = arith.constant 1 : i32
        scf.for %scan3A_111 = %scan3A_106 to %scan3A_108 step %scan3A_109  : i32 {
          %mul3A_112 = arith.constant 1 : i32
          %mul3A_113 = arith.muli %scan3A_111, %mul3A_112 : i32
          %add3A_114 = arith.constant 0 : i32
          %add3A_115 = arith.addi %add3A_114, %mul3A_113 : i32
          %eq3A = vector.broadcast %add3A_115 : i32 to vector<16xi32>
          %eq3A_116 = arith.cmpi eq, %iota3A, %eq3A : vector<16xi32>
          %jit3A = arith.constant 0 : i32
          %broadcast_in_dim3A_117 = vector.broadcast %jit3A : i32 to vector<16xi32>
          %select_n3A = arith.select %eq3A_116, %get3A_105, %broadcast_in_dim3A_117 : vector<16xi1>, vector<16xi32>
          %reduce_max3A_118 = arith.constant true
          %reduce_max3A_119 = vector.broadcast %reduce_max3A_118 : i1 to vector<16xi1>
          %reduce_max3A_120 = arith.constant -2147483648 : i32
          %reduce_max3A_121 = vector.broadcast %reduce_max3A_120 : i32 to vector<16xi32>
          %reduce_max3A_122 = arith.xori %select_n3A, %reduce_max3A_121 : vector<16xi32>
          %reduce_max3A_123 = tpu.scan <max>, %reduce_max3A_122 masked %reduce_max3A_119 : vector<16xi32>, vector<16xi1> -> vector<16xi32>
          %reduce_max3A_124 = arith.xori %reduce_max3A_123, %reduce_max3A_121 : vector<16xi32>
          %reduce_max3A_125 = vector.extract %reduce_max3A_124[15] : i32 from vector<16xi32>
          %mul3A_126 = arith.constant 16 : i32
          %mul3A_127 = arith.muli %add3A_101, %mul3A_126 : i32
          %add3A_128 = arith.addi %mul3A_127, %add3A_115 : i32
          %get3A_129 = arith.index_cast %reduce_max3A_125 : i32 to index
          %get3A_130 = arith.constant 0 : index
          %get3A_131 = tpu.vector_load %arg7[%get3A_129, %get3A_130] {strides = array<i32>} : memref<321x128xi32, #tpu.memory_space<vmem>>, vector<16xi32>,
          %bitcast3A = vector.bitcast %get3A_131 : vector<16xi32> to vector<32xbf16>
          %get3A_132 = arith.index_cast %add3A_128 : i32 to index
          %get3A_133 = arith.constant 0 : index
          %get3A_134 = tpu.vector_load %arg8[%get3A_132, %get3A_133] {strides = array<i32>} : memref<512x128xi32, #tpu.memory_space<vmem>>, vector<16xi32>,
          %bitcast3A_135 = vector.bitcast %get3A_134 : vector<16xi32> to vector<32xbf16>
          %max3A = arith.maximumf %bitcast3A, %bitcast3A_135 : vector<32xbf16>
          %bitcast3A_136 = vector.bitcast %max3A : vector<32xbf16> to vector<16xi32>
          %swap3A = arith.index_cast %reduce_max3A_125 : i32 to index
          %swap3A_137 = arith.constant 0 : index
          %swap3A_138 = tpu.vector_load %arg7[%swap3A, %swap3A_137] {strides = array<i32>} : memref<321x128xi32, #tpu.memory_space<vmem>>, vector<16xi32>,
          tpu.vector_store %arg7[%swap3A, %swap3A_137], %bitcast3A_136 {strides = array<i32>} : memref<321x128xi32, #tpu.memory_space<vmem>>, vector<16xi32>,
          %get3A_139 = arith.index_cast %reduce_max3A_125 : i32 to index
          %get3A_140 = arith.constant 16 : index
          %get3A_141 = tpu.vector_load %arg7[%get3A_139, %get3A_140] {strides = array<i32>} : memref<321x128xi32, #tpu.memory_space<vmem>>, vector<16xi32>,
          %bitcast3A_142 = vector.bitcast %get3A_141 : vector<16xi32> to vector<32xbf16>
          %get3A_143 = arith.index_cast %add3A_128 : i32 to index
          %get3A_144 = arith.constant 16 : index
          %get3A_145 = tpu.vector_load %arg8[%get3A_143, %get3A_144] {strides = array<i32>} : memref<512x128xi32, #tpu.memory_space<vmem>>, vector<16xi32>,
          %bitcast3A_146 = vector.bitcast %get3A_145 : vector<16xi32> to vector<32xbf16>
          %max3A_147 = arith.maximumf %bitcast3A_142, %bitcast3A_146 : vector<32xbf16>
          %bitcast3A_148 = vector.bitcast %max3A_147 : vector<32xbf16> to vector<16xi32>
          %swap3A_149 = arith.index_cast %reduce_max3A_125 : i32 to index
          %swap3A_150 = arith.constant 16 : index
          %swap3A_151 = tpu.vector_load %arg7[%swap3A_149, %swap3A_150] {strides = array<i32>} : memref<321x128xi32, #tpu.memory_space<vmem>>, vector<16xi32>,
          tpu.vector_store %arg7[%swap3A_149, %swap3A_150], %bitcast3A_148 {strides = array<i32>} : memref<321x128xi32, #tpu.memory_space<vmem>>, vector<16xi32>,
          %get3A_152 = arith.index_cast %reduce_max3A_125 : i32 to index
          %get3A_153 = arith.constant 32 : index
          %get3A_154 = tpu.vector_load %arg7[%get3A_152, %get3A_153] {strides = array<i32>} : memref<321x128xi32, #tpu.memory_space<vmem>>, vector<16xi32>,
          %bitcast3A_155 = vector.bitcast %get3A_154 : vector<16xi32> to vector<32xbf16>
          %get3A_156 = arith.index_cast %add3A_128 : i32 to index
          %get3A_157 = arith.constant 32 : index
          %get3A_158 = tpu.vector_load %arg8[%get3A_156, %get3A_157] {strides = array<i32>} : memref<512x128xi32, #tpu.memory_space<vmem>>, vector<16xi32>,
          %bitcast3A_159 = vector.bitcast %get3A_158 : vector<16xi32> to vector<32xbf16>
          %max3A_160 = arith.maximumf %bitcast3A_155, %bitcast3A_159 : vector<32xbf16>
          %bitcast3A_161 = vector.bitcast %max3A_160 : vector<32xbf16> to vector<16xi32>
          %swap3A_162 = arith.index_cast %reduce_max3A_125 : i32 to index
          %swap3A_163 = arith.constant 32 : index
          %swap3A_164 = tpu.vector_load %arg7[%swap3A_162, %swap3A_163] {strides = array<i32>} : memref<321x128xi32, #tpu.memory_space<vmem>>, vector<16xi32>,
          tpu.vector_store %arg7[%swap3A_162, %swap3A_163], %bitcast3A_161 {strides = array<i32>} : memref<321x128xi32, #tpu.memory_space<vmem>>, vector<16xi32>,
          %get3A_165 = arith.index_cast %reduce_max3A_125 : i32 to index
          %get3A_166 = arith.constant 48 : index
          %get3A_167 = tpu.vector_load %arg7[%get3A_165, %get3A_166] {strides = array<i32>} : memref<321x128xi32, #tpu.memory_space<vmem>>, vector<16xi32>,
          %bitcast3A_168 = vector.bitcast %get3A_167 : vector<16xi32> to vector<32xbf16>
          %get3A_169 = arith.index_cast %add3A_128 : i32 to index
          %get3A_170 = arith.constant 48 : index
          %get3A_171 = tpu.vector_load %arg8[%get3A_169, %get3A_170] {strides = array<i32>} : memref<512x128xi32, #tpu.memory_space<vmem>>, vector<16xi32>,
          %bitcast3A_172 = vector.bitcast %get3A_171 : vector<16xi32> to vector<32xbf16>
          %max3A_173 = arith.maximumf %bitcast3A_168, %bitcast3A_172 : vector<32xbf16>
          %bitcast3A_174 = vector.bitcast %max3A_173 : vector<32xbf16> to vector<16xi32>
          %swap3A_175 = arith.index_cast %reduce_max3A_125 : i32 to index
          %swap3A_176 = arith.constant 48 : index
          %swap3A_177 = tpu.vector_load %arg7[%swap3A_175, %swap3A_176] {strides = array<i32>} : memref<321x128xi32, #tpu.memory_space<vmem>>, vector<16xi32>,
          tpu.vector_store %arg7[%swap3A_175, %swap3A_176], %bitcast3A_174 {strides = array<i32>} : memref<321x128xi32, #tpu.memory_space<vmem>>, vector<16xi32>,
          %get3A_178 = arith.index_cast %reduce_max3A_125 : i32 to index
          %get3A_179 = arith.constant 64 : index
          %get3A_180 = tpu.vector_load %arg7[%get3A_178, %get3A_179] {strides = array<i32>} : memref<321x128xi32, #tpu.memory_space<vmem>>, vector<16xi32>,
          %bitcast3A_181 = vector.bitcast %get3A_180 : vector<16xi32> to vector<32xbf16>
          %get3A_182 = arith.index_cast %add3A_128 : i32 to index
          %get3A_183 = arith.constant 64 : index
          %get3A_184 = tpu.vector_load %arg8[%get3A_182, %get3A_183] {strides = array<i32>} : memref<512x128xi32, #tpu.memory_space<vmem>>, vector<16xi32>,
          %bitcast3A_185 = vector.bitcast %get3A_184 : vector<16xi32> to vector<32xbf16>
          %max3A_186 = arith.maximumf %bitcast3A_181, %bitcast3A_185 : vector<32xbf16>
          %bitcast3A_187 = vector.bitcast %max3A_186 : vector<32xbf16> to vector<16xi32>
          %swap3A_188 = arith.index_cast %reduce_max3A_125 : i32 to index
          %swap3A_189 = arith.constant 64 : index
          %swap3A_190 = tpu.vector_load %arg7[%swap3A_188, %swap3A_189] {strides = array<i32>} : memref<321x128xi32, #tpu.memory_space<vmem>>, vector<16xi32>,
          tpu.vector_store %arg7[%swap3A_188, %swap3A_189], %bitcast3A_187 {strides = array<i32>} : memref<321x128xi32, #tpu.memory_space<vmem>>, vector<16xi32>,
          %get3A_191 = arith.index_cast %reduce_max3A_125 : i32 to index
          %get3A_192 = arith.constant 80 : index
          %get3A_193 = tpu.vector_load %arg7[%get3A_191, %get3A_192] {strides = array<i32>} : memref<321x128xi32, #tpu.memory_space<vmem>>, vector<16xi32>,
          %bitcast3A_194 = vector.bitcast %get3A_193 : vector<16xi32> to vector<32xbf16>
          %get3A_195 = arith.index_cast %add3A_128 : i32 to index
          %get3A_196 = arith.constant 80 : index
          %get3A_197 = tpu.vector_load %arg8[%get3A_195, %get3A_196] {strides = array<i32>} : memref<512x128xi32, #tpu.memory_space<vmem>>, vector<16xi32>,
          %bitcast3A_198 = vector.bitcast %get3A_197 : vector<16xi32> to vector<32xbf16>
          %max3A_199 = arith.maximumf %bitcast3A_194, %bitcast3A_198 : vector<32xbf16>
          %bitcast3A_200 = vector.bitcast %max3A_199 : vector<32xbf16> to vector<16xi32>
          %swap3A_201 = arith.index_cast %reduce_max3A_125 : i32 to index
          %swap3A_202 = arith.constant 80 : index
          %swap3A_203 = tpu.vector_load %arg7[%swap3A_201, %swap3A_202] {strides = array<i32>} : memref<321x128xi32, #tpu.memory_space<vmem>>, vector<16xi32>,
          tpu.vector_store %arg7[%swap3A_201, %swap3A_202], %bitcast3A_200 {strides = array<i32>} : memref<321x128xi32, #tpu.memory_space<vmem>>, vector<16xi32>,
          %get3A_204 = arith.index_cast %reduce_max3A_125 : i32 to index
          %get3A_205 = arith.constant 96 : index
          %get3A_206 = tpu.vector_load %arg7[%get3A_204, %get3A_205] {strides = array<i32>} : memref<321x128xi32, #tpu.memory_space<vmem>>, vector<16xi32>,
          %bitcast3A_207 = vector.bitcast %get3A_206 : vector<16xi32> to vector<32xbf16>
          %get3A_208 = arith.index_cast %add3A_128 : i32 to index
          %get3A_209 = arith.constant 96 : index
          %get3A_210 = tpu.vector_load %arg8[%get3A_208, %get3A_209] {strides = array<i32>} : memref<512x128xi32, #tpu.memory_space<vmem>>, vector<16xi32>,
          %bitcast3A_211 = vector.bitcast %get3A_210 : vector<16xi32> to vector<32xbf16>
          %max3A_212 = arith.maximumf %bitcast3A_207, %bitcast3A_211 : vector<32xbf16>
          %bitcast3A_213 = vector.bitcast %max3A_212 : vector<32xbf16> to vector<16xi32>
          %swap3A_214 = arith.index_cast %reduce_max3A_125 : i32 to index
          %swap3A_215 = arith.constant 96 : index
          %swap3A_216 = tpu.vector_load %arg7[%swap3A_214, %swap3A_215] {strides = array<i32>} : memref<321x128xi32, #tpu.memory_space<vmem>>, vector<16xi32>,
          tpu.vector_store %arg7[%swap3A_214, %swap3A_215], %bitcast3A_213 {strides = array<i32>} : memref<321x128xi32, #tpu.memory_space<vmem>>, vector<16xi32>,
          %get3A_217 = arith.index_cast %reduce_max3A_125 : i32 to index
          %get3A_218 = arith.constant 112 : index
          %get3A_219 = tpu.vector_load %arg7[%get3A_217, %get3A_218] {strides = array<i32>} : memref<321x128xi32, #tpu.memory_space<vmem>>, vector<16xi32>,
          %bitcast3A_220 = vector.bitcast %get3A_219 : vector<16xi32> to vector<32xbf16>
          %get3A_221 = arith.index_cast %add3A_128 : i32 to index
          %get3A_222 = arith.constant 112 : index
          %get3A_223 = tpu.vector_load %arg8[%get3A_221, %get3A_222] {strides = array<i32>} : memref<512x128xi32, #tpu.memory_space<vmem>>, vector<16xi32>,
          %bitcast3A_224 = vector.bitcast %get3A_223 : vector<16xi32> to vector<32xbf16>
          %max3A_225 = arith.maximumf %bitcast3A_220, %bitcast3A_224 : vector<32xbf16>
          %bitcast3A_226 = vector.bitcast %max3A_225 : vector<32xbf16> to vector<16xi32>
          %swap3A_227 = arith.index_cast %reduce_max3A_125 : i32 to index
          %swap3A_228 = arith.constant 112 : index
          %swap3A_229 = tpu.vector_load %arg7[%swap3A_227, %swap3A_228] {strides = array<i32>} : memref<321x128xi32, #tpu.memory_space<vmem>>, vector<16xi32>,
          tpu.vector_store %arg7[%swap3A_227, %swap3A_228], %bitcast3A_226 {strides = array<i32>} : memref<321x128xi32, #tpu.memory_space<vmem>>, vector<16xi32>,
        }
        %scan3A_110 = arith.constant 16 : i32
      }
      %scan3A_96 = arith.constant 32 : i32
    }
    %while3A_24 = arith.constant 1 : i32
    scf.for %while3A_25 = %while3A_22 to %while3A_18 step %while3A_24  : i32 {
      %mul3A_26 = arith.constant 512 : i32
      %mul3A_27 = arith.muli %while3A_25, %mul3A_26 : i32
      "tpu.region"() ({
        %run_scoped3A = tpu.sem_alloc : memref<!tpu.dma_semaphore, #tpu.memory_space<semaphore_mem>>
        %dma_start3A_97 = tpu.memref_slice %arg3[%add3A, %mul3A_27] : memref<32x172032xi32, #tpu.memory_space<hbm>> -> memref<1x512xi32, #tpu.memory_space<hbm>>
        %dma_start3A_98 = tpu.memref_squeeze %dma_start3A_97 : memref<1x512xi32, #tpu.memory_space<hbm>> -> memref<512xi32, #tpu.memory_space<hbm>>
        %dma_start3A_99 = tpu.memref_slice %arg3[%add3A, %mul3A_27] : memref<32x172032xi32, #tpu.memory_space<hbm>> -> memref<1x512xi32, #tpu.memory_space<hbm>>
        %dma_start3A_100 = tpu.memref_squeeze %dma_start3A_99 : memref<1x512xi32, #tpu.memory_space<hbm>> -> memref<512xi32, #tpu.memory_space<hbm>>
        tpu.enqueue_dma source(%dma_start3A_100 : memref<512xi32, #tpu.memory_space<hbm>>) target(%arg9 : memref<512xi32, #tpu.memory_space<vmem>>) target_semaphore(%run_scoped3A : memref<!tpu.dma_semaphore, #tpu.memory_space<semaphore_mem>>)
        %dma_wait3A_101 = tpu.memref_slice %arg3[%add3A, %mul3A_27] : memref<32x172032xi32, #tpu.memory_space<hbm>> -> memref<1x512xi32, #tpu.memory_space<hbm>>
        %dma_wait3A_102 = tpu.memref_squeeze %dma_wait3A_101 : memref<1x512xi32, #tpu.memory_space<hbm>> -> memref<512xi32, #tpu.memory_space<hbm>>
        %dma_wait3A_103 = tpu.memref_slice %arg3[%add3A, %mul3A_27] : memref<32x172032xi32, #tpu.memory_space<hbm>> -> memref<1x512xi32, #tpu.memory_space<hbm>>
        %dma_wait3A_104 = tpu.memref_squeeze %dma_wait3A_103 : memref<1x512xi32, #tpu.memory_space<hbm>> -> memref<512xi32, #tpu.memory_space<hbm>>
        tpu.wait_dma2 semaphore(%run_scoped3A : memref<!tpu.dma_semaphore, #tpu.memory_space<semaphore_mem>>) src(%dma_wait3A_104 : memref<512xi32, #tpu.memory_space<hbm>>) dst(%arg9 : memref<512xi32, #tpu.memory_space<vmem>>)
        tpu.yield
      }) : () -> ()
      %mul3A_28 = arith.constant 512 : i32
      %mul3A_29 = arith.muli %while3A_25, %mul3A_28 : i32
      "tpu.region"() ({
        %run_scoped3A = tpu.sem_alloc : memref<!tpu.dma_semaphore, #tpu.memory_space<semaphore_mem>>
        %dma_start3A_97 = tpu.memref_slice %arg4[%add3A, %mul3A_29] : memref<32x172032xi32, #tpu.memory_space<hbm>> -> memref<1x512xi32, #tpu.memory_space<hbm>>
        %dma_start3A_98 = tpu.memref_squeeze %dma_start3A_97 : memref<1x512xi32, #tpu.memory_space<hbm>> -> memref<512xi32, #tpu.memory_space<hbm>>
        %dma_start3A_99 = tpu.memref_slice %arg4[%add3A, %mul3A_29] : memref<32x172032xi32, #tpu.memory_space<hbm>> -> memref<1x512xi32, #tpu.memory_space<hbm>>
        %dma_start3A_100 = tpu.memref_squeeze %dma_start3A_99 : memref<1x512xi32, #tpu.memory_space<hbm>> -> memref<512xi32, #tpu.memory_space<hbm>>
        tpu.enqueue_dma source(%dma_start3A_100 : memref<512xi32, #tpu.memory_space<hbm>>) target(%arg10 : memref<512xi32, #tpu.memory_space<vmem>>) target_semaphore(%run_scoped3A : memref<!tpu.dma_semaphore, #tpu.memory_space<semaphore_mem>>)
        %dma_wait3A_101 = tpu.memref_slice %arg4[%add3A, %mul3A_29] : memref<32x172032xi32, #tpu.memory_space<hbm>> -> memref<1x512xi32, #tpu.memory_space<hbm>>
        %dma_wait3A_102 = tpu.memref_squeeze %dma_wait3A_101 : memref<1x512xi32, #tpu.memory_space<hbm>> -> memref<512xi32, #tpu.memory_space<hbm>>
        %dma_wait3A_103 = tpu.memref_slice %arg4[%add3A, %mul3A_29] : memref<32x172032xi32, #tpu.memory_space<hbm>> -> memref<1x512xi32, #tpu.memory_space<hbm>>
        %dma_wait3A_104 = tpu.memref_squeeze %dma_wait3A_103 : memref<1x512xi32, #tpu.memory_space<hbm>> -> memref<512xi32, #tpu.memory_space<hbm>>
        tpu.wait_dma2 semaphore(%run_scoped3A : memref<!tpu.dma_semaphore, #tpu.memory_space<semaphore_mem>>) src(%dma_wait3A_104 : memref<512xi32, #tpu.memory_space<hbm>>) dst(%arg10 : memref<512xi32, #tpu.memory_space<vmem>>)
        tpu.yield
      }) : () -> ()
      %dma_start3A = arith.constant 0 : i32
      %dma_start3A_30 = arith.constant 0 : i32
      %dma_start3A_31 = tpu.memref_slice %arg8[%dma_start3A, %dma_start3A_30] : memref<512x128xi32, #tpu.memory_space<vmem>> -> memref<128x128xi32, #tpu.memory_space<vmem>>
      %dma_start3A_32 = arith.constant 0 : i32
      %dma_start3A_33 = tpu.memref_slice %arg9[%dma_start3A_32] : memref<512xi32, #tpu.memory_space<vmem>> -> memref<128xi32, #tpu.memory_space<vmem>>
      %dma_start3A_34 = arith.constant 0 : i32
      %dma_start3A_35 = arith.constant 0 : i32
      %dma_start3A_36 = tpu.memref_slice %arg2[%dma_start3A_34, %dma_start3A_35] : memref<10000x128xi32, #tpu.memory_space<hbm>> -> memref<10000x128xi32, #tpu.memory_space<hbm>>
      tpu.enqueue_indirect_dma source(%dma_start3A_36 : memref<10000x128xi32, #tpu.memory_space<hbm>>) target(%dma_start3A_31 : memref<128x128xi32, #tpu.memory_space<vmem>>) offsets(%dma_start3A_33 : memref<128xi32, #tpu.memory_space<vmem>>) semaphore(%arg12 : memref<!tpu.dma_semaphore, #tpu.memory_space<semaphore_mem>>)
      %dma_start3A_37 = arith.constant 128 : i32
      %dma_start3A_38 = arith.constant 0 : i32
      %dma_start3A_39 = tpu.memref_slice %arg8[%dma_start3A_37, %dma_start3A_38] : memref<512x128xi32, #tpu.memory_space<vmem>> -> memref<128x128xi32, #tpu.memory_space<vmem>>
      %dma_start3A_40 = arith.constant 128 : i32
      %dma_start3A_41 = tpu.memref_slice %arg9[%dma_start3A_40] : memref<512xi32, #tpu.memory_space<vmem>> -> memref<128xi32, #tpu.memory_space<vmem>>
      %dma_start3A_42 = arith.constant 0 : i32
      %dma_start3A_43 = arith.constant 0 : i32
      %dma_start3A_44 = tpu.memref_slice %arg2[%dma_start3A_42, %dma_start3A_43] : memref<10000x128xi32, #tpu.memory_space<hbm>> -> memref<10000x128xi32, #tpu.memory_space<hbm>>
      tpu.enqueue_indirect_dma source(%dma_start3A_44 : memref<10000x128xi32, #tpu.memory_space<hbm>>) target(%dma_start3A_39 : memref<128x128xi32, #tpu.memory_space<vmem>>) offsets(%dma_start3A_41 : memref<128xi32, #tpu.memory_space<vmem>>) semaphore(%arg12 : memref<!tpu.dma_semaphore, #tpu.memory_space<semaphore_mem>>)
      %dma_start3A_45 = arith.constant 256 : i32
      %dma_start3A_46 = arith.constant 0 : i32
      %dma_start3A_47 = tpu.memref_slice %arg8[%dma_start3A_45, %dma_start3A_46] : memref<512x128xi32, #tpu.memory_space<vmem>> -> memref<128x128xi32, #tpu.memory_space<vmem>>
      %dma_start3A_48 = arith.constant 256 : i32
      %dma_start3A_49 = tpu.memref_slice %arg9[%dma_start3A_48] : memref<512xi32, #tpu.memory_space<vmem>> -> memref<128xi32, #tpu.memory_space<vmem>>
      %dma_start3A_50 = arith.constant 0 : i32
      %dma_start3A_51 = arith.constant 0 : i32
      %dma_start3A_52 = tpu.memref_slice %arg2[%dma_start3A_50, %dma_start3A_51] : memref<10000x128xi32, #tpu.memory_space<hbm>> -> memref<10000x128xi32, #tpu.memory_space<hbm>>
      tpu.enqueue_indirect_dma source(%dma_start3A_52 : memref<10000x128xi32, #tpu.memory_space<hbm>>) target(%dma_start3A_47 : memref<128x128xi32, #tpu.memory_space<vmem>>) offsets(%dma_start3A_49 : memref<128xi32, #tpu.memory_space<vmem>>) semaphore(%arg12 : memref<!tpu.dma_semaphore, #tpu.memory_space<semaphore_mem>>)
      %dma_start3A_53 = arith.constant 384 : i32
      %dma_start3A_54 = arith.constant 0 : i32
      %dma_start3A_55 = tpu.memref_slice %arg8[%dma_start3A_53, %dma_start3A_54] : memref<512x128xi32, #tpu.memory_space<vmem>> -> memref<128x128xi32, #tpu.memory_space<vmem>>
      %dma_start3A_56 = arith.constant 384 : i32
      %dma_start3A_57 = tpu.memref_slice %arg9[%dma_start3A_56] : memref<512xi32, #tpu.memory_space<vmem>> -> memref<128xi32, #tpu.memory_space<vmem>>
      %dma_start3A_58 = arith.constant 0 : i32
      %dma_start3A_59 = arith.constant 0 : i32
      %dma_start3A_60 = tpu.memref_slice %arg2[%dma_start3A_58, %dma_start3A_59] : memref<10000x128xi32, #tpu.memory_space<hbm>> -> memref<10000x128xi32, #tpu.memory_space<hbm>>
      tpu.enqueue_indirect_dma source(%dma_start3A_60 : memref<10000x128xi32, #tpu.memory_space<hbm>>) target(%dma_start3A_55 : memref<128x128xi32, #tpu.memory_space<vmem>>) offsets(%dma_start3A_57 : memref<128xi32, #tpu.memory_space<vmem>>) semaphore(%arg12 : memref<!tpu.dma_semaphore, #tpu.memory_space<semaphore_mem>>)
      %dma_wait3A = arith.constant 0 : i32
      %dma_wait3A_61 = arith.constant 0 : i32
      %dma_wait3A_62 = tpu.memref_slice %arg8[%dma_wait3A, %dma_wait3A_61] : memref<512x128xi32, #tpu.memory_space<vmem>> -> memref<128x128xi32, #tpu.memory_space<vmem>>
      %dma_wait3A_63 = arith.constant 0 : i32
      %dma_wait3A_64 = tpu.memref_slice %arg9[%dma_wait3A_63] : memref<512xi32, #tpu.memory_space<vmem>> -> memref<128xi32, #tpu.memory_space<vmem>>
      %dma_wait3A_65 = arith.constant 0 : i32
      %dma_wait3A_66 = arith.constant 0 : i32
      %dma_wait3A_67 = tpu.memref_slice %arg2[%dma_wait3A_65, %dma_wait3A_66] : memref<10000x128xi32, #tpu.memory_space<hbm>> -> memref<10000x128xi32, #tpu.memory_space<hbm>>
      tpu.wait_indirect_dma semaphore(%arg12 : memref<!tpu.dma_semaphore, #tpu.memory_space<semaphore_mem>>) src(%dma_wait3A_67 : memref<10000x128xi32, #tpu.memory_space<hbm>>) dst(%dma_wait3A_62 : memref<128x128xi32, #tpu.memory_space<vmem>>)
      %dma_wait3A_68 = arith.constant 128 : i32
      %dma_wait3A_69 = arith.constant 0 : i32
      %dma_wait3A_70 = tpu.memref_slice %arg8[%dma_wait3A_68, %dma_wait3A_69] : memref<512x128xi32, #tpu.memory_space<vmem>> -> memref<128x128xi32, #tpu.memory_space<vmem>>
      %dma_wait3A_71 = arith.constant 128 : i32
      %dma_wait3A_72 = tpu.memref_slice %arg9[%dma_wait3A_71] : memref<512xi32, #tpu.memory_space<vmem>> -> memref<128xi32, #tpu.memory_space<vmem>>
      %dma_wait3A_73 = arith.constant 0 : i32
      %dma_wait3A_74 = arith.constant 0 : i32
      %dma_wait3A_75 = tpu.memref_slice %arg2[%dma_wait3A_73, %dma_wait3A_74] : memref<10000x128xi32, #tpu.memory_space<hbm>> -> memref<10000x128xi32, #tpu.memory_space<hbm>>
      tpu.wait_indirect_dma semaphore(%arg12 : memref<!tpu.dma_semaphore, #tpu.memory_space<semaphore_mem>>) src(%dma_wait3A_75 : memref<10000x128xi32, #tpu.memory_space<hbm>>) dst(%dma_wait3A_70 : memref<128x128xi32, #tpu.memory_space<vmem>>)
      %dma_wait3A_76 = arith.constant 256 : i32
      %dma_wait3A_77 = arith.constant 0 : i32
      %dma_wait3A_78 = tpu.memref_slice %arg8[%dma_wait3A_76, %dma_wait3A_77] : memref<512x128xi32, #tpu.memory_space<vmem>> -> memref<128x128xi32, #tpu.memory_space<vmem>>
      %dma_wait3A_79 = arith.constant 256 : i32
      %dma_wait3A_80 = tpu.memref_slice %arg9[%dma_wait3A_79] : memref<512xi32, #tpu.memory_space<vmem>> -> memref<128xi32, #tpu.memory_space<vmem>>
      %dma_wait3A_81 = arith.constant 0 : i32
      %dma_wait3A_82 = arith.constant 0 : i32
      %dma_wait3A_83 = tpu.memref_slice %arg2[%dma_wait3A_81, %dma_wait3A_82] : memref<10000x128xi32, #tpu.memory_space<hbm>> -> memref<10000x128xi32, #tpu.memory_space<hbm>>
      tpu.wait_indirect_dma semaphore(%arg12 : memref<!tpu.dma_semaphore, #tpu.memory_space<semaphore_mem>>) src(%dma_wait3A_83 : memref<10000x128xi32, #tpu.memory_space<hbm>>) dst(%dma_wait3A_78 : memref<128x128xi32, #tpu.memory_space<vmem>>)
      %dma_wait3A_84 = arith.constant 384 : i32
      %dma_wait3A_85 = arith.constant 0 : i32
      %dma_wait3A_86 = tpu.memref_slice %arg8[%dma_wait3A_84, %dma_wait3A_85] : memref<512x128xi32, #tpu.memory_space<vmem>> -> memref<128x128xi32, #tpu.memory_space<vmem>>
      %dma_wait3A_87 = arith.constant 384 : i32
      %dma_wait3A_88 = tpu.memref_slice %arg9[%dma_wait3A_87] : memref<512xi32, #tpu.memory_space<vmem>> -> memref<128xi32, #tpu.memory_space<vmem>>
      %dma_wait3A_89 = arith.constant 0 : i32
      %dma_wait3A_90 = arith.constant 0 : i32
      %dma_wait3A_91 = tpu.memref_slice %arg2[%dma_wait3A_89, %dma_wait3A_90] : memref<10000x128xi32, #tpu.memory_space<hbm>> -> memref<10000x128xi32, #tpu.memory_space<hbm>>
      tpu.wait_indirect_dma semaphore(%arg12 : memref<!tpu.dma_semaphore, #tpu.memory_space<semaphore_mem>>) src(%dma_wait3A_91 : memref<10000x128xi32, #tpu.memory_space<hbm>>) dst(%dma_wait3A_86 : memref<128x128xi32, #tpu.memory_space<vmem>>)
      %iota3A = tpu.iota {dimensions = array<i32: 0>} : vector<16xi32>
      %scan3A_92 = arith.constant 0 : i32
      %scan3A_93 = arith.constant 32 : i32
      %scan3A_94 = arith.addi %scan3A_92, %scan3A_93 : i32
      %scan3A_95 = arith.constant 1 : i32
      scf.for %scan3A_97 = %scan3A_92 to %scan3A_94 step %scan3A_95  : i32 {
        %mul3A_98 = arith.constant 1 : i32
        %mul3A_99 = arith.muli %scan3A_97, %mul3A_98 : i32
        %add3A_100 = arith.constant 0 : i32
        %add3A_101 = arith.addi %add3A_100, %mul3A_99 : i32
        %mul3A_102 = arith.constant 16 : i32
        %mul3A_103 = arith.muli %add3A_101, %mul3A_102 : i32
        %get3A_104 = arith.index_cast %mul3A_103 : i32 to index
        %get3A_105 = tpu.vector_load %arg10[%get3A_104] {strides = array<i32>} : memref<512xi32, #tpu.memory_space<vmem>>, vector<16xi32>,
        %scan3A_106 = arith.constant 0 : i32
        %scan3A_107 = arith.constant 16 : i32
        %scan3A_108 = arith.addi %scan3A_106, %scan3A_107 : i32
        %scan3A_109 = arith.constant 1 : i32
        scf.for %scan3A_111 = %scan3A_106 to %scan3A_108 step %scan3A_109  : i32 {
          %mul3A_112 = arith.constant 1 : i32
          %mul3A_113 = arith.muli %scan3A_111, %mul3A_112 : i32
          %add3A_114 = arith.constant 0 : i32
          %add3A_115 = arith.addi %add3A_114, %mul3A_113 : i32
          %eq3A = vector.broadcast %add3A_115 : i32 to vector<16xi32>
          %eq3A_116 = arith.cmpi eq, %iota3A, %eq3A : vector<16xi32>
          %jit3A = arith.constant 0 : i32
          %broadcast_in_dim3A_117 = vector.broadcast %jit3A : i32 to vector<16xi32>
          %select_n3A = arith.select %eq3A_116, %get3A_105, %broadcast_in_dim3A_117 : vector<16xi1>, vector<16xi32>
          %reduce_max3A_118 = arith.constant true
          %reduce_max3A_119 = vector.broadcast %reduce_max3A_118 : i1 to vector<16xi1>
          %reduce_max3A_120 = arith.constant -2147483648 : i32
          %reduce_max3A_121 = vector.broadcast %reduce_max3A_120 : i32 to vector<16xi32>
          %reduce_max3A_122 = arith.xori %select_n3A, %reduce_max3A_121 : vector<16xi32>
          %reduce_max3A_123 = tpu.scan <max>, %reduce_max3A_122 masked %reduce_max3A_119 : vector<16xi32>, vector<16xi1> -> vector<16xi32>
          %reduce_max3A_124 = arith.xori %reduce_max3A_123, %reduce_max3A_121 : vector<16xi32>
          %reduce_max3A_125 = vector.extract %reduce_max3A_124[15] : i32 from vector<16xi32>
          %mul3A_126 = arith.constant 16 : i32
          %mul3A_127 = arith.muli %add3A_101, %mul3A_126 : i32
          %add3A_128 = arith.addi %mul3A_127, %add3A_115 : i32
          %get3A_129 = arith.index_cast %reduce_max3A_125 : i32 to index
          %get3A_130 = arith.constant 0 : index
          %get3A_131 = tpu.vector_load %arg7[%get3A_129, %get3A_130] {strides = array<i32>} : memref<321x128xi32, #tpu.memory_space<vmem>>, vector<16xi32>,
          %bitcast3A = vector.bitcast %get3A_131 : vector<16xi32> to vector<32xbf16>
          %get3A_132 = arith.index_cast %add3A_128 : i32 to index
          %get3A_133 = arith.constant 0 : index
          %get3A_134 = tpu.vector_load %arg8[%get3A_132, %get3A_133] {strides = array<i32>} : memref<512x128xi32, #tpu.memory_space<vmem>>, vector<16xi32>,
          %bitcast3A_135 = vector.bitcast %get3A_134 : vector<16xi32> to vector<32xbf16>
          %max3A = arith.maximumf %bitcast3A, %bitcast3A_135 : vector<32xbf16>
          %bitcast3A_136 = vector.bitcast %max3A : vector<32xbf16> to vector<16xi32>
          %swap3A = arith.index_cast %reduce_max3A_125 : i32 to index
          %swap3A_137 = arith.constant 0 : index
          %swap3A_138 = tpu.vector_load %arg7[%swap3A, %swap3A_137] {strides = array<i32>} : memref<321x128xi32, #tpu.memory_space<vmem>>, vector<16xi32>,
          tpu.vector_store %arg7[%swap3A, %swap3A_137], %bitcast3A_136 {strides = array<i32>} : memref<321x128xi32, #tpu.memory_space<vmem>>, vector<16xi32>,
          %get3A_139 = arith.index_cast %reduce_max3A_125 : i32 to index
          %get3A_140 = arith.constant 16 : index
          %get3A_141 = tpu.vector_load %arg7[%get3A_139, %get3A_140] {strides = array<i32>} : memref<321x128xi32, #tpu.memory_space<vmem>>, vector<16xi32>,
          %bitcast3A_142 = vector.bitcast %get3A_141 : vector<16xi32> to vector<32xbf16>
          %get3A_143 = arith.index_cast %add3A_128 : i32 to index
          %get3A_144 = arith.constant 16 : index
          %get3A_145 = tpu.vector_load %arg8[%get3A_143, %get3A_144] {strides = array<i32>} : memref<512x128xi32, #tpu.memory_space<vmem>>, vector<16xi32>,
          %bitcast3A_146 = vector.bitcast %get3A_145 : vector<16xi32> to vector<32xbf16>
          %max3A_147 = arith.maximumf %bitcast3A_142, %bitcast3A_146 : vector<32xbf16>
          %bitcast3A_148 = vector.bitcast %max3A_147 : vector<32xbf16> to vector<16xi32>
          %swap3A_149 = arith.index_cast %reduce_max3A_125 : i32 to index
          %swap3A_150 = arith.constant 16 : index
          %swap3A_151 = tpu.vector_load %arg7[%swap3A_149, %swap3A_150] {strides = array<i32>} : memref<321x128xi32, #tpu.memory_space<vmem>>, vector<16xi32>,
          tpu.vector_store %arg7[%swap3A_149, %swap3A_150], %bitcast3A_148 {strides = array<i32>} : memref<321x128xi32, #tpu.memory_space<vmem>>, vector<16xi32>,
          %get3A_152 = arith.index_cast %reduce_max3A_125 : i32 to index
          %get3A_153 = arith.constant 32 : index
          %get3A_154 = tpu.vector_load %arg7[%get3A_152, %get3A_153] {strides = array<i32>} : memref<321x128xi32, #tpu.memory_space<vmem>>, vector<16xi32>,
          %bitcast3A_155 = vector.bitcast %get3A_154 : vector<16xi32> to vector<32xbf16>
          %get3A_156 = arith.index_cast %add3A_128 : i32 to index
          %get3A_157 = arith.constant 32 : index
          %get3A_158 = tpu.vector_load %arg8[%get3A_156, %get3A_157] {strides = array<i32>} : memref<512x128xi32, #tpu.memory_space<vmem>>, vector<16xi32>,
          %bitcast3A_159 = vector.bitcast %get3A_158 : vector<16xi32> to vector<32xbf16>
          %max3A_160 = arith.maximumf %bitcast3A_155, %bitcast3A_159 : vector<32xbf16>
          %bitcast3A_161 = vector.bitcast %max3A_160 : vector<32xbf16> to vector<16xi32>
          %swap3A_162 = arith.index_cast %reduce_max3A_125 : i32 to index
          %swap3A_163 = arith.constant 32 : index
          %swap3A_164 = tpu.vector_load %arg7[%swap3A_162, %swap3A_163] {strides = array<i32>} : memref<321x128xi32, #tpu.memory_space<vmem>>, vector<16xi32>,
          tpu.vector_store %arg7[%swap3A_162, %swap3A_163], %bitcast3A_161 {strides = array<i32>} : memref<321x128xi32, #tpu.memory_space<vmem>>, vector<16xi32>,
          %get3A_165 = arith.index_cast %reduce_max3A_125 : i32 to index
          %get3A_166 = arith.constant 48 : index
          %get3A_167 = tpu.vector_load %arg7[%get3A_165, %get3A_166] {strides = array<i32>} : memref<321x128xi32, #tpu.memory_space<vmem>>, vector<16xi32>,
          %bitcast3A_168 = vector.bitcast %get3A_167 : vector<16xi32> to vector<32xbf16>
          %get3A_169 = arith.index_cast %add3A_128 : i32 to index
          %get3A_170 = arith.constant 48 : index
          %get3A_171 = tpu.vector_load %arg8[%get3A_169, %get3A_170] {strides = array<i32>} : memref<512x128xi32, #tpu.memory_space<vmem>>, vector<16xi32>,
          %bitcast3A_172 = vector.bitcast %get3A_171 : vector<16xi32> to vector<32xbf16>
          %max3A_173 = arith.maximumf %bitcast3A_168, %bitcast3A_172 : vector<32xbf16>
          %bitcast3A_174 = vector.bitcast %max3A_173 : vector<32xbf16> to vector<16xi32>
          %swap3A_175 = arith.index_cast %reduce_max3A_125 : i32 to index
          %swap3A_176 = arith.constant 48 : index
          %swap3A_177 = tpu.vector_load %arg7[%swap3A_175, %swap3A_176] {strides = array<i32>} : memref<321x128xi32, #tpu.memory_space<vmem>>, vector<16xi32>,
          tpu.vector_store %arg7[%swap3A_175, %swap3A_176], %bitcast3A_174 {strides = array<i32>} : memref<321x128xi32, #tpu.memory_space<vmem>>, vector<16xi32>,
          %get3A_178 = arith.index_cast %reduce_max3A_125 : i32 to index
          %get3A_179 = arith.constant 64 : index
          %get3A_180 = tpu.vector_load %arg7[%get3A_178, %get3A_179] {strides = array<i32>} : memref<321x128xi32, #tpu.memory_space<vmem>>, vector<16xi32>,
          %bitcast3A_181 = vector.bitcast %get3A_180 : vector<16xi32> to vector<32xbf16>
          %get3A_182 = arith.index_cast %add3A_128 : i32 to index
          %get3A_183 = arith.constant 64 : index
          %get3A_184 = tpu.vector_load %arg8[%get3A_182, %get3A_183] {strides = array<i32>} : memref<512x128xi32, #tpu.memory_space<vmem>>, vector<16xi32>,
          %bitcast3A_185 = vector.bitcast %get3A_184 : vector<16xi32> to vector<32xbf16>
          %max3A_186 = arith.maximumf %bitcast3A_181, %bitcast3A_185 : vector<32xbf16>
          %bitcast3A_187 = vector.bitcast %max3A_186 : vector<32xbf16> to vector<16xi32>
          %swap3A_188 = arith.index_cast %reduce_max3A_125 : i32 to index
          %swap3A_189 = arith.constant 64 : index
          %swap3A_190 = tpu.vector_load %arg7[%swap3A_188, %swap3A_189] {strides = array<i32>} : memref<321x128xi32, #tpu.memory_space<vmem>>, vector<16xi32>,
          tpu.vector_store %arg7[%swap3A_188, %swap3A_189], %bitcast3A_187 {strides = array<i32>} : memref<321x128xi32, #tpu.memory_space<vmem>>, vector<16xi32>,
          %get3A_191 = arith.index_cast %reduce_max3A_125 : i32 to index
          %get3A_192 = arith.constant 80 : index
          %get3A_193 = tpu.vector_load %arg7[%get3A_191, %get3A_192] {strides = array<i32>} : memref<321x128xi32, #tpu.memory_space<vmem>>, vector<16xi32>,
          %bitcast3A_194 = vector.bitcast %get3A_193 : vector<16xi32> to vector<32xbf16>
          %get3A_195 = arith.index_cast %add3A_128 : i32 to index
          %get3A_196 = arith.constant 80 : index
          %get3A_197 = tpu.vector_load %arg8[%get3A_195, %get3A_196] {strides = array<i32>} : memref<512x128xi32, #tpu.memory_space<vmem>>, vector<16xi32>,
          %bitcast3A_198 = vector.bitcast %get3A_197 : vector<16xi32> to vector<32xbf16>
          %max3A_199 = arith.maximumf %bitcast3A_194, %bitcast3A_198 : vector<32xbf16>
          %bitcast3A_200 = vector.bitcast %max3A_199 : vector<32xbf16> to vector<16xi32>
          %swap3A_201 = arith.index_cast %reduce_max3A_125 : i32 to index
          %swap3A_202 = arith.constant 80 : index
          %swap3A_203 = tpu.vector_load %arg7[%swap3A_201, %swap3A_202] {strides = array<i32>} : memref<321x128xi32, #tpu.memory_space<vmem>>, vector<16xi32>,
          tpu.vector_store %arg7[%swap3A_201, %swap3A_202], %bitcast3A_200 {strides = array<i32>} : memref<321x128xi32, #tpu.memory_space<vmem>>, vector<16xi32>,
          %get3A_204 = arith.index_cast %reduce_max3A_125 : i32 to index
          %get3A_205 = arith.constant 96 : index
          %get3A_206 = tpu.vector_load %arg7[%get3A_204, %get3A_205] {strides = array<i32>} : memref<321x128xi32, #tpu.memory_space<vmem>>, vector<16xi32>,
          %bitcast3A_207 = vector.bitcast %get3A_206 : vector<16xi32> to vector<32xbf16>
          %get3A_208 = arith.index_cast %add3A_128 : i32 to index
          %get3A_209 = arith.constant 96 : index
          %get3A_210 = tpu.vector_load %arg8[%get3A_208, %get3A_209] {strides = array<i32>} : memref<512x128xi32, #tpu.memory_space<vmem>>, vector<16xi32>,
          %bitcast3A_211 = vector.bitcast %get3A_210 : vector<16xi32> to vector<32xbf16>
          %max3A_212 = arith.maximumf %bitcast3A_207, %bitcast3A_211 : vector<32xbf16>
          %bitcast3A_213 = vector.bitcast %max3A_212 : vector<32xbf16> to vector<16xi32>
          %swap3A_214 = arith.index_cast %reduce_max3A_125 : i32 to index
          %swap3A_215 = arith.constant 96 : index
          %swap3A_216 = tpu.vector_load %arg7[%swap3A_214, %swap3A_215] {strides = array<i32>} : memref<321x128xi32, #tpu.memory_space<vmem>>, vector<16xi32>,
          tpu.vector_store %arg7[%swap3A_214, %swap3A_215], %bitcast3A_213 {strides = array<i32>} : memref<321x128xi32, #tpu.memory_space<vmem>>, vector<16xi32>,
          %get3A_217 = arith.index_cast %reduce_max3A_125 : i32 to index
          %get3A_218 = arith.constant 112 : index
          %get3A_219 = tpu.vector_load %arg7[%get3A_217, %get3A_218] {strides = array<i32>} : memref<321x128xi32, #tpu.memory_space<vmem>>, vector<16xi32>,
          %bitcast3A_220 = vector.bitcast %get3A_219 : vector<16xi32> to vector<32xbf16>
          %get3A_221 = arith.index_cast %add3A_128 : i32 to index
          %get3A_222 = arith.constant 112 : index
          %get3A_223 = tpu.vector_load %arg8[%get3A_221, %get3A_222] {strides = array<i32>} : memref<512x128xi32, #tpu.memory_space<vmem>>, vector<16xi32>,
          %bitcast3A_224 = vector.bitcast %get3A_223 : vector<16xi32> to vector<32xbf16>
          %max3A_225 = arith.maximumf %bitcast3A_220, %bitcast3A_224 : vector<32xbf16>
          %bitcast3A_226 = vector.bitcast %max3A_225 : vector<32xbf16> to vector<16xi32>
          %swap3A_227 = arith.index_cast %reduce_max3A_125 : i32 to index
          %swap3A_228 = arith.constant 112 : index
          %swap3A_229 = tpu.vector_load %arg7[%swap3A_227, %swap3A_228] {strides = array<i32>} : memref<321x128xi32, #tpu.memory_space<vmem>>, vector<16xi32>,
          tpu.vector_store %arg7[%swap3A_227, %swap3A_228], %bitcast3A_226 {strides = array<i32>} : memref<321x128xi32, #tpu.memory_space<vmem>>, vector<16xi32>,
        }
        %scan3A_110 = arith.constant 16 : i32
      }
      %scan3A_96 = arith.constant 32 : i32
    }
    "tpu.region"() ({
      %run_scoped3A = tpu.sem_alloc : memref<!tpu.dma_semaphore, #tpu.memory_space<semaphore_mem>>
      %dma_start3A = arith.constant 0 : i32
      %dma_start3A_25 = arith.constant 0 : i32
      %dma_start3A_26 = tpu.memref_slice %arg7[%dma_start3A, %dma_start3A_25] : memref<321x128xi32, #tpu.memory_space<vmem>> -> memref<320x128xi32, #tpu.memory_space<vmem>>
      %dma_start3A_27 = arith.constant 0 : i32
      %dma_start3A_28 = tpu.memref_slice %arg6[%mul3A_2, %dma_start3A_27] : memref<10240x128xi32, #tpu.memory_space<hbm>> -> memref<320x128xi32, #tpu.memory_space<hbm>>
      %dma_start3A_29 = arith.constant 0 : i32
      %dma_start3A_30 = tpu.memref_slice %arg6[%mul3A_2, %dma_start3A_29] : memref<10240x128xi32, #tpu.memory_space<hbm>> -> memref<320x128xi32, #tpu.memory_space<hbm>>
      %dma_start3A_31 = arith.constant 0 : i32
      %dma_start3A_32 = arith.constant 0 : i32
      %dma_start3A_33 = tpu.memref_slice %arg7[%dma_start3A_31, %dma_start3A_32] : memref<321x128xi32, #tpu.memory_space<vmem>> -> memref<320x128xi32, #tpu.memory_space<vmem>>
      tpu.enqueue_dma source(%dma_start3A_33 : memref<320x128xi32, #tpu.memory_space<vmem>>) target(%dma_start3A_30 : memref<320x128xi32, #tpu.memory_space<hbm>>) target_semaphore(%run_scoped3A : memref<!tpu.dma_semaphore, #tpu.memory_space<semaphore_mem>>)
      %dma_wait3A = arith.constant 0 : i32
      %dma_wait3A_34 = arith.constant 0 : i32
      %dma_wait3A_35 = tpu.memref_slice %arg7[%dma_wait3A, %dma_wait3A_34] : memref<321x128xi32, #tpu.memory_space<vmem>> -> memref<320x128xi32, #tpu.memory_space<vmem>>
      %dma_wait3A_36 = arith.constant 0 : i32
      %dma_wait3A_37 = tpu.memref_slice %arg6[%mul3A_2, %dma_wait3A_36] : memref<10240x128xi32, #tpu.memory_space<hbm>> -> memref<320x128xi32, #tpu.memory_space<hbm>>
      %dma_wait3A_38 = arith.constant 0 : i32
      %dma_wait3A_39 = tpu.memref_slice %arg6[%mul3A_2, %dma_wait3A_38] : memref<10240x128xi32, #tpu.memory_space<hbm>> -> memref<320x128xi32, #tpu.memory_space<hbm>>
      %dma_wait3A_40 = arith.constant 0 : i32
      %dma_wait3A_41 = arith.constant 0 : i32
      %dma_wait3A_42 = tpu.memref_slice %arg7[%dma_wait3A_40, %dma_wait3A_41] : memref<321x128xi32, #tpu.memory_space<vmem>> -> memref<320x128xi32, #tpu.memory_space<vmem>>
      tpu.wait_dma2 semaphore(%run_scoped3A : memref<!tpu.dma_semaphore, #tpu.memory_space<semaphore_mem>>) src(%dma_wait3A_42 : memref<320x128xi32, #tpu.memory_space<vmem>>) dst(%dma_wait3A_39 : memref<320x128xi32, #tpu.memory_space<hbm>>)
      tpu.yield
    }) : () -> ()
    return
  }
}

module attributes {stable_mosaic.version = 14 : i64} {
  func.func @body(%arg0: i32, %arg1: memref<1000x256xf32, #tpu.memory_space<vmem>>, %arg2: memref<256x256xf32, #tpu.memory_space<vmem>>, %arg3: memref<1x256xf32, #tpu.memory_space<vmem>>, %arg4: memref<1000x256xbf16, #tpu.memory_space<vmem>>) attributes {dimension_semantics = [#tpu.dimension_semantics<arbitrary>], iteration_bounds = array<i64: 10>, scalar_prefetch = 0 : i64, scratch_operands = 0 : i64, tpu.core_type = #tpu.core_type<tc>, window_params = [{transform_indices = @transform_0, window_bounds = array<i64: 1000, 256>}, {pipeline_mode = #tpu.pipeline_mode<synchronous>, transform_indices = @transform_1, window_bounds = array<i64: 256, 256>}, {pipeline_mode = #tpu.pipeline_mode<synchronous>, transform_indices = @transform_2, window_bounds = array<i64: 1, 256>}, {transform_indices = @transform_3, window_bounds = array<i64: 1000, 256>}]} {
    %get3A = arith.constant 0 : index
    %get3A_0 = arith.constant 0 : index
    %get3A_1 = vector.load %arg1[%get3A, %get3A_0] : memref<1000x256xf32, #tpu.memory_space<vmem>>, vector<1000x256xf32>
    %get3A_2 = arith.constant 0 : index
    %get3A_3 = arith.constant 0 : index
    %get3A_4 = vector.load %arg2[%get3A_2, %get3A_3] : memref<256x256xf32, #tpu.memory_space<vmem>>, vector<256x256xf32>
    %dot_general3A = arith.constant dense<0.000000e+00> : vector<1000x256xf32>
    %dot_general3A_5 = tpu.matmul %get3A_1, %get3A_4, %dot_general3A {dimension_numbers = #tpu.dot_dimension_numbers<[1], [0], [0], [1], [0, 0, 1, 1], [], []>, transpose_lhs_hint = false} : vector<1000x256xf32>, vector<256x256xf32>, vector<1000x256xf32> -> vector<1000x256xf32>
    %get3A_6 = arith.constant 0 : index
    %get3A_7 = arith.constant 0 : index
    %get3A_8 = vector.load %arg3[%get3A_6, %get3A_7] : memref<1x256xf32, #tpu.memory_space<vmem>>, vector<1x256xf32>
    %add3A = vector.broadcast %get3A_8 : vector<1x256xf32> to vector<1000x256xf32>
    %add3A_9 = arith.addf %dot_general3A_5, %add3A : vector<1000x256xf32>
    %max3A = arith.constant 0.000000e+00 : f32
    %max3A_10 = vector.broadcast %max3A : f32 to vector<1000x256xf32>
    %max3A_11 = arith.maximumf %add3A_9, %max3A_10 : vector<1000x256xf32>
    %convert_element_type3A = arith.truncf %max3A_11 : vector<1000x256xf32> to vector<1000x256xbf16>
    %swap3A = arith.constant 0 : index
    %swap3A_12 = arith.constant 0 : index
    %swap3A_13 = vector.load %arg4[%swap3A, %swap3A_12] : memref<1000x256xbf16, #tpu.memory_space<vmem>>, vector<1000x256xbf16>
    tpu.vector_store %arg4[%swap3A, %swap3A_12], %convert_element_type3A {strides = array<i32>} : memref<1000x256xbf16, #tpu.memory_space<vmem>>, vector<1000x256xbf16>,
    return
  }
  func.func @transform_0(%arg0: i32) -> (i32, i32) {
    %c0_i32 = arith.constant 0 : i32
    %c0_i32_0 = arith.constant 0 : i32
    return %arg0, %c0_i32 : i32, i32
  }
  func.func @transform_1(%arg0: i32) -> (i32, i32) {
    %c0_i32 = arith.constant 0 : i32
    %c0_i32_0 = arith.constant 0 : i32
    %c0_i32_1 = arith.constant 0 : i32
    return %c0_i32, %c0_i32_0 : i32, i32
  }
  func.func @transform_2(%arg0: i32) -> (i32, i32) {
    %c0_i32 = arith.constant 0 : i32
    %c0_i32_0 = arith.constant 0 : i32
    %c0_i32_1 = arith.constant 0 : i32
    return %c0_i32, %c0_i32_0 : i32, i32
  }
  func.func @transform_3(%arg0: i32) -> (i32, i32) {
    %c0_i32 = arith.constant 0 : i32
    %c0_i32_0 = arith.constant 0 : i32
    return %arg0, %c0_i32 : i32, i32
  }
}

module attributes {stable_mosaic.version = 14 : i64} {
  func.func @body(%arg0: i32, %arg1: memref<1000x256xf32, #tpu.memory_space<vmem>>, %arg2: memref<256x256xf32, #tpu.memory_space<vmem>>, %arg3: memref<1x256xf32, #tpu.memory_space<vmem>>, %arg4: memref<1000x256xf32, #tpu.memory_space<vmem>>) attributes {dimension_semantics = [#tpu.dimension_semantics<arbitrary>], iteration_bounds = array<i64: 10>, scalar_prefetch = 0 : i64, scratch_operands = 0 : i64, tpu.core_type = #tpu.core_type<tc>, window_params = [{transform_indices = @transform_0, window_bounds = array<i64: 1000, 256>}, {pipeline_mode = #tpu.pipeline_mode<synchronous>, transform_indices = @transform_1, window_bounds = array<i64: 256, 256>}, {pipeline_mode = #tpu.pipeline_mode<synchronous>, transform_indices = @transform_2, window_bounds = array<i64: 1, 256>}, {transform_indices = @transform_3, window_bounds = array<i64: 1000, 256>}]} {
    %get3A = arith.constant 0 : index
    %get3A_0 = arith.constant 0 : index
    %get3A_1 = vector.load %arg1[%get3A, %get3A_0] : memref<1000x256xf32, #tpu.memory_space<vmem>>, vector<1000x256xf32>
    %get3A_2 = arith.constant 0 : index
    %get3A_3 = arith.constant 0 : index
    %get3A_4 = vector.load %arg2[%get3A_2, %get3A_3] : memref<256x256xf32, #tpu.memory_space<vmem>>, vector<256x256xf32>
    %dot_general3A = arith.constant dense<0.000000e+00> : vector<1000x256xf32>
    %dot_general3A_5 = tpu.matmul %get3A_1, %get3A_4, %dot_general3A {dimension_numbers = #tpu.dot_dimension_numbers<[1], [0], [0], [1], [0, 0, 1, 1], [], []>, transpose_lhs_hint = false} : vector<1000x256xf32>, vector<256x256xf32>, vector<1000x256xf32> -> vector<1000x256xf32>
    %get3A_6 = arith.constant 0 : index
    %get3A_7 = arith.constant 0 : index
    %get3A_8 = vector.load %arg3[%get3A_6, %get3A_7] : memref<1x256xf32, #tpu.memory_space<vmem>>, vector<1x256xf32>
    %add3A = vector.broadcast %get3A_8 : vector<1x256xf32> to vector<1000x256xf32>
    %add3A_9 = arith.addf %dot_general3A_5, %add3A : vector<1000x256xf32>
    %swap3A = arith.constant 0 : index
    %swap3A_10 = arith.constant 0 : index
    %swap3A_11 = vector.load %arg4[%swap3A, %swap3A_10] : memref<1000x256xf32, #tpu.memory_space<vmem>>, vector<1000x256xf32>
    tpu.vector_store %arg4[%swap3A, %swap3A_10], %add3A_9 {strides = array<i32>} : memref<1000x256xf32, #tpu.memory_space<vmem>>, vector<1000x256xf32>,
    return
  }
  func.func @transform_0(%arg0: i32) -> (i32, i32) {
    %c0_i32 = arith.constant 0 : i32
    %c0_i32_0 = arith.constant 0 : i32
    return %arg0, %c0_i32 : i32, i32
  }
  func.func @transform_1(%arg0: i32) -> (i32, i32) {
    %c0_i32 = arith.constant 0 : i32
    %c0_i32_0 = arith.constant 0 : i32
    %c0_i32_1 = arith.constant 0 : i32
    return %c0_i32, %c0_i32_0 : i32, i32
  }
  func.func @transform_2(%arg0: i32) -> (i32, i32) {
    %c0_i32 = arith.constant 0 : i32
    %c0_i32_0 = arith.constant 0 : i32
    %c0_i32_1 = arith.constant 0 : i32
    return %c0_i32, %c0_i32_0 : i32, i32
  }
  func.func @transform_3(%arg0: i32) -> (i32, i32) {
    %c0_i32 = arith.constant 0 : i32
    %c0_i32_0 = arith.constant 0 : i32
    return %arg0, %c0_i32 : i32, i32
  }
}

module attributes {stable_mosaic.version = 14 : i64} {
  func.func @body(%arg0: i32, %arg1: memref<1000x256xf32, #tpu.memory_space<vmem>>, %arg2: memref<1000x256xbf16, #tpu.memory_space<vmem>>, %arg3: memref<256x256xf32, #tpu.memory_space<vmem>>, %arg4: memref<1000x256xf32, #tpu.memory_space<vmem>>, %arg5: memref<1x1x256xf32, #tpu.memory_space<vmem>>, %arg6: memref<1x1x256xf32, #tpu.memory_space<vmem>>) attributes {dimension_semantics = [#tpu.dimension_semantics<arbitrary>], iteration_bounds = array<i64: 10>, scalar_prefetch = 0 : i64, scratch_operands = 0 : i64, tpu.core_type = #tpu.core_type<tc>, window_params = [{transform_indices = @transform_0, window_bounds = array<i64: 1000, 256>}, {transform_indices = @transform_1, window_bounds = array<i64: 1000, 256>}, {pipeline_mode = #tpu.pipeline_mode<synchronous>, transform_indices = @transform_2, window_bounds = array<i64: 256, 256>}, {transform_indices = @transform_3, window_bounds = array<i64: 1000, 256>}, {transform_indices = @transform_4, window_bounds = array<i64: 1, 1, 256>}, {transform_indices = @transform_5, window_bounds = array<i64: 1, 1, 256>}]} {
    %get3A = arith.constant 0 : index
    %get3A_0 = arith.constant 0 : index
    %get3A_1 = vector.load %arg1[%get3A, %get3A_0] : memref<1000x256xf32, #tpu.memory_space<vmem>>, vector<1000x256xf32>
    %get3A_2 = arith.constant 0 : index
    %get3A_3 = arith.constant 0 : index
    %get3A_4 = vector.load %arg2[%get3A_2, %get3A_3] : memref<1000x256xbf16, #tpu.memory_space<vmem>>, vector<1000x256xbf16>
    %convert_element_type3A = arith.extf %get3A_4 : vector<1000x256xbf16> to vector<1000x256xf32>
    %get3A_5 = arith.constant 0 : index
    %get3A_6 = arith.constant 0 : index
    %get3A_7 = vector.load %arg3[%get3A_5, %get3A_6] : memref<256x256xf32, #tpu.memory_space<vmem>>, vector<256x256xf32>
    %dot_general3A = arith.constant dense<0.000000e+00> : vector<1000x256xf32>
    %dot_general3A_8 = tpu.matmul %convert_element_type3A, %get3A_7, %dot_general3A {dimension_numbers = #tpu.dot_dimension_numbers<[1], [0], [0], [1], [0, 0, 1, 1], [], []>, transpose_lhs_hint = false} : vector<1000x256xf32>, vector<256x256xf32>, vector<1000x256xf32> -> vector<1000x256xf32>
    %add3A = arith.addf %get3A_1, %dot_general3A_8 : vector<1000x256xf32>
    %max3A = arith.constant 0.000000e+00 : f32
    %max3A_9 = vector.broadcast %max3A : f32 to vector<1000x256xf32>
    %max3A_10 = arith.maximumf %add3A, %max3A_9 : vector<1000x256xf32>
    %swap3A = arith.constant 0 : index
    %swap3A_11 = arith.constant 0 : index
    %swap3A_12 = vector.load %arg4[%swap3A, %swap3A_11] : memref<1000x256xf32, #tpu.memory_space<vmem>>, vector<1000x256xf32>
    tpu.vector_store %arg4[%swap3A, %swap3A_11], %max3A_10 {strides = array<i32>} : memref<1000x256xf32, #tpu.memory_space<vmem>>, vector<1000x256xf32>,
    %reduce_sum3A = arith.constant dense<0.000000e+00> : vector<256xf32>
    %reduce_sum3A_13 = vector.multi_reduction <add>, %max3A_10, %reduce_sum3A [0] : vector<1000x256xf32> to vector<256xf32>
    %broadcast_in_dim3A = vector.shape_cast %reduce_sum3A_13 : vector<256xf32> to vector<1x256xf32>
    %swap3A_14 = arith.constant 0 : index
    %swap3A_15 = arith.constant 0 : index
    %swap3A_16 = arith.constant 0 : index
    %swap3A_17 = vector.load %arg5[%swap3A_14, %swap3A_15, %swap3A_16] : memref<1x1x256xf32, #tpu.memory_space<vmem>>, vector<1x1x256xf32>
    %swap3A_18 = vector.shape_cast %swap3A_17 : vector<1x1x256xf32> to vector<1x256xf32>
    %swap3A_19 = vector.shape_cast %broadcast_in_dim3A : vector<1x256xf32> to vector<1x1x256xf32>
    tpu.vector_store %arg5[%swap3A_14, %swap3A_15, %swap3A_16], %swap3A_19 {strides = array<i32>} : memref<1x1x256xf32, #tpu.memory_space<vmem>>, vector<1x1x256xf32>,
    %mul3A = arith.mulf %max3A_10, %max3A_10 : vector<1000x256xf32>
    %reduce_sum3A_20 = arith.constant dense<0.000000e+00> : vector<256xf32>
    %reduce_sum3A_21 = vector.multi_reduction <add>, %mul3A, %reduce_sum3A_20 [0] : vector<1000x256xf32> to vector<256xf32>
    %broadcast_in_dim3A_22 = vector.shape_cast %reduce_sum3A_21 : vector<256xf32> to vector<1x256xf32>
    %swap3A_23 = arith.constant 0 : index
    %swap3A_24 = arith.constant 0 : index
    %swap3A_25 = arith.constant 0 : index
    %swap3A_26 = vector.load %arg6[%swap3A_23, %swap3A_24, %swap3A_25] : memref<1x1x256xf32, #tpu.memory_space<vmem>>, vector<1x1x256xf32>
    %swap3A_27 = vector.shape_cast %swap3A_26 : vector<1x1x256xf32> to vector<1x256xf32>
    %swap3A_28 = vector.shape_cast %broadcast_in_dim3A_22 : vector<1x256xf32> to vector<1x1x256xf32>
    tpu.vector_store %arg6[%swap3A_23, %swap3A_24, %swap3A_25], %swap3A_28 {strides = array<i32>} : memref<1x1x256xf32, #tpu.memory_space<vmem>>, vector<1x1x256xf32>,
    return
  }
  func.func @transform_0(%arg0: i32) -> (i32, i32) {
    %c0_i32 = arith.constant 0 : i32
    %c0_i32_0 = arith.constant 0 : i32
    return %arg0, %c0_i32 : i32, i32
  }
  func.func @transform_1(%arg0: i32) -> (i32, i32) {
    %c0_i32 = arith.constant 0 : i32
    %c0_i32_0 = arith.constant 0 : i32
    return %arg0, %c0_i32 : i32, i32
  }
  func.func @transform_2(%arg0: i32) -> (i32, i32) {
    %c0_i32 = arith.constant 0 : i32
    %c0_i32_0 = arith.constant 0 : i32
    %c0_i32_1 = arith.constant 0 : i32
    return %c0_i32, %c0_i32_0 : i32, i32
  }
  func.func @transform_3(%arg0: i32) -> (i32, i32) {
    %c0_i32 = arith.constant 0 : i32
    %c0_i32_0 = arith.constant 0 : i32
    return %arg0, %c0_i32 : i32, i32
  }
  func.func @transform_4(%arg0: i32) -> (i32, i32, i32) {
    %c0_i32 = arith.constant 0 : i32
    %c0_i32_0 = arith.constant 0 : i32
    %c0_i32_1 = arith.constant 0 : i32
    return %arg0, %c0_i32, %c0_i32_0 : i32, i32, i32
  }
  func.func @transform_5(%arg0: i32) -> (i32, i32, i32) {
    %c0_i32 = arith.constant 0 : i32
    %c0_i32_0 = arith.constant 0 : i32
    %c0_i32_1 = arith.constant 0 : i32
    return %arg0, %c0_i32, %c0_i32_0 : i32, i32, i32
  }
}

module attributes {stable_mosaic.version = 14 : i64} {
  func.func @body(%arg0: i32, %arg1: memref<1000x256xf32, #tpu.memory_space<vmem>>, %arg2: memref<10x1x256xf32, #tpu.memory_space<vmem>>, %arg3: memref<10x1x256xf32, #tpu.memory_space<vmem>>, %arg4: memref<1x256xf32, #tpu.memory_space<vmem>>, %arg5: memref<1x256xf32, #tpu.memory_space<vmem>>, %arg6: memref<256x256xf32, #tpu.memory_space<vmem>>, %arg7: memref<1x256xf32, #tpu.memory_space<vmem>>, %arg8: memref<1000x256xf32, #tpu.memory_space<vmem>>, %arg9: memref<1000x256xbf16, #tpu.memory_space<vmem>>) attributes {dimension_semantics = [#tpu.dimension_semantics<arbitrary>], iteration_bounds = array<i64: 10>, scalar_prefetch = 0 : i64, scratch_operands = 0 : i64, tpu.core_type = #tpu.core_type<tc>, window_params = [{transform_indices = @transform_0, window_bounds = array<i64: 1000, 256>}, {pipeline_mode = #tpu.pipeline_mode<synchronous>, transform_indices = @transform_1, window_bounds = array<i64: 10, 1, 256>}, {pipeline_mode = #tpu.pipeline_mode<synchronous>, transform_indices = @transform_2, window_bounds = array<i64: 10, 1, 256>}, {pipeline_mode = #tpu.pipeline_mode<synchronous>, transform_indices = @transform_3, window_bounds = array<i64: 1, 256>}, {pipeline_mode = #tpu.pipeline_mode<synchronous>, transform_indices = @transform_4, window_bounds = array<i64: 1, 256>}, {pipeline_mode = #tpu.pipeline_mode<synchronous>, transform_indices = @transform_5, window_bounds = array<i64: 256, 256>}, {pipeline_mode = #tpu.pipeline_mode<synchronous>, transform_indices = @transform_6, window_bounds = array<i64: 1, 256>}, {transform_indices = @transform_7, window_bounds = array<i64: 1000, 256>}, {transform_indices = @transform_8, window_bounds = array<i64: 1000, 256>}]} {
    %get3A = arith.constant 0 : index
    %get3A_0 = arith.constant 0 : index
    %get3A_1 = arith.constant 0 : index
    %get3A_2 = vector.load %arg2[%get3A, %get3A_0, %get3A_1] : memref<10x1x256xf32, #tpu.memory_space<vmem>>, vector<10x1x256xf32>
    %reduce_sum3A = arith.constant dense<0.000000e+00> : vector<1x256xf32>
    %reduce_sum3A_3 = vector.multi_reduction <add>, %get3A_2, %reduce_sum3A [0] : vector<10x1x256xf32> to vector<1x256xf32>
    %div3A = arith.constant 1.000000e+04 : f32
    %div3A_4 = vector.broadcast %div3A : f32 to vector<1x256xf32>
    %div3A_5 = arith.divf %reduce_sum3A_3, %div3A_4 : vector<1x256xf32>
    %get3A_6 = arith.constant 0 : index
    %get3A_7 = arith.constant 0 : index
    %get3A_8 = arith.constant 0 : index
    %get3A_9 = vector.load %arg3[%get3A_6, %get3A_7, %get3A_8] : memref<10x1x256xf32, #tpu.memory_space<vmem>>, vector<10x1x256xf32>
    %reduce_sum3A_10 = arith.constant dense<0.000000e+00> : vector<1x256xf32>
    %reduce_sum3A_11 = vector.multi_reduction <add>, %get3A_9, %reduce_sum3A_10 [0] : vector<10x1x256xf32> to vector<1x256xf32>
    %div3A_12 = arith.constant 1.000000e+04 : f32
    %div3A_13 = vector.broadcast %div3A_12 : f32 to vector<1x256xf32>
    %div3A_14 = arith.divf %reduce_sum3A_11, %div3A_13 : vector<1x256xf32>
    %mul3A = arith.mulf %div3A_5, %div3A_5 : vector<1x256xf32>
    %sub3A = arith.subf %div3A_14, %mul3A : vector<1x256xf32>
    %add3A = arith.constant 9.99999974E-6 : f32
    %add3A_15 = vector.broadcast %add3A : f32 to vector<1x256xf32>
    %add3A_16 = arith.addf %sub3A, %add3A_15 : vector<1x256xf32>
    %rsqrt3A = math.rsqrt %add3A_16 : vector<1x256xf32>
    %get3A_17 = arith.constant 0 : index
    %get3A_18 = arith.constant 0 : index
    %get3A_19 = vector.load %arg1[%get3A_17, %get3A_18] : memref<1000x256xf32, #tpu.memory_space<vmem>>, vector<1000x256xf32>
    %sub3A_20 = vector.broadcast %div3A_5 : vector<1x256xf32> to vector<1000x256xf32>
    %sub3A_21 = arith.subf %get3A_19, %sub3A_20 : vector<1000x256xf32>
    %mul3A_22 = vector.broadcast %rsqrt3A : vector<1x256xf32> to vector<1000x256xf32>
    %mul3A_23 = arith.mulf %sub3A_21, %mul3A_22 : vector<1000x256xf32>
    %get3A_24 = arith.constant 0 : index
    %get3A_25 = arith.constant 0 : index
    %get3A_26 = vector.load %arg4[%get3A_24, %get3A_25] : memref<1x256xf32, #tpu.memory_space<vmem>>, vector<1x256xf32>
    %mul3A_27 = vector.broadcast %get3A_26 : vector<1x256xf32> to vector<1000x256xf32>
    %mul3A_28 = arith.mulf %mul3A_23, %mul3A_27 : vector<1000x256xf32>
    %get3A_29 = arith.constant 0 : index
    %get3A_30 = arith.constant 0 : index
    %get3A_31 = vector.load %arg5[%get3A_29, %get3A_30] : memref<1x256xf32, #tpu.memory_space<vmem>>, vector<1x256xf32>
    %add3A_32 = vector.broadcast %get3A_31 : vector<1x256xf32> to vector<1000x256xf32>
    %add3A_33 = arith.addf %mul3A_28, %add3A_32 : vector<1000x256xf32>
    %mul3A_34 = arith.mulf %add3A_33, %add3A_33 : vector<1000x256xf32>
    %reduce_sum3A_35 = arith.constant dense<0.000000e+00> : vector<1000xf32>
    %reduce_sum3A_36 = vector.multi_reduction <add>, %mul3A_34, %reduce_sum3A_35 [1] : vector<1000x256xf32> to vector<1000xf32>
    %broadcast_in_dim3A = vector.shape_cast %reduce_sum3A_36 : vector<1000xf32> to vector<1000x1xf32>
    %sqrt3A = math.sqrt %broadcast_in_dim3A : vector<1000x1xf32>
    %add3A_37 = arith.constant 9.99999997E-7 : f32
    %add3A_38 = vector.broadcast %add3A_37 : f32 to vector<1000x1xf32>
    %add3A_39 = arith.addf %sqrt3A, %add3A_38 : vector<1000x1xf32>
    %div3A_40 = vector.broadcast %add3A_39 : vector<1000x1xf32> to vector<1000x256xf32>
    %div3A_41 = arith.divf %add3A_33, %div3A_40 : vector<1000x256xf32>
    %swap3A = arith.constant 0 : index
    %swap3A_42 = arith.constant 0 : index
    %swap3A_43 = vector.load %arg8[%swap3A, %swap3A_42] : memref<1000x256xf32, #tpu.memory_space<vmem>>, vector<1000x256xf32>
    tpu.vector_store %arg8[%swap3A, %swap3A_42], %div3A_41 {strides = array<i32>} : memref<1000x256xf32, #tpu.memory_space<vmem>>, vector<1000x256xf32>,
    %get3A_44 = arith.constant 0 : index
    %get3A_45 = arith.constant 0 : index
    %get3A_46 = vector.load %arg6[%get3A_44, %get3A_45] : memref<256x256xf32, #tpu.memory_space<vmem>>, vector<256x256xf32>
    %dot_general3A = arith.constant dense<0.000000e+00> : vector<1000x256xf32>
    %dot_general3A_47 = tpu.matmul %div3A_41, %get3A_46, %dot_general3A {dimension_numbers = #tpu.dot_dimension_numbers<[1], [0], [0], [1], [0, 0, 1, 1], [], []>, transpose_lhs_hint = false} : vector<1000x256xf32>, vector<256x256xf32>, vector<1000x256xf32> -> vector<1000x256xf32>
    %get3A_48 = arith.constant 0 : index
    %get3A_49 = arith.constant 0 : index
    %get3A_50 = vector.load %arg7[%get3A_48, %get3A_49] : memref<1x256xf32, #tpu.memory_space<vmem>>, vector<1x256xf32>
    %add3A_51 = vector.broadcast %get3A_50 : vector<1x256xf32> to vector<1000x256xf32>
    %add3A_52 = arith.addf %dot_general3A_47, %add3A_51 : vector<1000x256xf32>
    %max3A = arith.constant 0.000000e+00 : f32
    %max3A_53 = vector.broadcast %max3A : f32 to vector<1000x256xf32>
    %max3A_54 = arith.maximumf %add3A_52, %max3A_53 : vector<1000x256xf32>
    %convert_element_type3A = arith.truncf %max3A_54 : vector<1000x256xf32> to vector<1000x256xbf16>
    %swap3A_55 = arith.constant 0 : index
    %swap3A_56 = arith.constant 0 : index
    %swap3A_57 = vector.load %arg9[%swap3A_55, %swap3A_56] : memref<1000x256xbf16, #tpu.memory_space<vmem>>, vector<1000x256xbf16>
    tpu.vector_store %arg9[%swap3A_55, %swap3A_56], %convert_element_type3A {strides = array<i32>} : memref<1000x256xbf16, #tpu.memory_space<vmem>>, vector<1000x256xbf16>,
    return
  }
  func.func @transform_0(%arg0: i32) -> (i32, i32) {
    %c0_i32 = arith.constant 0 : i32
    %c0_i32_0 = arith.constant 0 : i32
    return %arg0, %c0_i32 : i32, i32
  }
  func.func @transform_1(%arg0: i32) -> (i32, i32, i32) {
    %c0_i32 = arith.constant 0 : i32
    %c0_i32_0 = arith.constant 0 : i32
    %c0_i32_1 = arith.constant 0 : i32
    %c0_i32_2 = arith.constant 0 : i32
    return %c0_i32, %c0_i32_0, %c0_i32_1 : i32, i32, i32
  }
  func.func @transform_2(%arg0: i32) -> (i32, i32, i32) {
    %c0_i32 = arith.constant 0 : i32
    %c0_i32_0 = arith.constant 0 : i32
    %c0_i32_1 = arith.constant 0 : i32
    %c0_i32_2 = arith.constant 0 : i32
    return %c0_i32, %c0_i32_0, %c0_i32_1 : i32, i32, i32
  }
  func.func @transform_3(%arg0: i32) -> (i32, i32) {
    %c0_i32 = arith.constant 0 : i32
    %c0_i32_0 = arith.constant 0 : i32
    %c0_i32_1 = arith.constant 0 : i32
    return %c0_i32, %c0_i32_0 : i32, i32
  }
  func.func @transform_4(%arg0: i32) -> (i32, i32) {
    %c0_i32 = arith.constant 0 : i32
    %c0_i32_0 = arith.constant 0 : i32
    %c0_i32_1 = arith.constant 0 : i32
    return %c0_i32, %c0_i32_0 : i32, i32
  }
  func.func @transform_5(%arg0: i32) -> (i32, i32) {
    %c0_i32 = arith.constant 0 : i32
    %c0_i32_0 = arith.constant 0 : i32
    %c0_i32_1 = arith.constant 0 : i32
    return %c0_i32, %c0_i32_0 : i32, i32
  }
  func.func @transform_6(%arg0: i32) -> (i32, i32) {
    %c0_i32 = arith.constant 0 : i32
    %c0_i32_0 = arith.constant 0 : i32
    %c0_i32_1 = arith.constant 0 : i32
    return %c0_i32, %c0_i32_0 : i32, i32
  }
  func.func @transform_7(%arg0: i32) -> (i32, i32) {
    %c0_i32 = arith.constant 0 : i32
    %c0_i32_0 = arith.constant 0 : i32
    return %arg0, %c0_i32 : i32, i32
  }
  func.func @transform_8(%arg0: i32) -> (i32, i32) {
    %c0_i32 = arith.constant 0 : i32
    %c0_i32_0 = arith.constant 0 : i32
    return %arg0, %c0_i32 : i32, i32
  }
}

module attributes {stable_mosaic.version = 14 : i64} {
  func.func @body(%arg0: i32, %arg1: memref<1000x256xf32, #tpu.memory_space<vmem>>, %arg2: memref<1000x256xbf16, #tpu.memory_space<vmem>>, %arg3: memref<256x256xf32, #tpu.memory_space<vmem>>, %arg4: memref<1000x256xf32, #tpu.memory_space<vmem>>) attributes {dimension_semantics = [#tpu.dimension_semantics<arbitrary>], iteration_bounds = array<i64: 10>, scalar_prefetch = 0 : i64, scratch_operands = 0 : i64, tpu.core_type = #tpu.core_type<tc>, window_params = [{transform_indices = @transform_0, window_bounds = array<i64: 1000, 256>}, {transform_indices = @transform_1, window_bounds = array<i64: 1000, 256>}, {pipeline_mode = #tpu.pipeline_mode<synchronous>, transform_indices = @transform_2, window_bounds = array<i64: 256, 256>}, {transform_indices = @transform_3, window_bounds = array<i64: 1000, 256>}]} {
    %get3A = arith.constant 0 : index
    %get3A_0 = arith.constant 0 : index
    %get3A_1 = vector.load %arg1[%get3A, %get3A_0] : memref<1000x256xf32, #tpu.memory_space<vmem>>, vector<1000x256xf32>
    %get3A_2 = arith.constant 0 : index
    %get3A_3 = arith.constant 0 : index
    %get3A_4 = vector.load %arg2[%get3A_2, %get3A_3] : memref<1000x256xbf16, #tpu.memory_space<vmem>>, vector<1000x256xbf16>
    %convert_element_type3A = arith.extf %get3A_4 : vector<1000x256xbf16> to vector<1000x256xf32>
    %get3A_5 = arith.constant 0 : index
    %get3A_6 = arith.constant 0 : index
    %get3A_7 = vector.load %arg3[%get3A_5, %get3A_6] : memref<256x256xf32, #tpu.memory_space<vmem>>, vector<256x256xf32>
    %dot_general3A = arith.constant dense<0.000000e+00> : vector<1000x256xf32>
    %dot_general3A_8 = tpu.matmul %convert_element_type3A, %get3A_7, %dot_general3A {dimension_numbers = #tpu.dot_dimension_numbers<[1], [0], [0], [1], [0, 0, 1, 1], [], []>, transpose_lhs_hint = false} : vector<1000x256xf32>, vector<256x256xf32>, vector<1000x256xf32> -> vector<1000x256xf32>
    %add3A = arith.addf %get3A_1, %dot_general3A_8 : vector<1000x256xf32>
    %swap3A = arith.constant 0 : index
    %swap3A_9 = arith.constant 0 : index
    %swap3A_10 = vector.load %arg4[%swap3A, %swap3A_9] : memref<1000x256xf32, #tpu.memory_space<vmem>>, vector<1000x256xf32>
    tpu.vector_store %arg4[%swap3A, %swap3A_9], %add3A {strides = array<i32>} : memref<1000x256xf32, #tpu.memory_space<vmem>>, vector<1000x256xf32>,
    return
  }
  func.func @transform_0(%arg0: i32) -> (i32, i32) {
    %c0_i32 = arith.constant 0 : i32
    %c0_i32_0 = arith.constant 0 : i32
    return %arg0, %c0_i32 : i32, i32
  }
  func.func @transform_1(%arg0: i32) -> (i32, i32) {
    %c0_i32 = arith.constant 0 : i32
    %c0_i32_0 = arith.constant 0 : i32
    return %arg0, %c0_i32 : i32, i32
  }
  func.func @transform_2(%arg0: i32) -> (i32, i32) {
    %c0_i32 = arith.constant 0 : i32
    %c0_i32_0 = arith.constant 0 : i32
    %c0_i32_1 = arith.constant 0 : i32
    return %c0_i32, %c0_i32_0 : i32, i32
  }
  func.func @transform_3(%arg0: i32) -> (i32, i32) {
    %c0_i32 = arith.constant 0 : i32
    %c0_i32_0 = arith.constant 0 : i32
    return %arg0, %c0_i32 : i32, i32
  }
}

</mosaic_0001>

<sc_bundles>
// kernel: kernel.10.cloned.1.call-start
scs
__scs_entry_jumppad:
0x0: {  	(pc) =	sbr.rel $0x88, $3  }
0x1: {  	(tag) =	ssettag $0x0;
	lr =	simm.s32 $0x1  }
0x2: {  	[smem:$0x3F95] =	sst lr;
	_ =	strace $0xD0000000  }
0x3: {  	_ = 	snop  }
0x4: {  	_ = 	snop  }
0x5: {  	_ = 	snop  }
0x6: {  	_ = 	snop  }
0x7: {  	_ = 	snop  }
__scs_overlays_trampoline_lowered:
0x8: {  	[smem:$0x3FA4] =	sst s0  }
0x9: {  	[smem:$0x3FA5] =	sst s1  }
0xa: {  	[smem:$0x3FA6] =	sst s2  }
0xb: {  	[smem:$0x3FA7] =	sst s3  }
0xc: {  	[smem:$0x3FA8] =	sst s4  }
0xd: {  	[smem:$0x3FA9] =	sst s5  }
0xe: {  	[smem:$0x3FAA] =	sst s6  }
0xf: {  	[smem:$0x3FAB] =	sst s7  }
0x10: {  	[smem:$0x3FAC] =	sst s8  }
0x11: {  	[smem:$0x3FAD] =	sst s9;
	s0 =	simm.s32 @!p0 $0x0  }
0x12: {  	s1 =	sld [smem:$0x3F93];
	s0 =	simm.s32 @p0 $0x1  }
0x13: {  	[smem:$0x3FAE] =	sst s0;
	s0 =	simm.s32 @!p1 $0x0  }
0x14: {  	s2 =	sld [smem:$0x3F92];
	s0 =	simm.s32 @p1 $0x1  }
0x15: {  	[smem:$0x3FAF] =	sst s0;
	s0 =	simm.s32 @!p2 $0x0  }
0x16: {  	s3 =	sld [smem:$0x3FDB];
	s0 =	simm.s32 @p2 $0x1  }
0x17: {  	s4 =	simm.s32 $0x1BF5;
	[smem:$0x3FB1] =	sst s0  }
0x18: {  	s0 =	sld [smem:$0x3F94];
	_ =	swait.ge [sflag:s4], $0x0  }
0x19: {  	s7 =	sld [smem:$0x3F95]  }
0x1a: {  	s8 =	sadd.s32 $0xFFFFE003, lr  }
0x1b: {  	s9 =	sadd.s32 $0xFFFFFEF7, lr;
	s5 =	simm.s32 $0xFFFFFFFF;
	p2 =	slt.u32 s8, $0xFFFFF086  }
0x1c: {  	p1 =	slt.u32 s9, $0xF7A;
	s5 =	simm.s32 @!p2 $0x0  }
0x1d: {  	s5 =	simm.s32 @p1 $0x1;
	p0 =	seq.s32 s7, s2  }
0x1e: {  	s7 =	smul.u32 @!p0 $0xF7A, s2;
	p2 =	seq.s32 @!p0 s5, $0x0  }
0x1f: {  	s9 =	smul.u32 $0xF7A, s1;
	s8 =	simm.s32 @!p0 $0x1BF5;
	p2 =	por !p2, p0  }
0x20: {  	[sflag:s8] =	ssyncset.s32 @!p0 $0xFFFFF086;
	s6 =	sadd.s32 @!p0 s3, s7;
	s7 =	simm.s32 @!p0 $0x108  }
0x21: {  	s3 =	sadd.s32 s3, s9;
	s6 =	sadd.s32 @!p0 $0x88, s6;
	s7 =	simm.s32 @p2 $0x1082  }
0x22: {  	[simem:s7], [sflag:s8] =	dma.local @!p0 [hbm:s6], $0xF7A  }
0x23: {  	s9 =	sor.u32 $0xD0000000, s2;
	s6 =	simm.s32 $0x108;
	_ =	swait.ge @!p0 [sflag:s8], $0x0  }
0x24: {  	s3 =	sadd.s32 $0x88, s3;
	s6 =	simm.s32 @!p1 $0x1082;
	[sflag:s4] =	ssyncset.s32 $0xFFFFF086  }
0x25: {  	[simem:s6], [sflag:s4] =	dma.local [hbm:s3], $0xF7A  }
0x26: {  	[smem:$0x3F95] =	sst s1;
	(tag) =	ssettag s2;
	_ =	strace s9  }
0x27: {  	s1 =	sld [smem:$0x3FA5]  }
0x28: {  	s2 =	sld [smem:$0x3FA6]  }
0x29: {  	s4 =	sld [smem:$0x3FA8]  }
0x2a: {  	p0 =	seq.s32 s5, $0x0;
	s5 =	sld [smem:$0x3FA9]  }
0x2b: {  	s6 =	sld [smem:$0x3FAA]  }
0x2c: {  	s7 =	sld [smem:$0x3FAB]  }
0x2d: {  	s3 =	simm.s32 $0x108;
	s8 =	sld [smem:$0x3FAC]  }
0x2e: {  	s3 =	simm.s32 @!p0 $0x1082;
	s9 =	sld [smem:$0x3FAD]  }
0x2f: {  	lr =	sadd.s32 s0, s3;
	s0 =	sld [smem:$0x3FA4]  }
0x30: {  	s3 =	sld [smem:$0x3FA7]  }
0x31: {  	[smem:$0x3FB0] =	sst s10  }
0x32: {  	s10 =	sld [smem:$0x3FAE];
	_ =	sdelay $0x3  }
0x33: {  	p0 =	seq.s32 s10, $0x1;
	s10 =	sld [smem:$0x3FB0];
	_ =	sdelay $0x3  }
0x34: {  	[smem:$0x3FB0] =	sst s10  }
0x35: {  	s10 =	sld [smem:$0x3FAF];
	_ =	sdelay $0x3  }
0x36: {  	p1 =	seq.s32 s10, $0x1;
	s10 =	sld [smem:$0x3FB0];
	_ =	sdelay $0x3  }
0x37: {  	[smem:$0x3FB0] =	sst s10  }
0x38: {  	s10 =	sld [smem:$0x3FB1]  }
0x39: {  	_ = 	snop;
	(pc) =	sbr.ind lr, $3  }
0x3a: {  	_ = 	snop  }
0x3b: {  	_ = 	snop  }
0x3c: {  	p2 =	seq.s32 s10, $0x1;
	s10 =	sld [smem:$0x3FB0]  }
0x3d: {  	_ =	shalt  }
0x3e: {  	_ =	shalt  }
0x3f: {  	_ =	shalt  }
0x40: {  	_ =	shalt  }
0x41: {  	_ =	shalt  }
0x42: {  	_ =	shalt  }
0x43: {  	_ =	shalt  }
0x44: {  	_ =	shalt  }
0x45: {  	_ =	shalt  }
0x46: {  	_ =	shalt  }
0x47: {  	_ =	shalt  }
0x48: {  	_ =	shalt  }
0x49: {  	_ =	shalt  }
0x4a: {  	_ =	shalt  }
0x4b: {  	_ =	shalt  }
0x4c: {  	_ =	shalt  }
0x4d: {  	_ =	shalt  }
0x4e: {  	_ =	shalt  }
0x4f: {  	_ =	shalt  }
0x50: {  	_ =	shalt  }
0x51: {  	_ =	shalt  }
0x52: {  	_ =	shalt  }
0x53: {  	_ =	shalt  }
0x54: {  	_ =	shalt  }
0x55: {  	_ =	shalt  }
0x56: {  	_ =	shalt  }
0x57: {  	_ =	shalt  }
0x58: {  	_ =	shalt  }
0x59: {  	_ =	shalt  }
0x5a: {  	_ =	shalt  }
0x5b: {  	_ =	shalt  }
0x5c: {  	_ =	shalt  }
0x5d: {  	_ =	shalt  }
0x5e: {  	_ =	shalt  }
0x5f: {  	_ =	shalt  }
0x60: {  	_ =	shalt  }
0x61: {  	_ =	shalt  }
0x62: {  	_ =	shalt  }
0x63: {  	_ =	shalt  }
0x64: {  	_ =	shalt  }
0x65: {  	_ =	shalt  }
0x66: {  	_ =	shalt  }
0x67: {  	_ =	shalt  }
0x68: {  	_ =	shalt  }
0x69: {  	_ =	shalt  }
0x6a: {  	_ =	shalt  }
0x6b: {  	_ =	shalt  }
0x6c: {  	_ =	shalt  }
0x6d: {  	_ =	shalt  }
0x6e: {  	_ =	shalt  }
0x6f: {  	_ =	shalt  }
0x70: {  	_ =	shalt  }
0x71: {  	_ =	shalt  }
0x72: {  	_ =	shalt  }
0x73: {  	_ =	shalt  }
0x74: {  	_ =	shalt  }
0x75: {  	_ =	shalt  }
0x76: {  	_ =	shalt  }
0x77: {  	_ =	shalt  }
0x78: {  	_ =	shalt  }
0x79: {  	_ =	shalt  }
0x7a: {  	_ =	shalt  }
0x7b: {  	_ =	shalt  }
0x7c: {  	_ =	shalt  }
0x7d: {  	_ =	shalt  }
0x7e: {  	_ =	shalt  }
0x7f: {  	_ =	shalt  }
0x80: {  	_ =	shalt  }
0x81: {  	_ =	shalt  }
0x82: {  	_ =	shalt  }
0x83: {  	_ =	shalt  }
0x84: {  	_ =	shalt  }
0x85: {  	_ =	shalt  }
0x86: {  	_ =	shalt  }
0x87: {  	_ =	shalt  }
.Lfunc_end0:
.L_simem_size_0:
called_computation_lowered:
.L_overlay_start_0:
0x88: {  	s2 =	sld [smem:$0x3FD9]  }
0x89: {  	s3 =	sld [smem:$0x3FFE];
	_ =	sdelay $0x1  }
0x8a: {  	s1 =	srdreg.scid  }
0x8b: {  	s0 =	sand.u32 $0x1, s1  }
0x8c: {  	s16 =	sshll.u32 s0, $0xA;
	s2 =	sadd.s32 s3, s2  }
0x8d: {  	s2 =	sadd.s32 s2, s16  }
0x8e: {  	[smem:$0x3FBC] =	sst s2  }
0x8f: {  	_ = 	snop  }
0x90: {  	(tm) =	ssettm $0x1  }
0x91: {  	s17 =	sld [smem:$0x3FFB];
	_ =	sdelay $0x3  }
0x92: {  	_ =	strace s17  }
0x93: {  	s2 =	sld [smem:$0x3FFC];
	_ =	sdelay $0x3  }
0x94: {  	_ =	strace s2  }
0x95: {  	s2 =	sld [smem:$0x3FFD];
	_ =	sdelay $0x3  }
0x96: {  	_ =	strace s2  }
0x97: {  	_ =	strace $0x8FFFFFFF  }
0x98: {  	s18 =	sld [smem:$0x3FDB];
	_ =	sdelay $0x1  }
0x99: {  	s19 =	simm.s32 $_scs_section_size  }
0x9a: {  	s4 =	simm.s32 $_size__tile_overlayer_lowered;
	s5 =	simm.s32 $_tile_overlayer_lowered  }
0x9b: {  	s22 =	simm.s32 $0x1BFF;
	s21 =	sshll.u32 s5, $0x1;
	s2 =	sadd.s32 s19, s18  }
0x9c: {  	s6 =	simm.s32 $0x0;
	s20 =	sshll.u32 s4, $0x1;
	s4 =	sadd.s32 s21, s2  }
0x9d: {  	[timem:s6], [sflag:s22] =	dma.local [hbm:s4], s20  }
0x9e: {  	_ =	swait.ge [sflag:s22], s20  }
0x9f: {  	s3 =	ssub.s32 $0x0, s20;
	[sflag:s22] =	ssyncset.done $0x0  }
0xa0: {  	[sflag:s22] =	ssyncadd.s32 s3;
	_ =	sdelay $0x1  }
0xa1: {  	s23 =	simm.s32 $0x1B8B  }
0xa2: {  	_ =	swait.ge [sflag:s23], $0x1  }
0xa3: {  	[sflag:s23] =	ssyncset.done $0x0  }
0xa4: {  	s25 =	simm.s32 $0x1B8E;
	s24 =	sld [smem:$0x3FFE];
	[sflag:s23] =	ssyncadd.s32 $0xFFFFFFFF  }
0xa5: {  	s26 =	simm.s32 $execute0_lowered;
	[smem:$0x3FD2] =	sst s25  }
0xa6: {  	s4 =	sshll.u32 s26, $0x1;
	_ =	strace $0x80000046;
	[dreg:$0x1] =	wrdreg $0xFFFFFFFF  }
0xa7: {  	s28 =	simm.s32 $_size_execute0_lowered;
	s2 =	sadd.s32 s2, s4;
	[dreg:$0x0] =	wrdreg $0x0  }
0xa8: {  	s4 =	sshll.u32 s28, $0x1;
	[dreg:$0x2] =	wrdreg s2  }
0xa9: {  	[dreg:$0x3] =	wrdreg s4  }
0xaa: {  	[dreg:$0x4] =	wrdreg $0xC0  }
0xab: {  	_ =	task [dreg:s6], $0x5FFFF  }
0xac: {  	[dreg:$0x1] =	wrdreg $0xFFFFFFFF  }
0xad: {  	[dreg:$0x0] =	wrdreg $0x60  }
0xae: {  	[dreg:$0x2] =	wrdreg s24  }
0xaf: {  	[dreg:$0x3] =	wrdreg $0x9  }
0xb0: {  	_ =	task.clear_ibuf [dreg:s6], $0x4FFFF;
	_ =	strace $0x90000046  }
0xb1: {  	s29 =	simm.s32 $0x9;
	_ =	strace $0x80000048  }
0xb2: {  	_ =	swait.ge [sflag:s29], $0x1  }
0xb3: {  	[sflag:s29] =	ssyncadd.s32 $0xFFFFFFFF  }
0xb4: {  	_ =	strace $0x90000048  }
0xb5: {  	_ =	sfence  }
0xb6: {  	s30 =	sld [smem:$0x0];
	_ =	sdelay $0x2  }
0xb7: {  	s31 =	sshll.u32 s1, $0xD;
	s1 =	sshrl.u32 s1, $0x2  }
0xb8: {  	s3 =	sand.u32 $0x4000, s31;
	s1 =	sadd.s32 s1, s30  }
0xb9: {  	s0 =	sor.u32 s3, s0;
	s1 =	sshll.u32 s1, $0x11  }
0xba: {  	s0 =	sor.u32 s1, s0  }
0xbb: {  	s0 =	sadd.s32 $0x8F2B, s0  }
0xbc: {  	[sflag:s0] =	ssyncadd.remote.s32 $0x1  }
0xbd: {  	_ =	sfence.sel $0xFFFF  }
0xbe: {  	[dreg:$0x0] =	wrdreg $0xFFFFFFFF;
	(pc) =	sbr.abs _section_cstart, $3  }
0xbf: {  	[dreg:$0x1] =	wrdreg $0xFFFFFFFF  }
0xc0: {  	_ =	task.clear_ibuf [dreg:s6], $0x2FFFF;
	_ =	strace $0x9FFFFFFF  }
0xc1: {  	(tm) =	ssettm $0x7FFFFFFF  }
tec
execute0_lowered:
.L_overlay_start_1:
0x0: {  	(tag) =	ssettag $0x1  }
0x1: {  	s0 =	srdreg.scid;
	s1 =	rddreg [dreg:$0x0]  }
0x2: {  	s7 =	stileid.u32;
	s3 =	simm.s32 $0x0;
	s13 =	simm.s32 $0x2  }
0x3: {  	s15 =	simm.s32 $0x80;
	s16 =	simm.s32 $0x400;
	s17 =	simm.s32 $0x1A400  }
0x4: {  	s18 =	simm.s32 $0x1A600;
	s19 =	simm.s32 $0xA400;
	s20 =	simm.s32 $0x1A480  }
0x5: {  	s21 =	simm.s32 $0xE400;
	s22 =	simm.s32 $0x1A500;
	s23 =	simm.s32 $0x12400  }
0x6: {  	s24 =	simm.s32 $0x1A580;
	s25 =	simm.s32 $0x16400;
	s26 =	simm.s32 $0x1  }
0x7: {  	s0 =	sand.u32 $0x1, s0;
	[smem:$0x7FF] =	sst s3;
	s3 =	sadd.s32 $0xD600, s1  }
0x8: {  	s4 =	sadd.s32 $0x8600, s1;
	s5 =	sadd.s32 $0x3600, s1;
	s10 =	sshll.u32 s7, $0x7  }
0x9: {  	s2 =	sshll.u32 s0, $0x4;
	_ =	strace $0x80000047;
	s10 =	sand.u32 $0x380, s10  }
0xa: {  	s0 =	ssub.s32 $0x2, s0;
	s2 =	sor.u32 s7, s2;
	s7 =	sadd.s32 $0x104800, s1  }
0xb: {  	s12 =	sshrl.u32 s0, $0x1;
	s6 =	smul.u32 $0x1400, s2;
	s8 =	sshrl.u32 s2, $0x3  }
0xc: {  	s2 =	smul.u32 $0x140, s2;
	s0 =	ssub.s32 s0, s12;
	s11 =	sshll.u32 s8, $0xA  }
0xd: {  	s8 =	smul.u32 $0x150000, s8;
	s0 =	smax.u32 s0, $0x1;
	s11 =	sor.u32 s10, s11  }
0xe: {  	s9 =	sadd.s32 s6, s1;
	s6 =	sadd.s32 $0x5C800, s1;
	s11 =	sshrl.u32 s11, $0x3  }
0xf: {  	[dreg:$0x4] =	wrdreg s0;
	s31 =	sadd.s32 $0x34800, s9;
	s1 =	sadd.s32 s11, s1  }
0x10: {  	v2 =	vimm.s32 $0x0;
	v3 =	vimm.s32 $0x140;
	s30 =	sadd.s32 $0x140, s2;
	[dreg:$0x3] =	wrdreg s31;
	s1 =	sadd.s32 $0x1AC800, s1  }
0x11: {  	v4 =	vlaneseq.u32;
	v0 =	vmov s2;
	s8 =	sor.u32 s10, s8;
	v1 =	vmov s30;
	[dreg:$0x2] =	wrdreg s1;
	s1 =	simm.s32 $0x0  }
.LBB2_1:
0x12: {  	[dreg:$0x5] =	wrdreg s1;
	s0 =	simm.s32 $0x0;
	s1 =	simm.s32 $0x200  }
.LBB2_2:
0x13: {  	p0 =	sne.s32 s1, $0x28000;
	[tilespmem:s0+$0x70] =	vst v2  }
0x14: {  	[tilespmem:s0+$0x0] =	vst v2  }
0x15: {  	[tilespmem:s0+$0x10] =	vst v2  }
.Ltmp0:
0x16: {  	[tilespmem:s0+$0x20] =	vst v2;
	(pc) =	sbr.rel @p0 .LBB2_2-.Ltmp0, $4  }
0x17: {  	[tilespmem:s0+$0x30] =	vst v2  }
0x18: {  	[tilespmem:s0+$0x40] =	vst v2  }
0x19: {  	[tilespmem:s0+$0x50] =	vst v2  }
0x1a: {  	[tilespmem:s0+$0x60] =	vst v2;
	s0 =	sshra.s32 s1, $0x2;
	s1 =	sadd.s32 $0x200, s1  }
0x1b: {  	[tilespmem:s0+$0x70] =	vst v2  }
0x1c: {  	[tilespmem:s0+$0x0] =	vst v2  }
0x1d: {  	[tilespmem:s0+$0x10] =	vst v2  }
0x1e: {  	[tilespmem:s0+$0x20] =	vst v2  }
0x1f: {  	[tilespmem:s0+$0x30] =	vst v2  }
0x20: {  	[tilespmem:s0+$0x40] =	vst v2  }
0x21: {  	[tilespmem:s0+$0x50] =	vst v2  }
0x22: {  	s30 =	simm.s32 $0x0;
	[tilespmem:s0+$0x60] =	vst v2;
	s0 =	simm.s32 $0x40;
	s1 =	simm.s32 $0x0  }
.LBB2_4:
0x23: {  	p0 =	sne.s32 s0, $0x7C0;
	[tilespmem:s1+$0x1A400] =	vst v2;
	s2 =	smov.u32 s0;
	s0 =	sadd.s32 $0x40, s0  }
.Ltmp1:
0x24: {  	[tilespmem:s1+$0x1A600] =	vst v3;
	(pc) =	sbr.rel @p0 .LBB2_4-.Ltmp1, $2  }
0x25: {  	_ =	sdelay $0x2  }
0x26: {  	s1 =	sshra.s32 s2, $0x2  }
.Ltmp2:
0x27: {  	(pc) =	sbr.rel .LBB2_6-.Ltmp2, $3  }
0x28: {  	_ =	sdelay $0x1  }
0x29: {  	[tilespmem:s1+$0x1A400] =	vst v2  }
0x2a: {  	[tilespmem:s1+$0x1A600] =	vst v3;
	s31 =	simm.s32 $0x0;
	s0 =	simm.s32 $0x0  }
.LBB2_14:
0x2b: {  	s0 =	sadd.s32 $0x1, s0  }
0x2c: {  	p0 =	sne.s32 s0, $0x14  }
.Ltmp3:
0x2d: {  	_ = 	snop;
	(pc) =	sbr.rel @!p0 .LBB2_15-.Ltmp3, $1  }
0x2e: {  	_ =	sdelay $0x3  }
.LBB2_6:
0x2f: {  	s2 =	smul.u32 $0x3E8, s0;
	_ =	sdelay $0x1  }
0x30: {  	s1 =	simm.s32 $0x0;
	s10 =	simm.s32 $0x1A800;
	s9 =	sadd.s32 s4, s2  }
0x31: {  	[tilespmem:s10], [sflag:$0x2] =	stream.linear.gather [hbm4b:s9+s1], $0x1F40, $0x38;
	[tilespmem:$0x1E780] =	vst v63  }
0x32: {  	_ =	swait.ge [sflag:s13], $0x1F40  }
0x33: {  	s29 =	simm.s32 $0x1C780;
	[sflag:s13] =	ssyncset.done $0x0  }
.Ltmp4:
0x34: {  	s2 =	sadd.s32 s5, s2;
	[sflag:s13] =	ssyncadd.s32 $0xFFFFE0C0;
	(pc) =	sbr.rel .LBB2_7-.Ltmp4, $4  }
0x35: {  	[tilespmem:s29], [sflag:$0x2] =	stream.linear.gather [hbm4b:s2+s1], $0x1F40, $0x38;
	[tilespmem:$0x1E780] =	vst v63  }
0x36: {  	_ =	swait.ge [sflag:s13], $0x1F40  }
0x37: {  	[sflag:s13] =	ssyncset.done $0x0  }
0x38: {  	[sflag:s13] =	ssyncadd.s32 $0xFFFFE0C0  }
.LBB2_13:
0x39: {  	p0 =	sgt.s32 s31, $0x1F0;
	s1 =	sadd.s32 $0x1, s1  }
0x3a: {  	s31 =	simm.s32 @p0 $0x0;
	p0 =	sne.s32 s1, $0x1F4  }
.Ltmp5:
0x3b: {  	_ = 	snop;
	(pc) =	sbr.rel @!p0 .LBB2_14-.Ltmp5, $3  }
0x3c: {  	_ =	sdelay $0x1  }
0x3d: {  	v5 =	vsub.s32 v5, v0;
	[tilespmem:s31+$0x1A400] =	vst.msk vm0, v6  }
0x3e: {  	[tilespmem:s31+$0x1A600] =	vst.msk vm0, v5;
	s31 =	sadd.s32 s31, s28  }
.LBB2_7:
0x3f: {  	s2 =	sshll.u32 s1, $0x4  }
0x40: {  	v5 =	vld [tilespmem:s2+$0x1C780];
	_ =	sdelay $0x4  }
0x41: {  	vm0 =	vge.s32 v5, v0;
	vm1 =	vlt.s32 v5, v1  }
0x42: {  	vm0 =	vmand vm0, vm1  }
0x43: {  	v6 =	vsel vm0, $0x1, v2  }
0x44: {  	(xrf0) =	vadd.scan.msk.s32 $0xffff, v6;
	_ =	sdelay $0x5  }
0x45: {  	v6, _, _ =	vpop (xrf0)  }
0x46: {  	(v2sf) =	vpush v6, $0xF;
	_ =	sdelay $0x9  }
0x47: {  	p0 =	slt.s32 s31, $0x1F1  }
.Ltmp6:
0x48: {  	_ = 	snop;
	(pc) =	sbr.rel @p0 .LBB2_13-.Ltmp6, $2  }
0x49: {  	_ =	sdelay $0x2  }
0x4a: {  	v6 =	vld [tilespmem:s2+$0x1A800];
	s28 =	spop (v2sf)  }
0x4b: {  	s2 =	sshll.u32 s30, $0xC  }
0x4c: {  	s2 =	sadd.s32 s8, s2  }
0x4d: {  	s2 =	sshrl.u32 s2, $0x3  }
0x4e: {  	s9 =	sadd.s32 s6, s2  }
0x4f: {  	[hbm4b:s9+s15] =	stream.strided.scatter [tilespmem:s17], [sflag:$0x2], $0x200, s16, s15, $0x38;
	[tilespmem:$0x1E780] =	vst v63  }
0x50: {  	_ =	swait.ge [sflag:s13], $0x200  }
0x51: {  	[sflag:s13] =	ssyncset.done $0x0  }
0x52: {  	s2 =	sadd.s32 s7, s2;
	[sflag:s13] =	ssyncadd.s32 $0xFFFFFE00  }
0x53: {  	[hbm4b:s2+s15] =	stream.strided.scatter [tilespmem:s18], [sflag:$0x2], $0x200, s16, s15, $0x38;
	[tilespmem:$0x1E780] =	vst v63  }
0x54: {  	_ =	swait.ge [sflag:s13], $0x200  }
0x55: {  	[sflag:s13] =	ssyncset.done $0x0  }
0x56: {  	[sflag:s13] =	ssyncadd.s32 $0xFFFFFE00  }
0x57: {  	[tilespmem:s19], [sflag:$0x1] =	stream.indirect.gather [hbm4b:s3+s15], $0x80, s17, s15, $0xb8;
	[tilespmem:$0x1E780] =	vst v63  }
0x58: {  	_ = 	snop  }
0x59: {  	[tilespmem:s21], [sflag:$0x1] =	stream.indirect.gather [hbm4b:s3+s15], $0x80, s20, s15, $0xb8;
	[tilespmem:$0x1E780] =	vst v63  }
0x5a: {  	_ = 	snop  }
0x5b: {  	[tilespmem:s23], [sflag:$0x1] =	stream.indirect.gather [hbm4b:s3+s15], $0x80, s22, s15, $0xb8;
	[tilespmem:$0x1E780] =	vst v63  }
0x5c: {  	_ = 	snop  }
0x5d: {  	[tilespmem:s25], [sflag:$0x1] =	stream.indirect.gather [hbm4b:s3+s15], $0x80, s24, s15, $0xb8;
	[tilespmem:$0x1E780] =	vst v63  }
0x5e: {  	_ =	swait.ge [sflag:s26], $0x4000  }
0x5f: {  	[sflag:s26] =	ssyncset.done $0x0  }
0x60: {  	[sflag:s26] =	ssyncadd.s32 $0xFFFFC000  }
0x61: {  	_ =	swait.ge [sflag:s26], $0x4000  }
0x62: {  	[sflag:s26] =	ssyncset.done $0x0  }
0x63: {  	[sflag:s26] =	ssyncadd.s32 $0xFFFFC000  }
0x64: {  	_ =	swait.ge [sflag:s26], $0x4000  }
0x65: {  	[sflag:s26] =	ssyncset.done $0x0  }
0x66: {  	[sflag:s26] =	ssyncadd.s32 $0xFFFFC000  }
0x67: {  	_ =	swait.ge [sflag:s26], $0x4000  }
0x68: {  	s29 =	simm.s32 $0xA440;
	[sflag:s26] =	ssyncset.done $0x0  }
0x69: {  	s10 =	simm.s32 $0x0;
	s2 =	simm.s32 $0x0;
	[sflag:s26] =	ssyncadd.s32 $0xFFFFC000  }
.LBB2_9:
0x6a: {  	s9 =	sshll.u32 s10, $0x4  }
0x6b: {  	v7 =	vld [tilespmem:s9+$0x1A600];
	_ =	sdelay $0x3  }
0x6c: {  	v8 =	vmov s2  }
0x6d: {  	vm1 =	veq.s32 v8, v4;
	v7 =	vxor.u32 $0x80000000, v7  }
0x6e: {  	v8 =	vnsel vm1, $0x80000000, v7  }
0x6f: {  	(xrf0) =	vmax.scan.msk.u32 $0xffff, v8;
	_ =	sdelay $0x5  }
0x70: {  	v8, _, _ =	vpop (xrf0)  }
0x71: {  	(v2sf) =	vpush v8, $0xF;
	_ =	sdelay $0xe  }
0x72: {  	s12 =	spop (v2sf)  }
0x73: {  	s9 =	sshll.u32 s12, $0x9  }
0x74: {  	v9 =	vld [tilespmem:s29+$0xFFFFFFC0];
	s11 =	sshra.s32 s9, $0x2  }
0x75: {  	v8 =	vld [tilespmem:s11+$0x0];
	_ =	sdelay $0x4  }
0x76: {  	v8 =	vmax.bf16 v8, v9  }
0x77: {  	[tilespmem:s11+$0x0] =	vst v8;
	v8 =	vld [tilespmem:s11+$0x10]  }
0x78: {  	v9 =	vld [tilespmem:s29+$0xFFFFFFD0];
	_ =	sdelay $0x4  }
0x79: {  	v8 =	vmax.bf16 v8, v9  }
0x7a: {  	[tilespmem:s11+$0x10] =	vst v8;
	v8 =	vld [tilespmem:s11+$0x20]  }
0x7b: {  	v9 =	vld [tilespmem:s29+$0xFFFFFFE0];
	_ =	sdelay $0x4  }
0x7c: {  	v8 =	vmax.bf16 v8, v9  }
0x7d: {  	[tilespmem:s11+$0x20] =	vst v8;
	v8 =	vld [tilespmem:s11+$0x30]  }
0x7e: {  	v9 =	vld [tilespmem:s29+$0xFFFFFFF0];
	_ =	sdelay $0x4  }
0x7f: {  	s14 =	simm.s32 $0x1;
	v8 =	vmax.bf16 v8, v9  }
0x80: {  	v9 =	vmov s14;
	[tilespmem:s11+$0x30] =	vst v8;
	v8 =	vld [tilespmem:s11+$0x40]  }
0x81: {  	s12 =	simm.s32 $0x2;
	s9 =	smov.u32 s29;
	vm1 =	veq.s32 v9, v4;
	v9 =	vld [tilespmem:s29+$0x0]  }
.LBB2_10:
0x82: {  	p0 =	sne.s32 s12, $0xF;
	v10 =	vnsel vm1, $0x80000000, v7  }
0x83: {  	(xrf0) =	vmax.scan.msk.u32 $0xffff, v10;
	_ =	sdelay $0x2  }
0x84: {  	v8 =	vmax.bf16 v8, v9  }
0x85: {  	[tilespmem:s11+$0x40] =	vst v8;
	v8 =	vld [tilespmem:s11+$0x50]  }
0x86: {  	v9 =	vld [tilespmem:s9+$0x10]  }
0x87: {  	v10, _, _ =	vpop (xrf0)  }
0x88: {  	(v2sf) =	vpush v10, $0xF;
	_ =	sdelay $0x2  }
0x89: {  	v8 =	vmax.bf16 v8, v9  }
0x8a: {  	[tilespmem:s11+$0x50] =	vst v8;
	v8 =	vld [tilespmem:s11+$0x60]  }
0x8b: {  	v9 =	vld [tilespmem:s9+$0x20];
	_ =	sdelay $0x4  }
0x8c: {  	v8 =	vmax.bf16 v8, v9  }
0x8d: {  	[tilespmem:s11+$0x60] =	vst v8;
	v8 =	vld [tilespmem:s11+$0x70]  }
0x8e: {  	v9 =	vld [tilespmem:s9+$0x30];
	_ =	sdelay $0x2  }
0x8f: {  	s14 =	spop (v2sf)  }
0x90: {  	s14 =	sshll.u32 s14, $0x9  }
0x91: {  	s14 =	sshra.s32 s14, $0x2;
	v8 =	vmax.bf16 v8, v9  }
0x92: {  	s9 =	sadd.s32 $0x80, s9;
	v9 =	vld [tilespmem:s14+$0x0];
	[tilespmem:s11+$0x70] =	vst v8;
	s11 =	smov.u32 s14  }
0x93: {  	v8 =	vld [tilespmem:s9+$0xFFFFFFC0];
	_ =	sdelay $0x4  }
0x94: {  	v8 =	vmax.bf16 v9, v8  }
0x95: {  	[tilespmem:s11+$0x0] =	vst v8;
	v8 =	vld [tilespmem:s11+$0x10]  }
0x96: {  	v9 =	vld [tilespmem:s9+$0xFFFFFFD0];
	_ =	sdelay $0x4  }
0x97: {  	v8 =	vmax.bf16 v8, v9  }
0x98: {  	[tilespmem:s11+$0x10] =	vst v8;
	v8 =	vld [tilespmem:s11+$0x20]  }
0x99: {  	v9 =	vld [tilespmem:s9+$0xFFFFFFE0];
	_ =	sdelay $0x4  }
0x9a: {  	v8 =	vmax.bf16 v8, v9  }
0x9b: {  	[tilespmem:s11+$0x20] =	vst v8;
	v8 =	vld [tilespmem:s11+$0x30]  }
0x9c: {  	v9 =	vld [tilespmem:s9+$0xFFFFFFF0];
	_ =	sdelay $0x2  }
.Ltmp7:
0x9d: {  	(pc) =	sbr.rel @p0 .LBB2_10-.Ltmp7, $4  }
0x9e: {  	_ = 	snop  }
0x9f: {  	v8 =	vmax.bf16 v8, v9  }
0xa0: {  	v9 =	vmov s12;
	[tilespmem:s11+$0x30] =	vst v8;
	v8 =	vld [tilespmem:s11+$0x40]  }
0xa1: {  	s12 =	sadd.s32 $0x1, s12;
	vm1 =	veq.s32 v9, v4;
	v9 =	vld [tilespmem:s9+$0x0]  }
0xa2: {  	v7 =	vnsel vm1, $0x80000000, v7  }
0xa3: {  	(xrf0) =	vmax.scan.msk.u32 $0xffff, v7;
	_ =	sdelay $0x2  }
0xa4: {  	v7 =	vmax.bf16 v8, v9  }
0xa5: {  	[tilespmem:s11+$0x40] =	vst v7;
	v7 =	vld [tilespmem:s11+$0x50]  }
0xa6: {  	v8 =	vld [tilespmem:s9+$0x10]  }
0xa7: {  	v63, _, _ =	vpop (xrf0)  }
0xa8: {  	(v2sf) =	vpush v63, $0xF;
	_ =	sdelay $0x2  }
0xa9: {  	v7 =	vmax.bf16 v7, v8  }
0xaa: {  	[tilespmem:s11+$0x50] =	vst v7;
	v7 =	vld [tilespmem:s11+$0x60]  }
0xab: {  	v8 =	vld [tilespmem:s9+$0x20];
	_ =	sdelay $0x4  }
0xac: {  	v7 =	vmax.bf16 v7, v8  }
0xad: {  	[tilespmem:s11+$0x60] =	vst v7;
	v7 =	vld [tilespmem:s11+$0x70]  }
0xae: {  	v8 =	vld [tilespmem:s9+$0x30];
	_ =	sdelay $0x2  }
0xaf: {  	s12 =	spop (v2sf)  }
0xb0: {  	s12 =	sshll.u32 s12, $0x9  }
0xb1: {  	s12 =	sshra.s32 s12, $0x2;
	v7 =	vmax.bf16 v7, v8  }
0xb2: {  	s14 =	sadd.s32 $0x80, s9;
	v8 =	vld [tilespmem:s12+$0x0];
	[tilespmem:s11+$0x70] =	vst v7  }
0xb3: {  	v7 =	vld [tilespmem:s14+$0xFFFFFFC0];
	_ =	sdelay $0x4  }
0xb4: {  	v7 =	vmax.bf16 v8, v7  }
0xb5: {  	[tilespmem:s12+$0x0] =	vst v7;
	v7 =	vld [tilespmem:s12+$0x10]  }
0xb6: {  	v8 =	vld [tilespmem:s14+$0xFFFFFFD0];
	_ =	sdelay $0x4  }
0xb7: {  	v7 =	vmax.bf16 v7, v8  }
0xb8: {  	[tilespmem:s12+$0x10] =	vst v7;
	v7 =	vld [tilespmem:s12+$0x20]  }
0xb9: {  	v8 =	vld [tilespmem:s14+$0xFFFFFFE0];
	_ =	sdelay $0x4  }
0xba: {  	v7 =	vmax.bf16 v7, v8  }
0xbb: {  	[tilespmem:s12+$0x20] =	vst v7;
	v7 =	vld [tilespmem:s12+$0x30]  }
0xbc: {  	v8 =	vld [tilespmem:s14+$0xFFFFFFF0];
	_ =	sdelay $0x4  }
0xbd: {  	v7 =	vmax.bf16 v7, v8  }
0xbe: {  	[tilespmem:s12+$0x30] =	vst v7;
	v7 =	vld [tilespmem:s12+$0x40]  }
0xbf: {  	v8 =	vld [tilespmem:s14+$0x0];
	_ =	sdelay $0x4  }
0xc0: {  	v7 =	vmax.bf16 v7, v8  }
0xc1: {  	[tilespmem:s12+$0x40] =	vst v7;
	v7 =	vld [tilespmem:s12+$0x50]  }
0xc2: {  	v8 =	vld [tilespmem:s14+$0x10];
	_ =	sdelay $0x4  }
0xc3: {  	v7 =	vmax.bf16 v7, v8  }
0xc4: {  	[tilespmem:s12+$0x50] =	vst v7;
	v7 =	vld [tilespmem:s12+$0x60]  }
0xc5: {  	v8 =	vld [tilespmem:s14+$0x20];
	_ =	sdelay $0x4  }
0xc6: {  	v7 =	vmax.bf16 v7, v8  }
0xc7: {  	[tilespmem:s12+$0x60] =	vst v7;
	v7 =	vld [tilespmem:s12+$0x70]  }
0xc8: {  	s10 =	sadd.s32 $0x1, s10;
	v8 =	vld [tilespmem:s14+$0x30]  }
0xc9: {  	p0 =	sne.s32 s10, $0x20  }
.Ltmp8:
0xca: {  	_ = 	snop;
	(pc) =	sbr.rel @p0 .LBB2_9-.Ltmp8, $3  }
0xcb: {  	_ =	sdelay $0x1  }
0xcc: {  	v7 =	vmax.bf16 v7, v8  }
0xcd: {  	s29 =	sadd.s32 $0x800, s29;
	[tilespmem:s12+$0x70] =	vst v7  }
.Ltmp9:
0xce: {  	(pc) =	sbr.rel .LBB2_13-.Ltmp9, $2  }
0xcf: {  	_ =	sdelay $0x2  }
0xd0: {  	s30 =	sadd.s32 $0x1, s30  }
.LBB2_15:
0xd1: {  	s0 =	sshll.u32 s30, $0xC  }
0xd2: {  	s0 =	sadd.s32 s8, s0  }
0xd3: {  	s0 =	sshrl.u32 s0, $0x3  }
0xd4: {  	s1 =	sadd.s32 s6, s0  }
0xd5: {  	[hbm4b:s1+s15] =	stream.strided.scatter [tilespmem:s17], [sflag:$0x2], $0x200, s16, s15, $0x38;
	[tilespmem:$0x1E780] =	vst v63  }
0xd6: {  	_ =	swait.ge [sflag:s13], $0x200  }
0xd7: {  	[sflag:s13] =	ssyncset.done $0x0  }
0xd8: {  	s0 =	sadd.s32 s7, s0;
	[sflag:s13] =	ssyncadd.s32 $0xFFFFFE00  }
0xd9: {  	[hbm4b:s0+s15] =	stream.strided.scatter [tilespmem:s18], [sflag:$0x2], $0x200, s16, s15, $0x38;
	[tilespmem:$0x1E780] =	vst v63  }
0xda: {  	_ =	swait.ge [sflag:s13], $0x200  }
0xdb: {  	[sflag:s13] =	ssyncset.done $0x0  }
0xdc: {  	[sflag:s13] =	ssyncadd.s32 $0xFFFFFE00  }
0xdd: {  	[tilespmem:s19], [sflag:$0x1] =	stream.indirect.gather [hbm4b:s3+s15], $0x80, s17, s15, $0xb8;
	[tilespmem:$0x1E780] =	vst v63  }
0xde: {  	_ = 	snop  }
0xdf: {  	[tilespmem:s21], [sflag:$0x1] =	stream.indirect.gather [hbm4b:s3+s15], $0x80, s20, s15, $0xb8;
	[tilespmem:$0x1E780] =	vst v63  }
0xe0: {  	_ = 	snop  }
0xe1: {  	[tilespmem:s23], [sflag:$0x1] =	stream.indirect.gather [hbm4b:s3+s15], $0x80, s22, s15, $0xb8;
	[tilespmem:$0x1E780] =	vst v63  }
0xe2: {  	_ = 	snop  }
0xe3: {  	[tilespmem:s25], [sflag:$0x1] =	stream.indirect.gather [hbm4b:s3+s15], $0x80, s24, s15, $0xb8;
	[tilespmem:$0x1E780] =	vst v63  }
0xe4: {  	_ =	swait.ge [sflag:s26], $0x4000  }
0xe5: {  	[sflag:s26] =	ssyncset.done $0x0  }
0xe6: {  	[sflag:s26] =	ssyncadd.s32 $0xFFFFC000  }
0xe7: {  	_ =	swait.ge [sflag:s26], $0x4000  }
0xe8: {  	[sflag:s26] =	ssyncset.done $0x0  }
0xe9: {  	[sflag:s26] =	ssyncadd.s32 $0xFFFFC000  }
0xea: {  	_ =	swait.ge [sflag:s26], $0x4000  }
0xeb: {  	[sflag:s26] =	ssyncset.done $0x0  }
0xec: {  	[sflag:s26] =	ssyncadd.s32 $0xFFFFC000  }
0xed: {  	_ =	swait.ge [sflag:s26], $0x4000  }
0xee: {  	s2 =	simm.s32 $0x0;
	[sflag:s26] =	ssyncset.done $0x0  }
0xef: {  	s1 =	simm.s32 $0xA440;
	s0 =	simm.s32 $0x0;
	[sflag:s26] =	ssyncadd.s32 $0xFFFFC000  }
.LBB2_16:
0xf0: {  	s9 =	sshll.u32 s2, $0x4  }
0xf1: {  	v5 =	vld [tilespmem:s9+$0x1A600];
	_ =	sdelay $0x3  }
0xf2: {  	v6 =	vmov s0  }
0xf3: {  	vm0 =	veq.s32 v6, v4;
	v5 =	vxor.u32 $0x80000000, v5  }
0xf4: {  	v6 =	vnsel vm0, $0x80000000, v5  }
0xf5: {  	(xrf0) =	vmax.scan.msk.u32 $0xffff, v6;
	_ =	sdelay $0x5  }
0xf6: {  	v6, _, _ =	vpop (xrf0)  }
0xf7: {  	(v2sf) =	vpush v6, $0xF;
	_ =	sdelay $0xe  }
0xf8: {  	s31 =	spop (v2sf)  }
0xf9: {  	s9 =	sshll.u32 s31, $0x9  }
0xfa: {  	v7 =	vld [tilespmem:s1+$0xFFFFFFC0];
	s9 =	sshra.s32 s9, $0x2  }
0xfb: {  	v6 =	vld [tilespmem:s9+$0x0];
	_ =	sdelay $0x4  }
0xfc: {  	v6 =	vmax.bf16 v6, v7  }
0xfd: {  	[tilespmem:s9+$0x0] =	vst v6;
	v6 =	vld [tilespmem:s9+$0x10]  }
0xfe: {  	v7 =	vld [tilespmem:s1+$0xFFFFFFD0];
	_ =	sdelay $0x4  }
0xff: {  	v6 =	vmax.bf16 v6, v7  }
0x100: {  	[tilespmem:s9+$0x10] =	vst v6;
	v6 =	vld [tilespmem:s9+$0x20]  }
0x101: {  	v7 =	vld [tilespmem:s1+$0xFFFFFFE0];
	_ =	sdelay $0x4  }
0x102: {  	v6 =	vmax.bf16 v6, v7  }
0x103: {  	[tilespmem:s9+$0x20] =	vst v6;
	v6 =	vld [tilespmem:s9+$0x30]  }
0x104: {  	v7 =	vld [tilespmem:s1+$0xFFFFFFF0];
	_ =	sdelay $0x4  }
0x105: {  	s10 =	simm.s32 $0x1;
	v6 =	vmax.bf16 v6, v7  }
0x106: {  	v7 =	vmov s10;
	[tilespmem:s9+$0x30] =	vst v6;
	v6 =	vld [tilespmem:s9+$0x40]  }
0x107: {  	s11 =	simm.s32 $0x2;
	s10 =	smov.u32 s1;
	vm0 =	veq.s32 v7, v4;
	v7 =	vld [tilespmem:s1+$0x0]  }
.LBB2_17:
0x108: {  	p0 =	sne.s32 s11, $0xF;
	v8 =	vnsel vm0, $0x80000000, v5  }
0x109: {  	(xrf0) =	vmax.scan.msk.u32 $0xffff, v8;
	_ =	sdelay $0x2  }
0x10a: {  	v6 =	vmax.bf16 v6, v7  }
0x10b: {  	[tilespmem:s9+$0x40] =	vst v6;
	v6 =	vld [tilespmem:s9+$0x50]  }
0x10c: {  	v7 =	vld [tilespmem:s10+$0x10]  }
0x10d: {  	v8, _, _ =	vpop (xrf0)  }
0x10e: {  	(v2sf) =	vpush v8, $0xF;
	_ =	sdelay $0x2  }
0x10f: {  	v6 =	vmax.bf16 v6, v7  }
0x110: {  	[tilespmem:s9+$0x50] =	vst v6;
	v6 =	vld [tilespmem:s9+$0x60]  }
0x111: {  	v7 =	vld [tilespmem:s10+$0x20];
	_ =	sdelay $0x4  }
0x112: {  	v6 =	vmax.bf16 v6, v7  }
0x113: {  	[tilespmem:s9+$0x60] =	vst v6;
	v6 =	vld [tilespmem:s9+$0x70]  }
0x114: {  	v7 =	vld [tilespmem:s10+$0x30];
	_ =	sdelay $0x2  }
0x115: {  	s12 =	spop (v2sf)  }
0x116: {  	s12 =	sshll.u32 s12, $0x9  }
0x117: {  	s12 =	sshra.s32 s12, $0x2;
	v6 =	vmax.bf16 v6, v7  }
0x118: {  	s10 =	sadd.s32 $0x80, s10;
	v7 =	vld [tilespmem:s12+$0x0];
	[tilespmem:s9+$0x70] =	vst v6;
	s9 =	smov.u32 s12  }
0x119: {  	v6 =	vld [tilespmem:s10+$0xFFFFFFC0];
	_ =	sdelay $0x4  }
0x11a: {  	v6 =	vmax.bf16 v7, v6  }
0x11b: {  	[tilespmem:s9+$0x0] =	vst v6;
	v6 =	vld [tilespmem:s9+$0x10]  }
0x11c: {  	v7 =	vld [tilespmem:s10+$0xFFFFFFD0];
	_ =	sdelay $0x4  }
0x11d: {  	v6 =	vmax.bf16 v6, v7  }
0x11e: {  	[tilespmem:s9+$0x10] =	vst v6;
	v6 =	vld [tilespmem:s9+$0x20]  }
0x11f: {  	v7 =	vld [tilespmem:s10+$0xFFFFFFE0];
	_ =	sdelay $0x4  }
0x120: {  	v6 =	vmax.bf16 v6, v7  }
0x121: {  	[tilespmem:s9+$0x20] =	vst v6;
	v6 =	vld [tilespmem:s9+$0x30]  }
0x122: {  	v7 =	vld [tilespmem:s10+$0xFFFFFFF0];
	_ =	sdelay $0x2  }
.Ltmp10:
0x123: {  	(pc) =	sbr.rel @p0 .LBB2_17-.Ltmp10, $4  }
0x124: {  	_ = 	snop  }
0x125: {  	v6 =	vmax.bf16 v6, v7  }
0x126: {  	v7 =	vmov s11;
	[tilespmem:s9+$0x30] =	vst v6;
	v6 =	vld [tilespmem:s9+$0x40]  }
0x127: {  	s11 =	sadd.s32 $0x1, s11;
	vm0 =	veq.s32 v7, v4;
	v7 =	vld [tilespmem:s10+$0x0]  }
0x128: {  	v5 =	vnsel vm0, $0x80000000, v5  }
0x129: {  	(xrf0) =	vmax.scan.msk.u32 $0xffff, v5;
	_ =	sdelay $0x2  }
0x12a: {  	v5 =	vmax.bf16 v6, v7  }
0x12b: {  	[tilespmem:s9+$0x40] =	vst v5;
	v5 =	vld [tilespmem:s9+$0x50]  }
0x12c: {  	v6 =	vld [tilespmem:s10+$0x10]  }
0x12d: {  	v7, _, _ =	vpop (xrf0)  }
0x12e: {  	(v2sf) =	vpush v7, $0xF;
	_ =	sdelay $0x2  }
0x12f: {  	v5 =	vmax.bf16 v5, v6  }
0x130: {  	[tilespmem:s9+$0x50] =	vst v5;
	v5 =	vld [tilespmem:s9+$0x60]  }
0x131: {  	v6 =	vld [tilespmem:s10+$0x20];
	_ =	sdelay $0x4  }
0x132: {  	v5 =	vmax.bf16 v5, v6  }
0x133: {  	[tilespmem:s9+$0x60] =	vst v5;
	v5 =	vld [tilespmem:s9+$0x70]  }
0x134: {  	v6 =	vld [tilespmem:s10+$0x30];
	_ =	sdelay $0x2  }
0x135: {  	s11 =	spop (v2sf)  }
0x136: {  	s11 =	sshll.u32 s11, $0x9  }
0x137: {  	s11 =	sshra.s32 s11, $0x2;
	v5 =	vmax.bf16 v5, v6  }
0x138: {  	s31 =	sadd.s32 $0x80, s10;
	v6 =	vld [tilespmem:s11+$0x0];
	[tilespmem:s9+$0x70] =	vst v5  }
0x139: {  	v5 =	vld [tilespmem:s31+$0xFFFFFFC0];
	_ =	sdelay $0x4  }
0x13a: {  	v5 =	vmax.bf16 v6, v5  }
0x13b: {  	[tilespmem:s11+$0x0] =	vst v5;
	v5 =	vld [tilespmem:s11+$0x10]  }
0x13c: {  	v6 =	vld [tilespmem:s31+$0xFFFFFFD0];
	_ =	sdelay $0x4  }
0x13d: {  	v5 =	vmax.bf16 v5, v6  }
0x13e: {  	[tilespmem:s11+$0x10] =	vst v5;
	v5 =	vld [tilespmem:s11+$0x20]  }
0x13f: {  	v6 =	vld [tilespmem:s31+$0xFFFFFFE0];
	_ =	sdelay $0x4  }
0x140: {  	v5 =	vmax.bf16 v5, v6  }
0x141: {  	[tilespmem:s11+$0x20] =	vst v5;
	v5 =	vld [tilespmem:s11+$0x30]  }
0x142: {  	v6 =	vld [tilespmem:s31+$0xFFFFFFF0];
	_ =	sdelay $0x4  }
0x143: {  	v5 =	vmax.bf16 v5, v6  }
0x144: {  	[tilespmem:s11+$0x30] =	vst v5;
	v5 =	vld [tilespmem:s11+$0x40]  }
0x145: {  	v6 =	vld [tilespmem:s31+$0x0];
	_ =	sdelay $0x4  }
0x146: {  	v5 =	vmax.bf16 v5, v6  }
0x147: {  	[tilespmem:s11+$0x40] =	vst v5;
	v5 =	vld [tilespmem:s11+$0x50]  }
0x148: {  	v6 =	vld [tilespmem:s31+$0x10];
	_ =	sdelay $0x4  }
0x149: {  	v5 =	vmax.bf16 v5, v6  }
0x14a: {  	[tilespmem:s11+$0x50] =	vst v5;
	v5 =	vld [tilespmem:s11+$0x60]  }
0x14b: {  	v6 =	vld [tilespmem:s31+$0x20];
	_ =	sdelay $0x4  }
0x14c: {  	v5 =	vmax.bf16 v5, v6  }
0x14d: {  	[tilespmem:s11+$0x60] =	vst v5;
	v5 =	vld [tilespmem:s11+$0x70]  }
0x14e: {  	s2 =	sadd.s32 $0x1, s2;
	v6 =	vld [tilespmem:s31+$0x30]  }
0x14f: {  	p0 =	sne.s32 s2, $0x20  }
.Ltmp11:
0x150: {  	_ = 	snop;
	(pc) =	sbr.rel @p0 .LBB2_16-.Ltmp11, $3  }
0x151: {  	_ =	sdelay $0x1  }
0x152: {  	v5 =	vmax.bf16 v5, v6  }
0x153: {  	s1 =	sadd.s32 $0x800, s1;
	[tilespmem:s11+$0x70] =	vst v5  }
0x154: {  	s0 =	sadd.s32 $0x1, s30  }
0x155: {  	v5 =	vmov s0  }
0x156: {  	s28 =	simm.s32 $0x0;
	s1 =	rddreg [dreg:$0x2];
	s2 =	simm.s32 $0x1E700;
	[tilespmem:$0x1E700] =	vst v5  }
0x157: {  	[hbm4b:s1+s28] =	stream.linear.scatter [tilespmem:s2], [sflag:$0x2], $0x80, $0x38;
	[tilespmem:$0x1E780] =	vst v63  }
0x158: {  	_ =	swait.ge [sflag:s13], $0x80  }
0x159: {  	[sflag:s13] =	ssyncset.done $0x0  }
0x15a: {  	s29 =	rddreg [dreg:$0x3];
	[sflag:s13] =	ssyncadd.s32 $0xFFFFFF80  }
0x15b: {  	[hbm4b:s29+s28] =	stream.linear.scatter [tilespmem:s28], [sflag:$0x2], $0xA000, $0x38;
	[tilespmem:$0x1E780] =	vst v63  }
0x15c: {  	_ =	swait.ge [sflag:s13], $0xA000  }
0x15d: {  	s30 =	rddreg [dreg:$0x5]  }
0x15e: {  	s31 =	rddreg [dreg:$0x4];
	s1 =	sadd.s32 $0x1, s30  }
0x15f: {  	p0 =	sne.s32 s1, s31  }
.Ltmp12:
0x160: {  	_ = 	snop;
	(pc) =	sbr.rel @p0 .LBB2_1-.Ltmp12, $3  }
0x161: {  	_ =	sdelay $0x1  }
0x162: {  	[sflag:s13] =	ssyncset.done $0x0  }
0x163: {  	[sflag:s13] =	ssyncadd.s32 $0xFFFF6000  }
0x164: {  	_ =	sfence.sel $0x180000  }
0x165: {  	[bflag:$0x0] =	sbarrier.arrive $0xFFFF  }
0x166: {  	_ =	strace $0x90000047  }
0x167: {  	s0 =	stileid.u32;
	[bflag:$0x2] =	sbarrier.arrive $0xFFFF  }
0x168: {  	p0 =	sne.s32 s0, $0x0;
	s0 =	rddreg [dreg:$0x1]  }
0x169: {  	s0 =	sadd.s32 @!p0 $0x100000, s0  }
0x16a: {  	[sflag:s0] =	ssyncadd.tile.s32 @!p0 $0x1;
	_ =	shalt  }
.Lfunc_end2:
_tile_overlayer_lowered:
.L_overlay_start_2:
0x16b: {  	(tag) =	ssettag $0x2  }
0x16c: {  	s0 =	rddreg [dreg:$0x0];
	s2 =	stileid.u32  }
0x16d: {  	s1 =	rddreg [dreg:$0x1];
	p0 =	sne.s32 s2, $0x0  }
0x16e: {  	s3 =	rddreg [dreg:$0x2];
	[bflag:$0x3] =	sbarrier.arrive $0xFFFF;
	s2 =	simm.s32 @!p0 $0x1C02  }
0x16f: {  	[timem:s3], [sflag:s2] =	dma.local @!p0 [hbm:s0], s1  }
0x170: {  	s0 =	simm.s32 @!p0 $0x2  }
0x171: {  	_ =	swait.ge @!p0 [sflag:s0], s1  }
0x172: {  	s1 =	ssub.s32 @!p0 $0x0, s1;
	[sflag:s0] =	ssyncset.done @!p0 $0x0  }
0x173: {  	[sflag:s0] =	ssyncadd.s32 @!p0 s1  }
0x174: {  	[bflag:$0x3] =	sbarrier.arrive $0xFFFF  }
0x175: {  	_ =	shalt  }

// kernel: kernel.13.cloned.1.call-start
scs
__scs_entry_jumppad:
0x0: {  	(pc) =	sbr.rel $0x88, $3  }
0x1: {  	(tag) =	ssettag $0x0;
	lr =	simm.s32 $0x1  }
0x2: {  	[smem:$0x3F95] =	sst lr;
	_ =	strace $0xD0000000  }
0x3: {  	_ = 	snop  }
0x4: {  	_ = 	snop  }
0x5: {  	_ = 	snop  }
0x6: {  	_ = 	snop  }
0x7: {  	_ = 	snop  }
__scs_overlays_trampoline_lowered:
0x8: {  	[smem:$0x3FA4] =	sst s0  }
0x9: {  	[smem:$0x3FA5] =	sst s1  }
0xa: {  	[smem:$0x3FA6] =	sst s2  }
0xb: {  	[smem:$0x3FA7] =	sst s3  }
0xc: {  	[smem:$0x3FA8] =	sst s4  }
0xd: {  	[smem:$0x3FA9] =	sst s5  }
0xe: {  	[smem:$0x3FAA] =	sst s6  }
0xf: {  	[smem:$0x3FAB] =	sst s7  }
0x10: {  	[smem:$0x3FAC] =	sst s8  }
0x11: {  	[smem:$0x3FAD] =	sst s9;
	s0 =	simm.s32 @!p0 $0x0  }
0x12: {  	s1 =	sld [smem:$0x3F93];
	s0 =	simm.s32 @p0 $0x1  }
0x13: {  	[smem:$0x3FAE] =	sst s0;
	s0 =	simm.s32 @!p1 $0x0  }
0x14: {  	s2 =	sld [smem:$0x3F92];
	s0 =	simm.s32 @p1 $0x1  }
0x15: {  	[smem:$0x3FAF] =	sst s0;
	s0 =	simm.s32 @!p2 $0x0  }
0x16: {  	s3 =	sld [smem:$0x3FDB];
	s0 =	simm.s32 @p2 $0x1  }
0x17: {  	s4 =	simm.s32 $0x1BF5;
	[smem:$0x3FB1] =	sst s0  }
0x18: {  	s0 =	sld [smem:$0x3F94];
	_ =	swait.ge [sflag:s4], $0x0  }
0x19: {  	s7 =	sld [smem:$0x3F95]  }
0x1a: {  	s8 =	sadd.s32 $0xFFFFE003, lr  }
0x1b: {  	s9 =	sadd.s32 $0xFFFFFEF7, lr;
	s5 =	simm.s32 $0xFFFFFFFF;
	p2 =	slt.u32 s8, $0xFFFFF086  }
0x1c: {  	p1 =	slt.u32 s9, $0xF7A;
	s5 =	simm.s32 @!p2 $0x0  }
0x1d: {  	s5 =	simm.s32 @p1 $0x1;
	p0 =	seq.s32 s7, s2  }
0x1e: {  	s7 =	smul.u32 @!p0 $0xF7A, s2;
	p2 =	seq.s32 @!p0 s5, $0x0  }
0x1f: {  	s9 =	smul.u32 $0xF7A, s1;
	s8 =	simm.s32 @!p0 $0x1BF5;
	p2 =	por !p2, p0  }
0x20: {  	[sflag:s8] =	ssyncset.s32 @!p0 $0xFFFFF086;
	s6 =	sadd.s32 @!p0 s3, s7;
	s7 =	simm.s32 @!p0 $0x108  }
0x21: {  	s3 =	sadd.s32 s3, s9;
	s6 =	sadd.s32 @!p0 $0x88, s6;
	s7 =	simm.s32 @p2 $0x1082  }
0x22: {  	[simem:s7], [sflag:s8] =	dma.local @!p0 [hbm:s6], $0xF7A  }
0x23: {  	s9 =	sor.u32 $0xD0000000, s2;
	s6 =	simm.s32 $0x108;
	_ =	swait.ge @!p0 [sflag:s8], $0x0  }
0x24: {  	s3 =	sadd.s32 $0x88, s3;
	s6 =	simm.s32 @!p1 $0x1082;
	[sflag:s4] =	ssyncset.s32 $0xFFFFF086  }
0x25: {  	[simem:s6], [sflag:s4] =	dma.local [hbm:s3], $0xF7A  }
0x26: {  	[smem:$0x3F95] =	sst s1;
	(tag) =	ssettag s2;
	_ =	strace s9  }
0x27: {  	s1 =	sld [smem:$0x3FA5]  }
0x28: {  	s2 =	sld [smem:$0x3FA6]  }
0x29: {  	s4 =	sld [smem:$0x3FA8]  }
0x2a: {  	p0 =	seq.s32 s5, $0x0;
	s5 =	sld [smem:$0x3FA9]  }
0x2b: {  	s6 =	sld [smem:$0x3FAA]  }
0x2c: {  	s7 =	sld [smem:$0x3FAB]  }
0x2d: {  	s3 =	simm.s32 $0x108;
	s8 =	sld [smem:$0x3FAC]  }
0x2e: {  	s3 =	simm.s32 @!p0 $0x1082;
	s9 =	sld [smem:$0x3FAD]  }
0x2f: {  	lr =	sadd.s32 s0, s3;
	s0 =	sld [smem:$0x3FA4]  }
0x30: {  	s3 =	sld [smem:$0x3FA7]  }
0x31: {  	[smem:$0x3FB0] =	sst s10  }
0x32: {  	s10 =	sld [smem:$0x3FAE];
	_ =	sdelay $0x3  }
0x33: {  	p0 =	seq.s32 s10, $0x1;
	s10 =	sld [smem:$0x3FB0];
	_ =	sdelay $0x3  }
0x34: {  	[smem:$0x3FB0] =	sst s10  }
0x35: {  	s10 =	sld [smem:$0x3FAF];
	_ =	sdelay $0x3  }
0x36: {  	p1 =	seq.s32 s10, $0x1;
	s10 =	sld [smem:$0x3FB0];
	_ =	sdelay $0x3  }
0x37: {  	[smem:$0x3FB0] =	sst s10  }
0x38: {  	s10 =	sld [smem:$0x3FB1]  }
0x39: {  	_ = 	snop;
	(pc) =	sbr.ind lr, $3  }
0x3a: {  	_ = 	snop  }
0x3b: {  	_ = 	snop  }
0x3c: {  	p2 =	seq.s32 s10, $0x1;
	s10 =	sld [smem:$0x3FB0]  }
0x3d: {  	_ =	shalt  }
0x3e: {  	_ =	shalt  }
0x3f: {  	_ =	shalt  }
0x40: {  	_ =	shalt  }
0x41: {  	_ =	shalt  }
0x42: {  	_ =	shalt  }
0x43: {  	_ =	shalt  }
0x44: {  	_ =	shalt  }
0x45: {  	_ =	shalt  }
0x46: {  	_ =	shalt  }
0x47: {  	_ =	shalt  }
0x48: {  	_ =	shalt  }
0x49: {  	_ =	shalt  }
0x4a: {  	_ =	shalt  }
0x4b: {  	_ =	shalt  }
0x4c: {  	_ =	shalt  }
0x4d: {  	_ =	shalt  }
0x4e: {  	_ =	shalt  }
0x4f: {  	_ =	shalt  }
0x50: {  	_ =	shalt  }
0x51: {  	_ =	shalt  }
0x52: {  	_ =	shalt  }
0x53: {  	_ =	shalt  }
0x54: {  	_ =	shalt  }
0x55: {  	_ =	shalt  }
0x56: {  	_ =	shalt  }
0x57: {  	_ =	shalt  }
0x58: {  	_ =	shalt  }
0x59: {  	_ =	shalt  }
0x5a: {  	_ =	shalt  }
0x5b: {  	_ =	shalt  }
0x5c: {  	_ =	shalt  }
0x5d: {  	_ =	shalt  }
0x5e: {  	_ =	shalt  }
0x5f: {  	_ =	shalt  }
0x60: {  	_ =	shalt  }
0x61: {  	_ =	shalt  }
0x62: {  	_ =	shalt  }
0x63: {  	_ =	shalt  }
0x64: {  	_ =	shalt  }
0x65: {  	_ =	shalt  }
0x66: {  	_ =	shalt  }
0x67: {  	_ =	shalt  }
0x68: {  	_ =	shalt  }
0x69: {  	_ =	shalt  }
0x6a: {  	_ =	shalt  }
0x6b: {  	_ =	shalt  }
0x6c: {  	_ =	shalt  }
0x6d: {  	_ =	shalt  }
0x6e: {  	_ =	shalt  }
0x6f: {  	_ =	shalt  }
0x70: {  	_ =	shalt  }
0x71: {  	_ =	shalt  }
0x72: {  	_ =	shalt  }
0x73: {  	_ =	shalt  }
0x74: {  	_ =	shalt  }
0x75: {  	_ =	shalt  }
0x76: {  	_ =	shalt  }
0x77: {  	_ =	shalt  }
0x78: {  	_ =	shalt  }
0x79: {  	_ =	shalt  }
0x7a: {  	_ =	shalt  }
0x7b: {  	_ =	shalt  }
0x7c: {  	_ =	shalt  }
0x7d: {  	_ =	shalt  }
0x7e: {  	_ =	shalt  }
0x7f: {  	_ =	shalt  }
0x80: {  	_ =	shalt  }
0x81: {  	_ =	shalt  }
0x82: {  	_ =	shalt  }
0x83: {  	_ =	shalt  }
0x84: {  	_ =	shalt  }
0x85: {  	_ =	shalt  }
0x86: {  	_ =	shalt  }
0x87: {  	_ =	shalt  }
.Lfunc_end0:
.L_simem_size_0:
called_computation.1_lowered:
.L_overlay_start_0:
0x88: {  	s2 =	sld [smem:$0x3FD9]  }
0x89: {  	s3 =	sld [smem:$0x3FFE];
	_ =	sdelay $0x1  }
0x8a: {  	s1 =	srdreg.scid  }
0x8b: {  	s0 =	sand.u32 $0x1, s1  }
0x8c: {  	s16 =	sshll.u32 s0, $0xA;
	s2 =	sadd.s32 s3, s2  }
0x8d: {  	s2 =	sadd.s32 s2, s16  }
0x8e: {  	[smem:$0x3FBC] =	sst s2  }
0x8f: {  	_ = 	snop  }
0x90: {  	(tm) =	ssettm $0x1  }
0x91: {  	s17 =	sld [smem:$0x3FFB];
	_ =	sdelay $0x3  }
0x92: {  	_ =	strace s17  }
0x93: {  	s2 =	sld [smem:$0x3FFC];
	_ =	sdelay $0x3  }
0x94: {  	_ =	strace s2  }
0x95: {  	s2 =	sld [smem:$0x3FFD];
	_ =	sdelay $0x3  }
0x96: {  	_ =	strace s2  }
0x97: {  	_ =	strace $0x8FFFFFFF  }
0x98: {  	s18 =	sld [smem:$0x3FDB];
	_ =	sdelay $0x1  }
0x99: {  	s19 =	simm.s32 $_scs_section_size  }
0x9a: {  	s4 =	simm.s32 $_size__tile_overlayer_lowered;
	s5 =	simm.s32 $_tile_overlayer_lowered  }
0x9b: {  	s22 =	simm.s32 $0x1BFF;
	s21 =	sshll.u32 s5, $0x1;
	s2 =	sadd.s32 s19, s18  }
0x9c: {  	s6 =	simm.s32 $0x0;
	s20 =	sshll.u32 s4, $0x1;
	s4 =	sadd.s32 s21, s2  }
0x9d: {  	[timem:s6], [sflag:s22] =	dma.local [hbm:s4], s20  }
0x9e: {  	_ =	swait.ge [sflag:s22], s20  }
0x9f: {  	s3 =	ssub.s32 $0x0, s20;
	[sflag:s22] =	ssyncset.done $0x0  }
0xa0: {  	[sflag:s22] =	ssyncadd.s32 s3;
	_ =	sdelay $0x1  }
0xa1: {  	s23 =	simm.s32 $0x1B8B  }
0xa2: {  	_ =	swait.ge [sflag:s23], $0x1  }
0xa3: {  	[sflag:s23] =	ssyncset.done $0x0  }
0xa4: {  	s25 =	simm.s32 $0x1B8E;
	s24 =	sld [smem:$0x3FFE];
	[sflag:s23] =	ssyncadd.s32 $0xFFFFFFFF  }
0xa5: {  	s26 =	simm.s32 $execute0_lowered;
	[smem:$0x3FD2] =	sst s25  }
0xa6: {  	s4 =	sshll.u32 s26, $0x1;
	_ =	strace $0x80000049;
	[dreg:$0x1] =	wrdreg $0xFFFFFFFF  }
0xa7: {  	s28 =	simm.s32 $_size_execute0_lowered;
	s2 =	sadd.s32 s2, s4;
	[dreg:$0x0] =	wrdreg $0x0  }
0xa8: {  	s4 =	sshll.u32 s28, $0x1;
	[dreg:$0x2] =	wrdreg s2  }
0xa9: {  	[dreg:$0x3] =	wrdreg s4  }
0xaa: {  	[dreg:$0x4] =	wrdreg $0xC0  }
0xab: {  	_ =	task [dreg:s6], $0x5FFFF  }
0xac: {  	[dreg:$0x1] =	wrdreg $0xFFFFFFFF  }
0xad: {  	[dreg:$0x0] =	wrdreg $0x60  }
0xae: {  	[dreg:$0x2] =	wrdreg s24  }
0xaf: {  	[dreg:$0x3] =	wrdreg $0x9  }
0xb0: {  	_ =	task.clear_ibuf [dreg:s6], $0x4FFFF;
	_ =	strace $0x90000049  }
0xb1: {  	s29 =	simm.s32 $0x9;
	_ =	strace $0x8000004B  }
0xb2: {  	_ =	swait.ge [sflag:s29], $0x1  }
0xb3: {  	[sflag:s29] =	ssyncadd.s32 $0xFFFFFFFF  }
0xb4: {  	_ =	strace $0x9000004B  }
0xb5: {  	_ =	sfence  }
0xb6: {  	s30 =	sld [smem:$0x0];
	_ =	sdelay $0x2  }
0xb7: {  	s31 =	sshll.u32 s1, $0xD;
	s1 =	sshrl.u32 s1, $0x2  }
0xb8: {  	s3 =	sand.u32 $0x4000, s31;
	s1 =	sadd.s32 s1, s30  }
0xb9: {  	s0 =	sor.u32 s3, s0;
	s1 =	sshll.u32 s1, $0x11  }
0xba: {  	s0 =	sor.u32 s1, s0  }
0xbb: {  	s0 =	sadd.s32 $0x8F2B, s0  }
0xbc: {  	[sflag:s0] =	ssyncadd.remote.s32 $0x1  }
0xbd: {  	_ =	sfence.sel $0xFFFF  }
0xbe: {  	[dreg:$0x0] =	wrdreg $0xFFFFFFFF;
	(pc) =	sbr.abs _section_cstart, $3  }
0xbf: {  	[dreg:$0x1] =	wrdreg $0xFFFFFFFF  }
0xc0: {  	_ =	task.clear_ibuf [dreg:s6], $0x2FFFF;
	_ =	strace $0x9FFFFFFF  }
0xc1: {  	(tm) =	ssettm $0x7FFFFFFF  }
tec
execute0_lowered:
.L_overlay_start_1:
0x0: {  	(tag) =	ssettag $0x1  }
0x1: {  	s0 =	rddreg [dreg:$0x0];
	s1 =	srdreg.scid;
	s2 =	simm.s32 $0x0  }
0x2: {  	s31 =	stileid.u32;
	s12 =	simm.s32 $0x80;
	s13 =	simm.s32 $0x400  }
0x3: {  	s14 =	simm.s32 $0x1A400;
	s15 =	simm.s32 $0x1A600;
	s16 =	simm.s32 $0xA400  }
0x4: {  	s17 =	simm.s32 $0x1A480;
	s18 =	simm.s32 $0xE400;
	s19 =	simm.s32 $0x1A500  }
0x5: {  	s20 =	simm.s32 $0x12400;
	s21 =	simm.s32 $0x1A580;
	s22 =	simm.s32 $0x16400  }
0x6: {  	s23 =	simm.s32 $0x1;
	s24 =	simm.s32 $0x0;
	s6 =	sand.u32 $0x1, s1  }
0x7: {  	[smem:$0x7FF] =	sst s2;
	s4 =	sshll.u32 s31, $0x7;
	s3 =	sshll.u32 s6, $0x4  }
0x8: {  	s5 =	sadd.s32 $0x104800, s0;
	_ =	strace $0x8000004A;
	s7 =	sor.u32 s31, s3  }
0x9: {  	s9 =	sand.u32 $0x380, s4;
	s4 =	sadd.s32 $0x5C800, s0;
	s8 =	sshrl.u32 s7, $0x3  }
0xa: {  	s6 =	ssub.s32 $0x2, s6;
	s7 =	smul.u32 $0x1400, s7;
	s10 =	sshll.u32 s8, $0xA  }
.Ltmp0:
0xb: {  	s3 =	sadd.s32 $0x3600, s0;
	s10 =	sor.u32 s9, s10;
	(pc) =	sbr.rel .LBB2_1-.Ltmp0, $4  }
0xc: {  	s11 =	sshrl.u32 s6, $0x1;
	s8 =	smul.u32 $0x150000, s8;
	s10 =	sshrl.u32 s10, $0x3  }
0xd: {  	s11 =	ssub.s32 s6, s11;
	s10 =	sadd.s32 s10, s0;
	s0 =	sadd.s32 s7, s0  }
0xe: {  	s7 =	sor.u32 s9, s8;
	s9 =	smax.u32 s11, $0x1;
	s11 =	simm.s32 $0x2  }
0xf: {  	v0 =	vimm.s32 $0x0;
	v1 =	vlaneseq.u32;
	s6 =	sadd.s32 $0x1AC800, s10;
	s8 =	sadd.s32 $0x2A800, s0;
	s10 =	simm.s32 $0x1A800  }
.LBB2_9:
0x10: {  	s24 =	sadd.s32 $0x1, s24  }
0x11: {  	p0 =	sne.s32 s24, s9  }
.Ltmp1:
0x12: {  	_ = 	snop;
	(pc) =	sbr.rel @!p0 .LBB2_10-.Ltmp1, $4  }
0x13: {  	[hbm4b:s8+s2] =	stream.linear.scatter [tilespmem:s2], [sflag:$0x2], $0xA000, $0x38;
	[tilespmem:$0x1A880] =	vst v63  }
0x14: {  	_ =	swait.ge [sflag:s11], $0xA000  }
0x15: {  	[sflag:s11] =	ssyncset.done $0x0  }
0x16: {  	[sflag:s11] =	ssyncadd.s32 $0xFFFF6000  }
.LBB2_1:
0x17: {  	s0 =	simm.s32 $0x0;
	s25 =	simm.s32 $0x200  }
.LBB2_2:
0x18: {  	p0 =	sne.s32 s25, $0x28000;
	[tilespmem:s0+$0x70] =	vst v0  }
0x19: {  	[tilespmem:s0+$0x0] =	vst v0  }
0x1a: {  	[tilespmem:s0+$0x10] =	vst v0  }
.Ltmp2:
0x1b: {  	[tilespmem:s0+$0x20] =	vst v0;
	(pc) =	sbr.rel @p0 .LBB2_2-.Ltmp2, $4  }
0x1c: {  	[tilespmem:s0+$0x30] =	vst v0  }
0x1d: {  	[tilespmem:s0+$0x40] =	vst v0  }
0x1e: {  	[tilespmem:s0+$0x50] =	vst v0  }
0x1f: {  	[tilespmem:s0+$0x60] =	vst v0;
	s0 =	sshra.s32 s25, $0x2;
	s25 =	sadd.s32 $0x200, s25  }
0x20: {  	[tilespmem:s0+$0x70] =	vst v0  }
0x21: {  	[tilespmem:s0+$0x0] =	vst v0  }
0x22: {  	[tilespmem:s0+$0x10] =	vst v0  }
0x23: {  	[tilespmem:s0+$0x20] =	vst v0  }
0x24: {  	[tilespmem:s0+$0x30] =	vst v0  }
0x25: {  	[tilespmem:s0+$0x40] =	vst v0  }
0x26: {  	[tilespmem:s0+$0x50] =	vst v0  }
0x27: {  	[tilespmem:s0+$0x60] =	vst v0;
	s25 =	simm.s32 $0x0  }
0x28: {  	[tilespmem:s10], [sflag:$0x2] =	stream.linear.gather [hbm4b:s6+s25], $0x80, $0x38;
	[tilespmem:$0x1A880] =	vst v63  }
0x29: {  	_ =	swait.ge [sflag:s11], $0x80  }
0x2a: {  	[sflag:s11] =	ssyncset.done $0x0  }
0x2b: {  	[sflag:s11] =	ssyncadd.s32 $0xFFFFFF80  }
0x2c: {  	v2 =	vld [tilespmem:$0x1A800];
	_ =	sdelay $0x4  }
0x2d: {  	v2 =	vxor.u32 $0x80000000, v2  }
0x2e: {  	(xrf0) =	vmax.scan.msk.u32 $0xffff, v2;
	_ =	sdelay $0x5  }
0x2f: {  	v2, _, _ =	vpop (xrf0)  }
0x30: {  	(v2sf) =	vpush v2, $0xF;
	_ =	sdelay $0xe  }
0x31: {  	s31 =	spop (v2sf)  }
0x32: {  	s26 =	sxor.u32 $0x80000000, s31  }
0x33: {  	p0 =	slt.s32 s26, $0x1  }
.Ltmp3:
0x34: {  	_ = 	snop;
	(pc) =	sbr.rel @p0 .LBB2_9-.Ltmp3, $1  }
0x35: {  	_ =	sdelay $0x3  }
.LBB2_4:
0x36: {  	s0 =	sshll.u32 s25, $0xC  }
0x37: {  	s0 =	sadd.s32 s7, s0  }
0x38: {  	s0 =	sshrl.u32 s0, $0x3  }
0x39: {  	s28 =	sadd.s32 s4, s0  }
0x3a: {  	[tilespmem:s14], [sflag:$0x2] =	stream.strided.gather [hbm4b:s28+s12], $0x200, s13, s12, $0x38;
	[tilespmem:$0x1A880] =	vst v63  }
0x3b: {  	_ =	swait.ge [sflag:s11], $0x200  }
0x3c: {  	[sflag:s11] =	ssyncset.done $0x0  }
0x3d: {  	s0 =	sadd.s32 s5, s0;
	[sflag:s11] =	ssyncadd.s32 $0xFFFFFE00  }
0x3e: {  	[tilespmem:s15], [sflag:$0x2] =	stream.strided.gather [hbm4b:s0+s12], $0x200, s13, s12, $0x38;
	[tilespmem:$0x1A880] =	vst v63  }
0x3f: {  	_ =	swait.ge [sflag:s11], $0x200  }
0x40: {  	[sflag:s11] =	ssyncset.done $0x0  }
0x41: {  	[sflag:s11] =	ssyncadd.s32 $0xFFFFFE00  }
0x42: {  	[tilespmem:s16], [sflag:$0x1] =	stream.indirect.gather [hbm4b:s3+s12], $0x80, s14, s12, $0xb8;
	[tilespmem:$0x1A880] =	vst v63  }
0x43: {  	_ = 	snop  }
0x44: {  	[tilespmem:s18], [sflag:$0x1] =	stream.indirect.gather [hbm4b:s3+s12], $0x80, s17, s12, $0xb8;
	[tilespmem:$0x1A880] =	vst v63  }
0x45: {  	_ = 	snop  }
0x46: {  	[tilespmem:s20], [sflag:$0x1] =	stream.indirect.gather [hbm4b:s3+s12], $0x80, s19, s12, $0xb8;
	[tilespmem:$0x1A880] =	vst v63  }
0x47: {  	_ = 	snop  }
0x48: {  	[tilespmem:s22], [sflag:$0x1] =	stream.indirect.gather [hbm4b:s3+s12], $0x80, s21, s12, $0xb8;
	[tilespmem:$0x1A880] =	vst v63  }
0x49: {  	_ =	swait.ge [sflag:s23], $0x4000  }
0x4a: {  	[sflag:s23] =	ssyncset.done $0x0  }
0x4b: {  	[sflag:s23] =	ssyncadd.s32 $0xFFFFC000  }
0x4c: {  	_ =	swait.ge [sflag:s23], $0x4000  }
0x4d: {  	[sflag:s23] =	ssyncset.done $0x0  }
0x4e: {  	[sflag:s23] =	ssyncadd.s32 $0xFFFFC000  }
0x4f: {  	_ =	swait.ge [sflag:s23], $0x4000  }
0x50: {  	[sflag:s23] =	ssyncset.done $0x0  }
0x51: {  	[sflag:s23] =	ssyncadd.s32 $0xFFFFC000  }
0x52: {  	_ =	swait.ge [sflag:s23], $0x4000  }
0x53: {  	[sflag:s23] =	ssyncset.done $0x0  }
0x54: {  	s29 =	simm.s32 $0x0;
	s28 =	simm.s32 $0xA440;
	[sflag:s23] =	ssyncadd.s32 $0xFFFFC000  }
.LBB2_5:
0x55: {  	s0 =	sshll.u32 s29, $0x4  }
0x56: {  	v2 =	vld [tilespmem:s0+$0x1A600];
	_ =	sdelay $0x2  }
0x57: {  	s1 =	simm.s32 $0x0  }
0x58: {  	v3 =	vmov s1  }
0x59: {  	vm0 =	veq.s32 v3, v1;
	v2 =	vxor.u32 $0x80000000, v2  }
0x5a: {  	v3 =	vnsel vm0, $0x80000000, v2  }
0x5b: {  	(xrf0) =	vmax.scan.msk.u32 $0xffff, v3;
	_ =	sdelay $0x5  }
0x5c: {  	v3, _, _ =	vpop (xrf0)  }
0x5d: {  	(v2sf) =	vpush v3, $0xF;
	_ =	sdelay $0xe  }
0x5e: {  	s1 =	spop (v2sf)  }
0x5f: {  	s0 =	sshll.u32 s1, $0x9  }
0x60: {  	v4 =	vld [tilespmem:s28+$0xFFFFFFC0];
	s30 =	sshra.s32 s0, $0x2  }
0x61: {  	v3 =	vld [tilespmem:s30+$0x0];
	_ =	sdelay $0x4  }
0x62: {  	v3 =	vmax.bf16 v3, v4  }
0x63: {  	[tilespmem:s30+$0x0] =	vst v3;
	v3 =	vld [tilespmem:s30+$0x10]  }
0x64: {  	v4 =	vld [tilespmem:s28+$0xFFFFFFD0];
	_ =	sdelay $0x4  }
0x65: {  	v3 =	vmax.bf16 v3, v4  }
0x66: {  	[tilespmem:s30+$0x10] =	vst v3;
	v3 =	vld [tilespmem:s30+$0x20]  }
0x67: {  	v4 =	vld [tilespmem:s28+$0xFFFFFFE0];
	_ =	sdelay $0x4  }
0x68: {  	v3 =	vmax.bf16 v3, v4  }
0x69: {  	[tilespmem:s30+$0x20] =	vst v3;
	v3 =	vld [tilespmem:s30+$0x30]  }
0x6a: {  	v4 =	vld [tilespmem:s28+$0xFFFFFFF0];
	_ =	sdelay $0x4  }
0x6b: {  	s1 =	simm.s32 $0x1;
	v3 =	vmax.bf16 v3, v4  }
0x6c: {  	v4 =	vmov s1;
	[tilespmem:s30+$0x30] =	vst v3;
	v3 =	vld [tilespmem:s30+$0x40]  }
0x6d: {  	s31 =	smov.u32 s28;
	s0 =	simm.s32 $0x2;
	vm0 =	veq.s32 v4, v1;
	v4 =	vld [tilespmem:s28+$0x0]  }
.LBB2_6:
0x6e: {  	p0 =	sne.s32 s0, $0xF;
	v5 =	vnsel vm0, $0x80000000, v2  }
0x6f: {  	(xrf0) =	vmax.scan.msk.u32 $0xffff, v5;
	_ =	sdelay $0x2  }
0x70: {  	v3 =	vmax.bf16 v3, v4  }
0x71: {  	[tilespmem:s30+$0x40] =	vst v3;
	v3 =	vld [tilespmem:s30+$0x50]  }
0x72: {  	v4 =	vld [tilespmem:s31+$0x10]  }
0x73: {  	v5, _, _ =	vpop (xrf0)  }
0x74: {  	(v2sf) =	vpush v5, $0xF;
	_ =	sdelay $0x2  }
0x75: {  	v3 =	vmax.bf16 v3, v4  }
0x76: {  	[tilespmem:s30+$0x50] =	vst v3;
	v3 =	vld [tilespmem:s30+$0x60]  }
0x77: {  	v4 =	vld [tilespmem:s31+$0x20];
	_ =	sdelay $0x4  }
0x78: {  	v3 =	vmax.bf16 v3, v4  }
0x79: {  	[tilespmem:s30+$0x60] =	vst v3;
	v3 =	vld [tilespmem:s30+$0x70]  }
0x7a: {  	v4 =	vld [tilespmem:s31+$0x30];
	_ =	sdelay $0x2  }
0x7b: {  	s1 =	spop (v2sf)  }
0x7c: {  	s1 =	sshll.u32 s1, $0x9  }
0x7d: {  	s1 =	sshra.s32 s1, $0x2;
	v3 =	vmax.bf16 v3, v4  }
0x7e: {  	s31 =	sadd.s32 $0x80, s31;
	v4 =	vld [tilespmem:s1+$0x0];
	[tilespmem:s30+$0x70] =	vst v3;
	s30 =	smov.u32 s1  }
0x7f: {  	v3 =	vld [tilespmem:s31+$0xFFFFFFC0];
	_ =	sdelay $0x4  }
0x80: {  	v3 =	vmax.bf16 v4, v3  }
0x81: {  	[tilespmem:s30+$0x0] =	vst v3;
	v3 =	vld [tilespmem:s30+$0x10]  }
0x82: {  	v4 =	vld [tilespmem:s31+$0xFFFFFFD0];
	_ =	sdelay $0x4  }
0x83: {  	v3 =	vmax.bf16 v3, v4  }
0x84: {  	[tilespmem:s30+$0x10] =	vst v3;
	v3 =	vld [tilespmem:s30+$0x20]  }
0x85: {  	v4 =	vld [tilespmem:s31+$0xFFFFFFE0];
	_ =	sdelay $0x4  }
0x86: {  	v3 =	vmax.bf16 v3, v4  }
0x87: {  	[tilespmem:s30+$0x20] =	vst v3;
	v3 =	vld [tilespmem:s30+$0x30]  }
0x88: {  	v4 =	vld [tilespmem:s31+$0xFFFFFFF0];
	_ =	sdelay $0x2  }
.Ltmp4:
0x89: {  	(pc) =	sbr.rel @p0 .LBB2_6-.Ltmp4, $4  }
0x8a: {  	_ = 	snop  }
0x8b: {  	v3 =	vmax.bf16 v3, v4  }
0x8c: {  	v4 =	vmov s0;
	[tilespmem:s30+$0x30] =	vst v3;
	v3 =	vld [tilespmem:s30+$0x40]  }
0x8d: {  	s0 =	sadd.s32 $0x1, s0;
	vm0 =	veq.s32 v4, v1;
	v4 =	vld [tilespmem:s31+$0x0]  }
0x8e: {  	v2 =	vnsel vm0, $0x80000000, v2  }
0x8f: {  	(xrf0) =	vmax.scan.msk.u32 $0xffff, v2;
	_ =	sdelay $0x2  }
0x90: {  	v2 =	vmax.bf16 v3, v4  }
0x91: {  	[tilespmem:s30+$0x40] =	vst v2;
	v2 =	vld [tilespmem:s30+$0x50]  }
0x92: {  	v3 =	vld [tilespmem:s31+$0x10]  }
0x93: {  	v63, _, _ =	vpop (xrf0)  }
0x94: {  	(v2sf) =	vpush v63, $0xF;
	_ =	sdelay $0x2  }
0x95: {  	v2 =	vmax.bf16 v2, v3  }
0x96: {  	[tilespmem:s30+$0x50] =	vst v2;
	v2 =	vld [tilespmem:s30+$0x60]  }
0x97: {  	v3 =	vld [tilespmem:s31+$0x20];
	_ =	sdelay $0x4  }
0x98: {  	v2 =	vmax.bf16 v2, v3  }
0x99: {  	[tilespmem:s30+$0x60] =	vst v2;
	v2 =	vld [tilespmem:s30+$0x70]  }
0x9a: {  	v3 =	vld [tilespmem:s31+$0x30];
	_ =	sdelay $0x2  }
0x9b: {  	s0 =	spop (v2sf)  }
0x9c: {  	s0 =	sshll.u32 s0, $0x9  }
0x9d: {  	s0 =	sshra.s32 s0, $0x2;
	v2 =	vmax.bf16 v2, v3  }
0x9e: {  	s1 =	sadd.s32 $0x80, s31;
	v3 =	vld [tilespmem:s0+$0x0];
	[tilespmem:s30+$0x70] =	vst v2  }
0x9f: {  	v2 =	vld [tilespmem:s1+$0xFFFFFFC0];
	_ =	sdelay $0x4  }
0xa0: {  	v2 =	vmax.bf16 v3, v2  }
0xa1: {  	[tilespmem:s0+$0x0] =	vst v2;
	v2 =	vld [tilespmem:s0+$0x10]  }
0xa2: {  	v3 =	vld [tilespmem:s1+$0xFFFFFFD0];
	_ =	sdelay $0x4  }
0xa3: {  	v2 =	vmax.bf16 v2, v3  }
0xa4: {  	[tilespmem:s0+$0x10] =	vst v2;
	v2 =	vld [tilespmem:s0+$0x20]  }
0xa5: {  	v3 =	vld [tilespmem:s1+$0xFFFFFFE0];
	_ =	sdelay $0x4  }
0xa6: {  	v2 =	vmax.bf16 v2, v3  }
0xa7: {  	[tilespmem:s0+$0x20] =	vst v2;
	v2 =	vld [tilespmem:s0+$0x30]  }
0xa8: {  	v3 =	vld [tilespmem:s1+$0xFFFFFFF0];
	_ =	sdelay $0x4  }
0xa9: {  	v2 =	vmax.bf16 v2, v3  }
0xaa: {  	[tilespmem:s0+$0x30] =	vst v2;
	v2 =	vld [tilespmem:s0+$0x40]  }
0xab: {  	v3 =	vld [tilespmem:s1+$0x0];
	_ =	sdelay $0x4  }
0xac: {  	v2 =	vmax.bf16 v2, v3  }
0xad: {  	[tilespmem:s0+$0x40] =	vst v2;
	v2 =	vld [tilespmem:s0+$0x50]  }
0xae: {  	v3 =	vld [tilespmem:s1+$0x10];
	_ =	sdelay $0x4  }
0xaf: {  	v2 =	vmax.bf16 v2, v3  }
0xb0: {  	[tilespmem:s0+$0x50] =	vst v2;
	v2 =	vld [tilespmem:s0+$0x60]  }
0xb1: {  	v3 =	vld [tilespmem:s1+$0x20];
	_ =	sdelay $0x4  }
0xb2: {  	v2 =	vmax.bf16 v2, v3  }
0xb3: {  	[tilespmem:s0+$0x60] =	vst v2;
	v2 =	vld [tilespmem:s0+$0x70]  }
0xb4: {  	s29 =	sadd.s32 $0x1, s29;
	v3 =	vld [tilespmem:s1+$0x30]  }
0xb5: {  	p0 =	sne.s32 s29, $0x20  }
.Ltmp5:
0xb6: {  	_ = 	snop;
	(pc) =	sbr.rel @p0 .LBB2_5-.Ltmp5, $3  }
0xb7: {  	_ =	sdelay $0x1  }
0xb8: {  	v2 =	vmax.bf16 v2, v3  }
0xb9: {  	s28 =	sadd.s32 $0x800, s28;
	[tilespmem:s0+$0x70] =	vst v2  }
0xba: {  	s25 =	sadd.s32 $0x1, s25  }
0xbb: {  	p0 =	sne.s32 s25, s26  }
.Ltmp6:
0xbc: {  	_ = 	snop;
	(pc) =	sbr.rel @p0 .LBB2_4-.Ltmp6, $4  }
.Ltmp7:
0xbd: {  	_ = 	snop;
	(pc) =	sbr.rel @!p0 .LBB2_9-.Ltmp7, $4  }
0xbe: {  	_ = 	snop  }
0xbf: {  	_ = 	snop  }
0xc0: {  	_ = 	snop  }
0xc1: {  	_ = 	snop  }
.LBB2_10:
0xc2: {  	_ =	sfence.sel $0x180000  }
0xc3: {  	[bflag:$0x0] =	sbarrier.arrive $0xFFFF  }
0xc4: {  	_ =	strace $0x9000004A  }
0xc5: {  	s0 =	stileid.u32;
	[bflag:$0x2] =	sbarrier.arrive $0xFFFF  }
0xc6: {  	p0 =	sne.s32 s0, $0x0;
	s0 =	rddreg [dreg:$0x1]  }
0xc7: {  	s0 =	sadd.s32 @!p0 $0x100000, s0  }
0xc8: {  	[sflag:s0] =	ssyncadd.tile.s32 @!p0 $0x1;
	_ =	shalt  }
.Lfunc_end2:
_tile_overlayer_lowered:
.L_overlay_start_2:
0xc9: {  	(tag) =	ssettag $0x2  }
0xca: {  	s0 =	rddreg [dreg:$0x0];
	s2 =	stileid.u32  }
0xcb: {  	s1 =	rddreg [dreg:$0x1];
	p0 =	sne.s32 s2, $0x0  }
0xcc: {  	s3 =	rddreg [dreg:$0x2];
	[bflag:$0x3] =	sbarrier.arrive $0xFFFF;
	s2 =	simm.s32 @!p0 $0x1C02  }
0xcd: {  	[timem:s3], [sflag:s2] =	dma.local @!p0 [hbm:s0], s1  }
0xce: {  	s0 =	simm.s32 @!p0 $0x2  }
0xcf: {  	_ =	swait.ge @!p0 [sflag:s0], s1  }
0xd0: {  	s1 =	ssub.s32 @!p0 $0x0, s1;
	[sflag:s0] =	ssyncset.done @!p0 $0x0  }
0xd1: {  	[sflag:s0] =	ssyncadd.s32 @!p0 s1  }
0xd2: {  	[bflag:$0x3] =	sbarrier.arrive $0xFFFF  }
0xd3: {  	_ =	shalt  }

</sc_bundles>
